<compile_context>
chip_gen: v7x
topology: tpu7x:2x2x1
jax: 0.10.2.dev20260603
libtpu: 0.0.44.dev20260713+nightly
codegen_flags: <defaults>
</compile_context>

<pallas_src>
import functools

import jax
import jax.numpy as jnp
from jax import lax
from jax.experimental import pallas as pl
from jax.experimental.pallas import tpu as pltpu
from jax.experimental.pallas import tpu_sc as plsc

DIM = 17
TBL = DIM ** 4
CHUNK = 2048
SUB = 128
NSUB = CHUNK // SUB
NGRP = SUB // 16
PX_PER_TILE = 65536
NCHUNK = PX_PER_TILE // CHUNK
OFF = (0, DIM ** 2, DIM ** 3, DIM ** 3 + DIM ** 2)


def _build_table(LUT):
    lutT = jnp.transpose(LUT[0], (1, 2, 3, 4, 0))
    Xp = jnp.pad(lutT, ((0, 0), (0, 0), (0, 1), (0, 1), (0, 0)))
    rows = jnp.stack(
        [Xp[:, :, (n & 1):(n & 1) + DIM, (n >> 1):(n >> 1) + DIM]
         for n in range(4)],
        axis=4)
    return rows.reshape(TBL, 16)


def kernel(x, LUT):
    B, C, H, W = x.shape
    xr = x.reshape(B, C, H * W)
    table = _build_table(LUT)
    info = plsc.get_sparse_core_info()
    NC = info.num_cores

    mesh = plsc.VectorSubcoreMesh(core_axis_name="c", subcore_axis_name="s")

    @functools.partial(
        pl.kernel,
        mesh=mesh,
        out_type=jax.ShapeDtypeStruct((B, C, H * W), jnp.float32),
        scratch_types=[
            pltpu.VMEM((4, CHUNK), jnp.float32),
            pltpu.VMEM((4, CHUNK), jnp.float32),
            pltpu.VMEM((2, CHUNK), jnp.float32),
            pltpu.VMEM((CHUNK * 16,), jnp.float32),
            pltpu.VMEM((NSUB, 4, SUB), jnp.int32),
            pltpu.VMEM((2, SUB * 4, 16), jnp.float32),
            pltpu.VMEM((CHUNK * 4,), jnp.float32),
            pltpu.SemaphoreType.DMA,
            pltpu.SemaphoreType.DMA,
            pltpu.SemaphoreType.DMA,
        ],
        compiler_params=pltpu.CompilerParams(
            needs_layout_passes=False, use_tc_tiling_on_sc=False),
    )
    def sc_kernel(x_hbm, tbl_hbm, out_hbm, xbuf, outbuf, dbuf, wbuf, idxbuf,
                  rowbuf, aosbuf, semx, semg0, semg1):
        wid = lax.axis_index("s") * NC + lax.axis_index("c")
        b = wid // 4
        base = (wid % 4) * PX_PER_TILE
        iota = lax.iota(jnp.int32, 16)
        rot4 = (iota + 4) & 15
        rot8 = (iota + 8) & 15
        m4 = iota < 4
        iota16 = iota * 16

        def fire(j, p, sem):
            for m in range(4):
                pltpu.async_copy(tbl_hbm.at[idxbuf.at[j, m]],
                                 rowbuf.at[p, pl.ds(m * SUB, SUB)], sem)

        def drain(p, sem):
            pltpu.make_async_copy(tbl_hbm.at[idxbuf.at[0, 0]], rowbuf.at[p],
                                  sem).wait()

        def compute_sub(j, p):
            def grp_body(k, _):
                qv = j * SUB + k * 16
                dv0 = dbuf[0, pl.ds(qv, 16)]
                dv1 = dbuf[1, pl.ds(qv, 16)]
                ao = qv * 4 + iota
                w0 = qv * 16

                @plsc.parallel_loop(0, 16, unroll=4)
                def px_body(pix):
                    r = k * 16 + pix
                    v0 = rowbuf[p, r, :]
                    v1 = rowbuf[p, SUB + r, :]
                    v2 = rowbuf[p, 2 * SUB + r, :]
                    v3 = rowbuf[p, 3 * SUB + r, :]
                    bidx = jnp.full((16,), pix, jnp.int32)
                    d0 = jnp.take(dv0, bidx, mode="wrap")
                    d1 = jnp.take(dv1, bidx, mode="wrap")
                    wrow = wbuf[pl.ds(w0 + pix * 16, 16)]
                    a0 = v0 + (v1 - v0) * d1
                    a1 = v2 + (v3 - v2) * d1
                    s = (a0 + (a1 - a0) * d0) * wrow
                    s = s + jnp.take(s, rot8, mode="wrap")
                    s = s + jnp.take(s, rot4, mode="wrap")
                    plsc.store_scatter(aosbuf, [ao + pix * 4], s, mask=m4)
                return _
            lax.fori_loop(0, NGRP, grp_body, None)

        def chunk_body(g, _):
            start = base + g * CHUNK
            xd = [pltpu.async_copy(x_hbm.at[b, c, pl.ds(start, CHUNK)],
                                   xbuf.at[c], semx) for c in range(4)]
            for dsc in xd:
                dsc.wait()

            def idx_body(j, _):
                @plsc.parallel_loop(0, NGRP, unroll=2)
                def grp_body(k):
                    q = j * SUB + k * 16
                    idx = None
                    dd = []
                    for c in range(4):
                        xv = xbuf[c, pl.ds(q, 16)]
                        xv = jnp.minimum(jnp.maximum(xv, 0.0), 1.0)
                        posv = xv * jnp.float32(DIM - 1)
                        fi = jnp.minimum(posv.astype(jnp.int32), DIM - 2)
                        dd.append(posv - fi.astype(jnp.float32))
                        idx = fi if idx is None else idx * DIM + fi
                    dbuf[0, pl.ds(q, 16)] = dd[0]
                    dbuf[1, pl.ds(q, 16)] = dd[1]
                    for m in range(4):
                        idxbuf[j, m, pl.ds(k * 16, 16)] = idx + OFF[m]
                    e2, d2v, e3, d3v = 1.0 - dd[2], dd[2], 1.0 - dd[3], dd[3]
                    q00 = e2 * e3
                    q10 = d2v * e3
                    q01 = e2 * d3v
                    q11 = d2v * d3v
                    qs = (q00, q10, q01, q11)
                    wo = q * 16 + iota16
                    for ln in range(16):
                        wv = qs[((ln >> 2) & 1) + 2 * ((ln >> 3) & 1)]
                        plsc.store_scatter(wbuf, [wo + ln], wv)
                return _
            lax.fori_loop(0, NSUB, idx_body, None)

            fire(0, 0, semg0)

            def pair_body(t, _):
                j0 = 2 * t
                fire(j0 + 1, 1, semg1)
                drain(0, semg0)
                compute_sub(j0, 0)
                fire(j0 + 2, 0, semg0)
                drain(1, semg1)
                compute_sub(j0 + 1, 1)
                return _
            lax.fori_loop(0, NSUB // 2 - 1, pair_body, None)
            fire(NSUB - 1, 1, semg1)
            drain(0, semg0)
            compute_sub(NSUB - 2, 0)
            drain(1, semg1)
            compute_sub(NSUB - 1, 1)

            @plsc.parallel_loop(0, CHUNK // 16, unroll=2)
            def tr_body(k):
                addr = (k * 16 + iota) * 4
                for c in range(4):
                    outbuf[c, pl.ds(k * 16, 16)] = plsc.load_gather(
                        aosbuf, [addr + c])

            for c in range(4):
                pltpu.sync_copy(outbuf.at[c],
                                out_hbm.at[b, c, pl.ds(start, CHUNK)])
            return _
        lax.fori_loop(0, NCHUNK, chunk_body, None)

    out = sc_kernel(xr, table)
    return out.reshape(B, C, H, W)

# --- scband reference (transcript-rebuilt; emitter-appended) ---
"""Pipeline reference for scband-generator4-dlut-identity-32693291057271 (READ-ONLY COPY).

The authoritative reference and input builder live on the scoring server;
editing this copy changes nothing except your own understanding.
"""

import jax, jax.numpy as jnp
import numpy as np

DIM = 17

def _identity_lut(dim):
    g = jnp.arange(dim, dtype=jnp.float32) / (dim - 1)
    I, J, K, L = jnp.meshgrid(g, g, g, g, indexing='ij')
    # buffer[c, i, j, k, l] = normalized coordinate of axis c (identity 4D LUT)
    return jnp.stack([I, J, K, L], axis=0)[None]  # [1, 4, dim, dim, dim, dim]

def setup_inputs(seed: int = 0) -> dict:
    key = jax.random.key(seed)
    x = jax.random.uniform(jax.random.fold_in(key, 0), (8, 4, 512, 512), dtype=jnp.float32)
    LUT = _identity_lut(DIM)
    return {"x": x, "LUT": LUT}

def reference(x, LUT):
    # Quadrilinear (4D) LUT interpolation, faithful to IF4DLUT_transform semantics:
    # each pixel's 4 channel values in [0,1] index into a dim^4 lattice; output is
    # the 16-corner quadrilinear interpolation of the 4-vector stored in the LUT.
    dim = LUT.shape[2]
    lut_flat = LUT[0].reshape(4, -1)  # [4, dim^4]
    xc = jnp.clip(x, 0.0, 1.0)
    pos = xc * (dim - 1)                                  # [B,4,H,W]
    id0 = jnp.clip(jnp.floor(pos).astype(jnp.int32), 0, dim - 2)
    d = pos - id0.astype(x.dtype)                         # fractional offsets [B,4,H,W]
    out = jnp.zeros_like(x)
    for corner in range(16):
        bits = [(corner >> s) & 1 for s in range(4)]
        idx = jnp.zeros(x.shape[:1] + x.shape[2:], dtype=jnp.int32)
        w = jnp.ones(x.shape[:1] + x.shape[2:], dtype=x.dtype)
        for ch in range(4):
            ic = id0[:, ch] + bits[ch]
            idx = idx * dim + ic
            w = w * (d[:, ch] if bits[ch] else (1.0 - d[:, ch]))
        g = jnp.take(lut_flat, idx, axis=1)               # [4, B, H, W]
        out = out + w[:, None] * jnp.moveaxis(g, 0, 1)    # [B, 4, H, W]
    return out

if __name__ == "__main__":
    import jax
    _d = setup_inputs()
    print(jax.jit(kernel)(*tuple(_d.values())))

</pallas_src>

<mosaic_0001>
#map = affine_map<(d0, d1) -> (0, 0, 0)>
#map1 = affine_map<(d0, d1) -> (0, 0)>
module attributes {stable_mosaic.version = 14 : i64} {
  func.func @sc_kernel(%arg0: i32, %arg1: i32, %arg2: memref<8x4x262144xf32, #tpu.memory_space<hbm>>, %arg3: memref<83521x16xf32, #tpu.memory_space<hbm>>, %arg4: memref<8x4x262144xf32, #tpu.memory_space<hbm>>, %arg5: memref<4x2048xf32, #tpu.memory_space<vmem>>, %arg6: memref<4x2048xf32, #tpu.memory_space<vmem>>, %arg7: memref<2x2048xf32, #tpu.memory_space<vmem>>, %arg8: memref<32768xf32, #tpu.memory_space<vmem>>, %arg9: memref<16x4x128xi32, #tpu.memory_space<vmem>>, %arg10: memref<2x512x16xf32, #tpu.memory_space<vmem>>, %arg11: memref<8192xf32, #tpu.memory_space<vmem>>, %arg12: memref<!tpu.dma_semaphore, #tpu.memory_space<semaphore_mem>>, %arg13: memref<!tpu.dma_semaphore, #tpu.memory_space<semaphore_mem>>, %arg14: memref<!tpu.dma_semaphore, #tpu.memory_space<semaphore_mem>>) attributes {dimension_semantics = [#tpu.dimension_semantics<core_parallel>, #tpu.dimension_semantics<subcore_parallel>], iteration_bounds = array<i64: 2, 16>, scalar_prefetch = 0 : i64, scratch_operands = 10 : i64, tpu.core_type = #tpu.core_type<sc_vector_subcore>, window_params = [{transform_indices = #map}, {transform_indices = #map1}, {transform_indices = #map}]} {
    %mul3A = arith.constant 2 : i32
    %mul3A_0 = arith.muli %arg1, %mul3A : i32
    %add3A = arith.addi %mul3A_0, %arg0 : i32
    %jit3A = arith.constant 4 : i32
    %div3A = arith.divsi %add3A, %jit3A : i32
    %sign3A = arith.constant 0 : i32
    %sign3A_1 = arith.cmpi sgt, %add3A, %sign3A : i32
    %sign3A_2 = arith.extui %sign3A_1 : i1 to i32
    %sign3A_3 = arith.constant 0 : i32
    %sign3A_4 = arith.cmpi slt, %add3A, %sign3A_3 : i32
    %sign3A_5 = arith.extui %sign3A_4 : i1 to i32
    %sign3A_6 = arith.subi %sign3A_2, %sign3A_5 : i32
    %sign3A_7 = arith.constant 0 : i32
    %sign3A_8 = arith.cmpi sgt, %jit3A, %sign3A_7 : i32
    %sign3A_9 = arith.extui %sign3A_8 : i1 to i32
    %sign3A_10 = arith.constant 0 : i32
    %sign3A_11 = arith.cmpi slt, %jit3A, %sign3A_10 : i32
    %sign3A_12 = arith.extui %sign3A_11 : i1 to i32
    %sign3A_13 = arith.subi %sign3A_9, %sign3A_12 : i32
    %ne3A = arith.cmpi ne, %sign3A_6, %sign3A_13 : i32
    %rem3A = arith.remsi %add3A, %jit3A : i32
    %ne3A_14 = arith.constant 0 : i32
    %ne3A_15 = arith.cmpi ne, %rem3A, %ne3A_14 : i32
    %and3A = arith.andi %ne3A, %ne3A_15 : i1
    %sub3A = arith.constant 1 : i32
    %sub3A_16 = arith.subi %div3A, %sub3A : i32
    %select_n3A = arith.select %and3A, %sub3A_16, %div3A : i32
    %jit3A_17 = arith.constant 4 : i32
    %eq3A = arith.constant 0 : i32
    %eq3A_18 = arith.cmpi eq, %jit3A_17, %eq3A : i32
    %jit3A_19 = arith.constant 1 : i32
    %select_n3A_20 = arith.select %eq3A_18, %jit3A_19, %jit3A_17 : i32
    %rem3A_21 = arith.remsi %add3A, %select_n3A_20 : i32
    %ne3A_22 = arith.constant 0 : i32
    %ne3A_23 = arith.cmpi ne, %rem3A_21, %ne3A_22 : i32
    %lt3A = arith.constant 0 : i32
    %lt3A_24 = arith.cmpi slt, %rem3A_21, %lt3A : i32
    %lt3A_25 = arith.constant 0 : i32
    %lt3A_26 = arith.cmpi slt, %select_n3A_20, %lt3A_25 : i32
    %ne3A_27 = arith.xori %lt3A_24, %lt3A_26 : i1
    %and3A_28 = arith.andi %ne3A_27, %ne3A_23 : i1
    %add3A_29 = arith.addi %rem3A_21, %select_n3A_20 : i32
    %select_n3A_30 = arith.select %and3A_28, %add3A_29, %rem3A_21 : i32
    %mul3A_31 = arith.constant 65536 : i32
    %mul3A_32 = arith.muli %select_n3A_30, %mul3A_31 : i32
    %iota3A = tpu.iota {dimensions = array<i32: 0>} : vector<16xi32>
    %add3A_33 = arith.constant 4 : i32
    %add3A_34 = vector.broadcast %add3A_33 : i32 to vector<16xi32>
    %add3A_35 = arith.addi %iota3A, %add3A_34 : vector<16xi32>
    %and3A_36 = arith.constant 15 : i32
    %and3A_37 = vector.broadcast %and3A_36 : i32 to vector<16xi32>
    %and3A_38 = arith.andi %add3A_35, %and3A_37 : vector<16xi32>
    %add3A_39 = arith.constant 8 : i32
    %add3A_40 = vector.broadcast %add3A_39 : i32 to vector<16xi32>
    %add3A_41 = arith.addi %iota3A, %add3A_40 : vector<16xi32>
    %and3A_42 = arith.constant 15 : i32
    %and3A_43 = vector.broadcast %and3A_42 : i32 to vector<16xi32>
    %and3A_44 = arith.andi %add3A_41, %and3A_43 : vector<16xi32>
    %lt3A_45 = arith.constant 4 : i32
    %lt3A_46 = vector.broadcast %lt3A_45 : i32 to vector<16xi32>
    %lt3A_47 = arith.cmpi slt, %iota3A, %lt3A_46 : vector<16xi32>
    %mul3A_48 = arith.constant 16 : i32
    %mul3A_49 = vector.broadcast %mul3A_48 : i32 to vector<16xi32>
    %mul3A_50 = arith.muli %iota3A, %mul3A_49 : vector<16xi32>
    %scan3A = arith.constant 0 : i32
    %scan3A_51 = arith.constant 32 : i32
    %scan3A_52 = arith.addi %scan3A, %scan3A_51 : i32
    %scan3A_53 = arith.constant 1 : i32
    scf.for %scan3A_55 = %scan3A to %scan3A_52 step %scan3A_53  : i32 {
      %mul3A_56 = arith.constant 2048 : i32
      %mul3A_57 = arith.muli %scan3A_55, %mul3A_56 : i32
      %add3A_58 = arith.addi %mul3A_32, %mul3A_57 : i32
      %dma_start3A = arith.constant 0 : i32
      %dma_start3A_59 = arith.constant 0 : i32
      %dma_start3A_60 = arith.constant 0 : i32
      %dma_start3A_61 = tpu.memref_slice %arg5[%dma_start3A_59, %dma_start3A_60] : memref<4x2048xf32, #tpu.memory_space<vmem>> -> memref<1x2048xf32, #tpu.memory_space<vmem>>
      %dma_start3A_62 = tpu.memref_squeeze %dma_start3A_61 : memref<1x2048xf32, #tpu.memory_space<vmem>> -> memref<2048xf32, #tpu.memory_space<vmem>>
      %dma_start3A_63 = tpu.memref_slice %arg2[%select_n3A, %dma_start3A, %add3A_58] : memref<8x4x262144xf32, #tpu.memory_space<hbm>> -> memref<1x1x2048xf32, #tpu.memory_space<hbm>>
      %dma_start3A_64 = tpu.memref_squeeze %dma_start3A_63 : memref<1x1x2048xf32, #tpu.memory_space<hbm>> -> memref<2048xf32, #tpu.memory_space<hbm>>
      %dma_start3A_65 = arith.constant 0 : i32
      %dma_start3A_66 = tpu.memref_slice %arg5[%dma_start3A_59, %dma_start3A_65] : memref<4x2048xf32, #tpu.memory_space<vmem>> -> memref<1x2048xf32, #tpu.memory_space<vmem>>
      %dma_start3A_67 = tpu.memref_squeeze %dma_start3A_66 : memref<1x2048xf32, #tpu.memory_space<vmem>> -> memref<2048xf32, #tpu.memory_space<vmem>>
      %dma_start3A_68 = tpu.memref_slice %arg2[%select_n3A, %dma_start3A, %add3A_58] : memref<8x4x262144xf32, #tpu.memory_space<hbm>> -> memref<1x1x2048xf32, #tpu.memory_space<hbm>>
      %dma_start3A_69 = tpu.memref_squeeze %dma_start3A_68 : memref<1x1x2048xf32, #tpu.memory_space<hbm>> -> memref<2048xf32, #tpu.memory_space<hbm>>
      tpu.enqueue_dma source(%dma_start3A_69 : memref<2048xf32, #tpu.memory_space<hbm>>) target(%dma_start3A_67 : memref<2048xf32, #tpu.memory_space<vmem>>) target_semaphore(%arg12 : memref<!tpu.dma_semaphore, #tpu.memory_space<semaphore_mem>>)
      %dma_start3A_70 = arith.constant 1 : i32
      %dma_start3A_71 = arith.constant 1 : i32
      %dma_start3A_72 = arith.constant 0 : i32
      %dma_start3A_73 = tpu.memref_slice %arg5[%dma_start3A_71, %dma_start3A_72] : memref<4x2048xf32, #tpu.memory_space<vmem>> -> memref<1x2048xf32, #tpu.memory_space<vmem>>
      %dma_start3A_74 = tpu.memref_squeeze %dma_start3A_73 : memref<1x2048xf32, #tpu.memory_space<vmem>> -> memref<2048xf32, #tpu.memory_space<vmem>>
      %dma_start3A_75 = tpu.memref_slice %arg2[%select_n3A, %dma_start3A_70, %add3A_58] : memref<8x4x262144xf32, #tpu.memory_space<hbm>> -> memref<1x1x2048xf32, #tpu.memory_space<hbm>>
      %dma_start3A_76 = tpu.memref_squeeze %dma_start3A_75 : memref<1x1x2048xf32, #tpu.memory_space<hbm>> -> memref<2048xf32, #tpu.memory_space<hbm>>
      %dma_start3A_77 = arith.constant 0 : i32
      %dma_start3A_78 = tpu.memref_slice %arg5[%dma_start3A_71, %dma_start3A_77] : memref<4x2048xf32, #tpu.memory_space<vmem>> -> memref<1x2048xf32, #tpu.memory_space<vmem>>
      %dma_start3A_79 = tpu.memref_squeeze %dma_start3A_78 : memref<1x2048xf32, #tpu.memory_space<vmem>> -> memref<2048xf32, #tpu.memory_space<vmem>>
      %dma_start3A_80 = tpu.memref_slice %arg2[%select_n3A, %dma_start3A_70, %add3A_58] : memref<8x4x262144xf32, #tpu.memory_space<hbm>> -> memref<1x1x2048xf32, #tpu.memory_space<hbm>>
      %dma_start3A_81 = tpu.memref_squeeze %dma_start3A_80 : memref<1x1x2048xf32, #tpu.memory_space<hbm>> -> memref<2048xf32, #tpu.memory_space<hbm>>
      tpu.enqueue_dma source(%dma_start3A_81 : memref<2048xf32, #tpu.memory_space<hbm>>) target(%dma_start3A_79 : memref<2048xf32, #tpu.memory_space<vmem>>) target_semaphore(%arg12 : memref<!tpu.dma_semaphore, #tpu.memory_space<semaphore_mem>>)
      %dma_start3A_82 = arith.constant 2 : i32
      %dma_start3A_83 = arith.constant 2 : i32
      %dma_start3A_84 = arith.constant 0 : i32
      %dma_start3A_85 = tpu.memref_slice %arg5[%dma_start3A_83, %dma_start3A_84] : memref<4x2048xf32, #tpu.memory_space<vmem>> -> memref<1x2048xf32, #tpu.memory_space<vmem>>
      %dma_start3A_86 = tpu.memref_squeeze %dma_start3A_85 : memref<1x2048xf32, #tpu.memory_space<vmem>> -> memref<2048xf32, #tpu.memory_space<vmem>>
      %dma_start3A_87 = tpu.memref_slice %arg2[%select_n3A, %dma_start3A_82, %add3A_58] : memref<8x4x262144xf32, #tpu.memory_space<hbm>> -> memref<1x1x2048xf32, #tpu.memory_space<hbm>>
      %dma_start3A_88 = tpu.memref_squeeze %dma_start3A_87 : memref<1x1x2048xf32, #tpu.memory_space<hbm>> -> memref<2048xf32, #tpu.memory_space<hbm>>
      %dma_start3A_89 = arith.constant 0 : i32
      %dma_start3A_90 = tpu.memref_slice %arg5[%dma_start3A_83, %dma_start3A_89] : memref<4x2048xf32, #tpu.memory_space<vmem>> -> memref<1x2048xf32, #tpu.memory_space<vmem>>
      %dma_start3A_91 = tpu.memref_squeeze %dma_start3A_90 : memref<1x2048xf32, #tpu.memory_space<vmem>> -> memref<2048xf32, #tpu.memory_space<vmem>>
      %dma_start3A_92 = tpu.memref_slice %arg2[%select_n3A, %dma_start3A_82, %add3A_58] : memref<8x4x262144xf32, #tpu.memory_space<hbm>> -> memref<1x1x2048xf32, #tpu.memory_space<hbm>>
      %dma_start3A_93 = tpu.memref_squeeze %dma_start3A_92 : memref<1x1x2048xf32, #tpu.memory_space<hbm>> -> memref<2048xf32, #tpu.memory_space<hbm>>
      tpu.enqueue_dma source(%dma_start3A_93 : memref<2048xf32, #tpu.memory_space<hbm>>) target(%dma_start3A_91 : memref<2048xf32, #tpu.memory_space<vmem>>) target_semaphore(%arg12 : memref<!tpu.dma_semaphore, #tpu.memory_space<semaphore_mem>>)
      %dma_start3A_94 = arith.constant 3 : i32
      %dma_start3A_95 = arith.constant 3 : i32
      %dma_start3A_96 = arith.constant 0 : i32
      %dma_start3A_97 = tpu.memref_slice %arg5[%dma_start3A_95, %dma_start3A_96] : memref<4x2048xf32, #tpu.memory_space<vmem>> -> memref<1x2048xf32, #tpu.memory_space<vmem>>
      %dma_start3A_98 = tpu.memref_squeeze %dma_start3A_97 : memref<1x2048xf32, #tpu.memory_space<vmem>> -> memref<2048xf32, #tpu.memory_space<vmem>>
      %dma_start3A_99 = tpu.memref_slice %arg2[%select_n3A, %dma_start3A_94, %add3A_58] : memref<8x4x262144xf32, #tpu.memory_space<hbm>> -> memref<1x1x2048xf32, #tpu.memory_space<hbm>>
      %dma_start3A_100 = tpu.memref_squeeze %dma_start3A_99 : memref<1x1x2048xf32, #tpu.memory_space<hbm>> -> memref<2048xf32, #tpu.memory_space<hbm>>
      %dma_start3A_101 = arith.constant 0 : i32
      %dma_start3A_102 = tpu.memref_slice %arg5[%dma_start3A_95, %dma_start3A_101] : memref<4x2048xf32, #tpu.memory_space<vmem>> -> memref<1x2048xf32, #tpu.memory_space<vmem>>
      %dma_start3A_103 = tpu.memref_squeeze %dma_start3A_102 : memref<1x2048xf32, #tpu.memory_space<vmem>> -> memref<2048xf32, #tpu.memory_space<vmem>>
      %dma_start3A_104 = tpu.memref_slice %arg2[%select_n3A, %dma_start3A_94, %add3A_58] : memref<8x4x262144xf32, #tpu.memory_space<hbm>> -> memref<1x1x2048xf32, #tpu.memory_space<hbm>>
      %dma_start3A_105 = tpu.memref_squeeze %dma_start3A_104 : memref<1x1x2048xf32, #tpu.memory_space<hbm>> -> memref<2048xf32, #tpu.memory_space<hbm>>
      tpu.enqueue_dma source(%dma_start3A_105 : memref<2048xf32, #tpu.memory_space<hbm>>) target(%dma_start3A_103 : memref<2048xf32, #tpu.memory_space<vmem>>) target_semaphore(%arg12 : memref<!tpu.dma_semaphore, #tpu.memory_space<semaphore_mem>>)
      %dma_wait3A = arith.constant 0 : i32
      %dma_wait3A_106 = arith.constant 0 : i32
      %dma_wait3A_107 = arith.constant 0 : i32
      %dma_wait3A_108 = tpu.memref_slice %arg5[%dma_wait3A_106, %dma_wait3A_107] : memref<4x2048xf32, #tpu.memory_space<vmem>> -> memref<1x2048xf32, #tpu.memory_space<vmem>>
      %dma_wait3A_109 = tpu.memref_squeeze %dma_wait3A_108 : memref<1x2048xf32, #tpu.memory_space<vmem>> -> memref<2048xf32, #tpu.memory_space<vmem>>
      %dma_wait3A_110 = tpu.memref_slice %arg2[%select_n3A, %dma_wait3A, %add3A_58] : memref<8x4x262144xf32, #tpu.memory_space<hbm>> -> memref<1x1x2048xf32, #tpu.memory_space<hbm>>
      %dma_wait3A_111 = tpu.memref_squeeze %dma_wait3A_110 : memref<1x1x2048xf32, #tpu.memory_space<hbm>> -> memref<2048xf32, #tpu.memory_space<hbm>>
      %dma_wait3A_112 = arith.constant 0 : i32
      %dma_wait3A_113 = tpu.memref_slice %arg5[%dma_wait3A_106, %dma_wait3A_112] : memref<4x2048xf32, #tpu.memory_space<vmem>> -> memref<1x2048xf32, #tpu.memory_space<vmem>>
      %dma_wait3A_114 = tpu.memref_squeeze %dma_wait3A_113 : memref<1x2048xf32, #tpu.memory_space<vmem>> -> memref<2048xf32, #tpu.memory_space<vmem>>
      %dma_wait3A_115 = tpu.memref_slice %arg2[%select_n3A, %dma_wait3A, %add3A_58] : memref<8x4x262144xf32, #tpu.memory_space<hbm>> -> memref<1x1x2048xf32, #tpu.memory_space<hbm>>
      %dma_wait3A_116 = tpu.memref_squeeze %dma_wait3A_115 : memref<1x1x2048xf32, #tpu.memory_space<hbm>> -> memref<2048xf32, #tpu.memory_space<hbm>>
      tpu.wait_dma2 semaphore(%arg12 : memref<!tpu.dma_semaphore, #tpu.memory_space<semaphore_mem>>) src(%dma_wait3A_116 : memref<2048xf32, #tpu.memory_space<hbm>>) dst(%dma_wait3A_114 : memref<2048xf32, #tpu.memory_space<vmem>>)
      %dma_wait3A_117 = arith.constant 1 : i32
      %dma_wait3A_118 = arith.constant 1 : i32
      %dma_wait3A_119 = arith.constant 0 : i32
      %dma_wait3A_120 = tpu.memref_slice %arg5[%dma_wait3A_118, %dma_wait3A_119] : memref<4x2048xf32, #tpu.memory_space<vmem>> -> memref<1x2048xf32, #tpu.memory_space<vmem>>
      %dma_wait3A_121 = tpu.memref_squeeze %dma_wait3A_120 : memref<1x2048xf32, #tpu.memory_space<vmem>> -> memref<2048xf32, #tpu.memory_space<vmem>>
      %dma_wait3A_122 = tpu.memref_slice %arg2[%select_n3A, %dma_wait3A_117, %add3A_58] : memref<8x4x262144xf32, #tpu.memory_space<hbm>> -> memref<1x1x2048xf32, #tpu.memory_space<hbm>>
      %dma_wait3A_123 = tpu.memref_squeeze %dma_wait3A_122 : memref<1x1x2048xf32, #tpu.memory_space<hbm>> -> memref<2048xf32, #tpu.memory_space<hbm>>
      %dma_wait3A_124 = arith.constant 0 : i32
      %dma_wait3A_125 = tpu.memref_slice %arg5[%dma_wait3A_118, %dma_wait3A_124] : memref<4x2048xf32, #tpu.memory_space<vmem>> -> memref<1x2048xf32, #tpu.memory_space<vmem>>
      %dma_wait3A_126 = tpu.memref_squeeze %dma_wait3A_125 : memref<1x2048xf32, #tpu.memory_space<vmem>> -> memref<2048xf32, #tpu.memory_space<vmem>>
      %dma_wait3A_127 = tpu.memref_slice %arg2[%select_n3A, %dma_wait3A_117, %add3A_58] : memref<8x4x262144xf32, #tpu.memory_space<hbm>> -> memref<1x1x2048xf32, #tpu.memory_space<hbm>>
      %dma_wait3A_128 = tpu.memref_squeeze %dma_wait3A_127 : memref<1x1x2048xf32, #tpu.memory_space<hbm>> -> memref<2048xf32, #tpu.memory_space<hbm>>
      tpu.wait_dma2 semaphore(%arg12 : memref<!tpu.dma_semaphore, #tpu.memory_space<semaphore_mem>>) src(%dma_wait3A_128 : memref<2048xf32, #tpu.memory_space<hbm>>) dst(%dma_wait3A_126 : memref<2048xf32, #tpu.memory_space<vmem>>)
      %dma_wait3A_129 = arith.constant 2 : i32
      %dma_wait3A_130 = arith.constant 2 : i32
      %dma_wait3A_131 = arith.constant 0 : i32
      %dma_wait3A_132 = tpu.memref_slice %arg5[%dma_wait3A_130, %dma_wait3A_131] : memref<4x2048xf32, #tpu.memory_space<vmem>> -> memref<1x2048xf32, #tpu.memory_space<vmem>>
      %dma_wait3A_133 = tpu.memref_squeeze %dma_wait3A_132 : memref<1x2048xf32, #tpu.memory_space<vmem>> -> memref<2048xf32, #tpu.memory_space<vmem>>
      %dma_wait3A_134 = tpu.memref_slice %arg2[%select_n3A, %dma_wait3A_129, %add3A_58] : memref<8x4x262144xf32, #tpu.memory_space<hbm>> -> memref<1x1x2048xf32, #tpu.memory_space<hbm>>
      %dma_wait3A_135 = tpu.memref_squeeze %dma_wait3A_134 : memref<1x1x2048xf32, #tpu.memory_space<hbm>> -> memref<2048xf32, #tpu.memory_space<hbm>>
      %dma_wait3A_136 = arith.constant 0 : i32
      %dma_wait3A_137 = tpu.memref_slice %arg5[%dma_wait3A_130, %dma_wait3A_136] : memref<4x2048xf32, #tpu.memory_space<vmem>> -> memref<1x2048xf32, #tpu.memory_space<vmem>>
      %dma_wait3A_138 = tpu.memref_squeeze %dma_wait3A_137 : memref<1x2048xf32, #tpu.memory_space<vmem>> -> memref<2048xf32, #tpu.memory_space<vmem>>
      %dma_wait3A_139 = tpu.memref_slice %arg2[%select_n3A, %dma_wait3A_129, %add3A_58] : memref<8x4x262144xf32, #tpu.memory_space<hbm>> -> memref<1x1x2048xf32, #tpu.memory_space<hbm>>
      %dma_wait3A_140 = tpu.memref_squeeze %dma_wait3A_139 : memref<1x1x2048xf32, #tpu.memory_space<hbm>> -> memref<2048xf32, #tpu.memory_space<hbm>>
      tpu.wait_dma2 semaphore(%arg12 : memref<!tpu.dma_semaphore, #tpu.memory_space<semaphore_mem>>) src(%dma_wait3A_140 : memref<2048xf32, #tpu.memory_space<hbm>>) dst(%dma_wait3A_138 : memref<2048xf32, #tpu.memory_space<vmem>>)
      %dma_wait3A_141 = arith.constant 3 : i32
      %dma_wait3A_142 = arith.constant 3 : i32
      %dma_wait3A_143 = arith.constant 0 : i32
      %dma_wait3A_144 = tpu.memref_slice %arg5[%dma_wait3A_142, %dma_wait3A_143] : memref<4x2048xf32, #tpu.memory_space<vmem>> -> memref<1x2048xf32, #tpu.memory_space<vmem>>
      %dma_wait3A_145 = tpu.memref_squeeze %dma_wait3A_144 : memref<1x2048xf32, #tpu.memory_space<vmem>> -> memref<2048xf32, #tpu.memory_space<vmem>>
      %dma_wait3A_146 = tpu.memref_slice %arg2[%select_n3A, %dma_wait3A_141, %add3A_58] : memref<8x4x262144xf32, #tpu.memory_space<hbm>> -> memref<1x1x2048xf32, #tpu.memory_space<hbm>>
      %dma_wait3A_147 = tpu.memref_squeeze %dma_wait3A_146 : memref<1x1x2048xf32, #tpu.memory_space<hbm>> -> memref<2048xf32, #tpu.memory_space<hbm>>
      %dma_wait3A_148 = arith.constant 0 : i32
      %dma_wait3A_149 = tpu.memref_slice %arg5[%dma_wait3A_142, %dma_wait3A_148] : memref<4x2048xf32, #tpu.memory_space<vmem>> -> memref<1x2048xf32, #tpu.memory_space<vmem>>
      %dma_wait3A_150 = tpu.memref_squeeze %dma_wait3A_149 : memref<1x2048xf32, #tpu.memory_space<vmem>> -> memref<2048xf32, #tpu.memory_space<vmem>>
      %dma_wait3A_151 = tpu.memref_slice %arg2[%select_n3A, %dma_wait3A_141, %add3A_58] : memref<8x4x262144xf32, #tpu.memory_space<hbm>> -> memref<1x1x2048xf32, #tpu.memory_space<hbm>>
      %dma_wait3A_152 = tpu.memref_squeeze %dma_wait3A_151 : memref<1x1x2048xf32, #tpu.memory_space<hbm>> -> memref<2048xf32, #tpu.memory_space<hbm>>
      tpu.wait_dma2 semaphore(%arg12 : memref<!tpu.dma_semaphore, #tpu.memory_space<semaphore_mem>>) src(%dma_wait3A_152 : memref<2048xf32, #tpu.memory_space<hbm>>) dst(%dma_wait3A_150 : memref<2048xf32, #tpu.memory_space<vmem>>)
      %scan3A_153 = arith.constant 0 : i32
      %scan3A_154 = arith.constant 16 : i32
      %scan3A_155 = arith.addi %scan3A_153, %scan3A_154 : i32
      %scan3A_156 = arith.constant 1 : i32
      scf.for %scan3A_312 = %scan3A_153 to %scan3A_155 step %scan3A_156  : i32 {
        %parallel_loop3A_313 = arith.constant 0 : i32
        %parallel_loop3A_314 = arith.constant 8 : i32
        %parallel_loop3A_315 = arith.constant 1 : i32
        scf.for %parallel_loop3A_316 = %parallel_loop3A_313 to %parallel_loop3A_314 step %parallel_loop3A_315  : i32 {
          %parallel_loop3A_317 = arith.constant 128 : i32
          %parallel_loop3A_318 = arith.muli %scan3A_312, %parallel_loop3A_317 : i32
          %parallel_loop3A_319 = arith.constant 16 : i32
          %parallel_loop3A_320 = arith.muli %parallel_loop3A_316, %parallel_loop3A_319 : i32
          %parallel_loop3A_321 = arith.addi %parallel_loop3A_318, %parallel_loop3A_320 : i32
          %parallel_loop3A_322 = arith.constant 0 : i32
          %parallel_loop3A_323 = arith.index_cast %parallel_loop3A_322 : i32 to index
          %parallel_loop3A_324 = arith.index_cast %parallel_loop3A_321 : i32 to index
          %parallel_loop3A_325 = tpu.vector_load %arg5[%parallel_loop3A_323, %parallel_loop3A_324] {strides = array<i32>} : memref<4x2048xf32, #tpu.memory_space<vmem>>, vector<16xf32>,
          %parallel_loop3A_326 = arith.constant 0.000000e+00 : f32
          %parallel_loop3A_327 = vector.broadcast %parallel_loop3A_326 : f32 to vector<16xf32>
          %parallel_loop3A_328 = arith.maximumf %parallel_loop3A_325, %parallel_loop3A_327 : vector<16xf32>
          %parallel_loop3A_329 = arith.constant 1.000000e+00 : f32
          %parallel_loop3A_330 = vector.broadcast %parallel_loop3A_329 : f32 to vector<16xf32>
          %parallel_loop3A_331 = arith.minimumf %parallel_loop3A_328, %parallel_loop3A_330 : vector<16xf32>
          %parallel_loop3A_332 = arith.constant 1.600000e+01 : f32
          %parallel_loop3A_333 = vector.broadcast %parallel_loop3A_332 : f32 to vector<16xf32>
          %parallel_loop3A_334 = arith.mulf %parallel_loop3A_331, %parallel_loop3A_333 : vector<16xf32>
          %parallel_loop3A_335 = arith.fptosi %parallel_loop3A_334 : vector<16xf32> to vector<16xi32>
          %parallel_loop3A_336 = arith.constant 15 : i32
          %parallel_loop3A_337 = vector.broadcast %parallel_loop3A_336 : i32 to vector<16xi32>
          %parallel_loop3A_338 = arith.minsi %parallel_loop3A_335, %parallel_loop3A_337 : vector<16xi32>
          %parallel_loop3A_339 = arith.sitofp %parallel_loop3A_338 : vector<16xi32> to vector<16xf32>
          %parallel_loop3A_340 = arith.subf %parallel_loop3A_334, %parallel_loop3A_339 : vector<16xf32>
          %parallel_loop3A_341 = arith.constant 1 : i32
          %parallel_loop3A_342 = arith.index_cast %parallel_loop3A_341 : i32 to index
          %parallel_loop3A_343 = arith.index_cast %parallel_loop3A_321 : i32 to index
          %parallel_loop3A_344 = tpu.vector_load %arg5[%parallel_loop3A_342, %parallel_loop3A_343] {strides = array<i32>} : memref<4x2048xf32, #tpu.memory_space<vmem>>, vector<16xf32>,
          %parallel_loop3A_345 = arith.constant 0.000000e+00 : f32
          %parallel_loop3A_346 = vector.broadcast %parallel_loop3A_345 : f32 to vector<16xf32>
          %parallel_loop3A_347 = arith.maximumf %parallel_loop3A_344, %parallel_loop3A_346 : vector<16xf32>
          %parallel_loop3A_348 = arith.constant 1.000000e+00 : f32
          %parallel_loop3A_349 = vector.broadcast %parallel_loop3A_348 : f32 to vector<16xf32>
          %parallel_loop3A_350 = arith.minimumf %parallel_loop3A_347, %parallel_loop3A_349 : vector<16xf32>
          %parallel_loop3A_351 = arith.constant 1.600000e+01 : f32
          %parallel_loop3A_352 = vector.broadcast %parallel_loop3A_351 : f32 to vector<16xf32>
          %parallel_loop3A_353 = arith.mulf %parallel_loop3A_350, %parallel_loop3A_352 : vector<16xf32>
          %parallel_loop3A_354 = arith.fptosi %parallel_loop3A_353 : vector<16xf32> to vector<16xi32>
          %parallel_loop3A_355 = arith.constant 15 : i32
          %parallel_loop3A_356 = vector.broadcast %parallel_loop3A_355 : i32 to vector<16xi32>
          %parallel_loop3A_357 = arith.minsi %parallel_loop3A_354, %parallel_loop3A_356 : vector<16xi32>
          %parallel_loop3A_358 = arith.sitofp %parallel_loop3A_357 : vector<16xi32> to vector<16xf32>
          %parallel_loop3A_359 = arith.subf %parallel_loop3A_353, %parallel_loop3A_358 : vector<16xf32>
          %parallel_loop3A_360 = arith.constant 17 : i32
          %parallel_loop3A_361 = vector.broadcast %parallel_loop3A_360 : i32 to vector<16xi32>
          %parallel_loop3A_362 = arith.muli %parallel_loop3A_338, %parallel_loop3A_361 : vector<16xi32>
          %parallel_loop3A_363 = arith.addi %parallel_loop3A_362, %parallel_loop3A_357 : vector<16xi32>
          %parallel_loop3A_364 = arith.constant 2 : i32
          %parallel_loop3A_365 = arith.index_cast %parallel_loop3A_364 : i32 to index
          %parallel_loop3A_366 = arith.index_cast %parallel_loop3A_321 : i32 to index
          %parallel_loop3A_367 = tpu.vector_load %arg5[%parallel_loop3A_365, %parallel_loop3A_366] {strides = array<i32>} : memref<4x2048xf32, #tpu.memory_space<vmem>>, vector<16xf32>,
          %parallel_loop3A_368 = arith.constant 0.000000e+00 : f32
          %parallel_loop3A_369 = vector.broadcast %parallel_loop3A_368 : f32 to vector<16xf32>
          %parallel_loop3A_370 = arith.maximumf %parallel_loop3A_367, %parallel_loop3A_369 : vector<16xf32>
          %parallel_loop3A_371 = arith.constant 1.000000e+00 : f32
          %parallel_loop3A_372 = vector.broadcast %parallel_loop3A_371 : f32 to vector<16xf32>
          %parallel_loop3A_373 = arith.minimumf %parallel_loop3A_370, %parallel_loop3A_372 : vector<16xf32>
          %parallel_loop3A_374 = arith.constant 1.600000e+01 : f32
          %parallel_loop3A_375 = vector.broadcast %parallel_loop3A_374 : f32 to vector<16xf32>
          %parallel_loop3A_376 = arith.mulf %parallel_loop3A_373, %parallel_loop3A_375 : vector<16xf32>
          %parallel_loop3A_377 = arith.fptosi %parallel_loop3A_376 : vector<16xf32> to vector<16xi32>
          %parallel_loop3A_378 = arith.constant 15 : i32
          %parallel_loop3A_379 = vector.broadcast %parallel_loop3A_378 : i32 to vector<16xi32>
          %parallel_loop3A_380 = arith.minsi %parallel_loop3A_377, %parallel_loop3A_379 : vector<16xi32>
          %parallel_loop3A_381 = arith.sitofp %parallel_loop3A_380 : vector<16xi32> to vector<16xf32>
          %parallel_loop3A_382 = arith.subf %parallel_loop3A_376, %parallel_loop3A_381 : vector<16xf32>
          %parallel_loop3A_383 = arith.constant 17 : i32
          %parallel_loop3A_384 = vector.broadcast %parallel_loop3A_383 : i32 to vector<16xi32>
          %parallel_loop3A_385 = arith.muli %parallel_loop3A_363, %parallel_loop3A_384 : vector<16xi32>
          %parallel_loop3A_386 = arith.addi %parallel_loop3A_385, %parallel_loop3A_380 : vector<16xi32>
          %parallel_loop3A_387 = arith.constant 3 : i32
          %parallel_loop3A_388 = arith.index_cast %parallel_loop3A_387 : i32 to index
          %parallel_loop3A_389 = arith.index_cast %parallel_loop3A_321 : i32 to index
          %parallel_loop3A_390 = tpu.vector_load %arg5[%parallel_loop3A_388, %parallel_loop3A_389] {strides = array<i32>} : memref<4x2048xf32, #tpu.memory_space<vmem>>, vector<16xf32>,
          %parallel_loop3A_391 = arith.constant 0.000000e+00 : f32
          %parallel_loop3A_392 = vector.broadcast %parallel_loop3A_391 : f32 to vector<16xf32>
          %parallel_loop3A_393 = arith.maximumf %parallel_loop3A_390, %parallel_loop3A_392 : vector<16xf32>
          %parallel_loop3A_394 = arith.constant 1.000000e+00 : f32
          %parallel_loop3A_395 = vector.broadcast %parallel_loop3A_394 : f32 to vector<16xf32>
          %parallel_loop3A_396 = arith.minimumf %parallel_loop3A_393, %parallel_loop3A_395 : vector<16xf32>
          %parallel_loop3A_397 = arith.constant 1.600000e+01 : f32
          %parallel_loop3A_398 = vector.broadcast %parallel_loop3A_397 : f32 to vector<16xf32>
          %parallel_loop3A_399 = arith.mulf %parallel_loop3A_396, %parallel_loop3A_398 : vector<16xf32>
          %parallel_loop3A_400 = arith.fptosi %parallel_loop3A_399 : vector<16xf32> to vector<16xi32>
          %parallel_loop3A_401 = arith.constant 15 : i32
          %parallel_loop3A_402 = vector.broadcast %parallel_loop3A_401 : i32 to vector<16xi32>
          %parallel_loop3A_403 = arith.minsi %parallel_loop3A_400, %parallel_loop3A_402 : vector<16xi32>
          %parallel_loop3A_404 = arith.sitofp %parallel_loop3A_403 : vector<16xi32> to vector<16xf32>
          %parallel_loop3A_405 = arith.subf %parallel_loop3A_399, %parallel_loop3A_404 : vector<16xf32>
          %parallel_loop3A_406 = arith.constant 17 : i32
          %parallel_loop3A_407 = vector.broadcast %parallel_loop3A_406 : i32 to vector<16xi32>
          %parallel_loop3A_408 = arith.muli %parallel_loop3A_386, %parallel_loop3A_407 : vector<16xi32>
          %parallel_loop3A_409 = arith.addi %parallel_loop3A_408, %parallel_loop3A_403 : vector<16xi32>
          %parallel_loop3A_410 = arith.constant 0 : i32
          %parallel_loop3A_411 = arith.index_cast %parallel_loop3A_410 : i32 to index
          %parallel_loop3A_412 = arith.index_cast %parallel_loop3A_321 : i32 to index
          %parallel_loop3A_413 = tpu.vector_load %arg7[%parallel_loop3A_411, %parallel_loop3A_412] {strides = array<i32>} : memref<2x2048xf32, #tpu.memory_space<vmem>>, vector<16xf32>,
          tpu.vector_store %arg7[%parallel_loop3A_411, %parallel_loop3A_412], %parallel_loop3A_340 {strides = array<i32>} : memref<2x2048xf32, #tpu.memory_space<vmem>>, vector<16xf32>,
          %parallel_loop3A_414 = arith.constant 1 : i32
          %parallel_loop3A_415 = arith.index_cast %parallel_loop3A_414 : i32 to index
          %parallel_loop3A_416 = arith.index_cast %parallel_loop3A_321 : i32 to index
          %parallel_loop3A_417 = tpu.vector_load %arg7[%parallel_loop3A_415, %parallel_loop3A_416] {strides = array<i32>} : memref<2x2048xf32, #tpu.memory_space<vmem>>, vector<16xf32>,
          tpu.vector_store %arg7[%parallel_loop3A_415, %parallel_loop3A_416], %parallel_loop3A_359 {strides = array<i32>} : memref<2x2048xf32, #tpu.memory_space<vmem>>, vector<16xf32>,
          %parallel_loop3A_418 = arith.constant 0 : i32
          %parallel_loop3A_419 = vector.broadcast %parallel_loop3A_418 : i32 to vector<16xi32>
          %parallel_loop3A_420 = arith.addi %parallel_loop3A_409, %parallel_loop3A_419 : vector<16xi32>
          %parallel_loop3A_421 = arith.constant 16 : i32
          %parallel_loop3A_422 = arith.muli %parallel_loop3A_316, %parallel_loop3A_421 : i32
          %parallel_loop3A_423 = arith.constant 0 : i32
          %parallel_loop3A_424 = arith.index_cast %scan3A_312 : i32 to index
          %parallel_loop3A_425 = arith.index_cast %parallel_loop3A_423 : i32 to index
          %parallel_loop3A_426 = arith.index_cast %parallel_loop3A_422 : i32 to index
          %parallel_loop3A_427 = tpu.vector_load %arg9[%parallel_loop3A_424, %parallel_loop3A_425, %parallel_loop3A_426] {strides = array<i32>} : memref<16x4x128xi32, #tpu.memory_space<vmem>>, vector<16xi32>,
          tpu.vector_store %arg9[%parallel_loop3A_424, %parallel_loop3A_425, %parallel_loop3A_426], %parallel_loop3A_420 {strides = array<i32>} : memref<16x4x128xi32, #tpu.memory_space<vmem>>, vector<16xi32>,
          %parallel_loop3A_428 = arith.constant 289 : i32
          %parallel_loop3A_429 = vector.broadcast %parallel_loop3A_428 : i32 to vector<16xi32>
          %parallel_loop3A_430 = arith.addi %parallel_loop3A_409, %parallel_loop3A_429 : vector<16xi32>
          %parallel_loop3A_431 = arith.constant 16 : i32
          %parallel_loop3A_432 = arith.muli %parallel_loop3A_316, %parallel_loop3A_431 : i32
          %parallel_loop3A_433 = arith.constant 1 : i32
          %parallel_loop3A_434 = arith.index_cast %scan3A_312 : i32 to index
          %parallel_loop3A_435 = arith.index_cast %parallel_loop3A_433 : i32 to index
          %parallel_loop3A_436 = arith.index_cast %parallel_loop3A_432 : i32 to index
          %parallel_loop3A_437 = tpu.vector_load %arg9[%parallel_loop3A_434, %parallel_loop3A_435, %parallel_loop3A_436] {strides = array<i32>} : memref<16x4x128xi32, #tpu.memory_space<vmem>>, vector<16xi32>,
          tpu.vector_store %arg9[%parallel_loop3A_434, %parallel_loop3A_435, %parallel_loop3A_436], %parallel_loop3A_430 {strides = array<i32>} : memref<16x4x128xi32, #tpu.memory_space<vmem>>, vector<16xi32>,
          %parallel_loop3A_438 = arith.constant 4913 : i32
          %parallel_loop3A_439 = vector.broadcast %parallel_loop3A_438 : i32 to vector<16xi32>
          %parallel_loop3A_440 = arith.addi %parallel_loop3A_409, %parallel_loop3A_439 : vector<16xi32>
          %parallel_loop3A_441 = arith.constant 16 : i32
          %parallel_loop3A_442 = arith.muli %parallel_loop3A_316, %parallel_loop3A_441 : i32
          %parallel_loop3A_443 = arith.constant 2 : i32
          %parallel_loop3A_444 = arith.index_cast %scan3A_312 : i32 to index
          %parallel_loop3A_445 = arith.index_cast %parallel_loop3A_443 : i32 to index
          %parallel_loop3A_446 = arith.index_cast %parallel_loop3A_442 : i32 to index
          %parallel_loop3A_447 = tpu.vector_load %arg9[%parallel_loop3A_444, %parallel_loop3A_445, %parallel_loop3A_446] {strides = array<i32>} : memref<16x4x128xi32, #tpu.memory_space<vmem>>, vector<16xi32>,
          tpu.vector_store %arg9[%parallel_loop3A_444, %parallel_loop3A_445, %parallel_loop3A_446], %parallel_loop3A_440 {strides = array<i32>} : memref<16x4x128xi32, #tpu.memory_space<vmem>>, vector<16xi32>,
          %parallel_loop3A_448 = arith.constant 5202 : i32
          %parallel_loop3A_449 = vector.broadcast %parallel_loop3A_448 : i32 to vector<16xi32>
          %parallel_loop3A_450 = arith.addi %parallel_loop3A_409, %parallel_loop3A_449 : vector<16xi32>
          %parallel_loop3A_451 = arith.constant 16 : i32
          %parallel_loop3A_452 = arith.muli %parallel_loop3A_316, %parallel_loop3A_451 : i32
          %parallel_loop3A_453 = arith.constant 3 : i32
          %parallel_loop3A_454 = arith.index_cast %scan3A_312 : i32 to index
          %parallel_loop3A_455 = arith.index_cast %parallel_loop3A_453 : i32 to index
          %parallel_loop3A_456 = arith.index_cast %parallel_loop3A_452 : i32 to index
          %parallel_loop3A_457 = tpu.vector_load %arg9[%parallel_loop3A_454, %parallel_loop3A_455, %parallel_loop3A_456] {strides = array<i32>} : memref<16x4x128xi32, #tpu.memory_space<vmem>>, vector<16xi32>,
          tpu.vector_store %arg9[%parallel_loop3A_454, %parallel_loop3A_455, %parallel_loop3A_456], %parallel_loop3A_450 {strides = array<i32>} : memref<16x4x128xi32, #tpu.memory_space<vmem>>, vector<16xi32>,
          %parallel_loop3A_458 = arith.constant 1.000000e+00 : f32
          %parallel_loop3A_459 = vector.broadcast %parallel_loop3A_458 : f32 to vector<16xf32>
          %parallel_loop3A_460 = arith.subf %parallel_loop3A_459, %parallel_loop3A_382 : vector<16xf32>
          %parallel_loop3A_461 = arith.constant 1.000000e+00 : f32
          %parallel_loop3A_462 = vector.broadcast %parallel_loop3A_461 : f32 to vector<16xf32>
          %parallel_loop3A_463 = arith.subf %parallel_loop3A_462, %parallel_loop3A_405 : vector<16xf32>
          %parallel_loop3A_464 = arith.mulf %parallel_loop3A_460, %parallel_loop3A_463 : vector<16xf32>
          %parallel_loop3A_465 = arith.mulf %parallel_loop3A_382, %parallel_loop3A_463 : vector<16xf32>
          %parallel_loop3A_466 = arith.mulf %parallel_loop3A_460, %parallel_loop3A_405 : vector<16xf32>
          %parallel_loop3A_467 = arith.mulf %parallel_loop3A_382, %parallel_loop3A_405 : vector<16xf32>
          %parallel_loop3A_468 = arith.constant 16 : i32
          %parallel_loop3A_469 = arith.muli %parallel_loop3A_321, %parallel_loop3A_468 : i32
          %parallel_loop3A_470 = vector.broadcast %parallel_loop3A_469 : i32 to vector<16xi32>
          %parallel_loop3A_471 = arith.addi %parallel_loop3A_470, %mul3A_50 : vector<16xi32>
          %parallel_loop3A_472 = arith.constant 0 : i32
          %parallel_loop3A_473 = vector.broadcast %parallel_loop3A_472 : i32 to vector<16xi32>
          %parallel_loop3A_474 = arith.addi %parallel_loop3A_471, %parallel_loop3A_473 : vector<16xi32>
          tpu.vector_store_idx %arg8[%parallel_loop3A_474], %parallel_loop3A_464 : memref<32768xf32, #tpu.memory_space<vmem>>[vector<16xi32>], vector<16xf32>,
          %parallel_loop3A_475 = arith.constant 1 : i32
          %parallel_loop3A_476 = vector.broadcast %parallel_loop3A_475 : i32 to vector<16xi32>
          %parallel_loop3A_477 = arith.addi %parallel_loop3A_471, %parallel_loop3A_476 : vector<16xi32>
          tpu.vector_store_idx %arg8[%parallel_loop3A_477], %parallel_loop3A_464 : memref<32768xf32, #tpu.memory_space<vmem>>[vector<16xi32>], vector<16xf32>,
          %parallel_loop3A_478 = arith.constant 2 : i32
          %parallel_loop3A_479 = vector.broadcast %parallel_loop3A_478 : i32 to vector<16xi32>
          %parallel_loop3A_480 = arith.addi %parallel_loop3A_471, %parallel_loop3A_479 : vector<16xi32>
          tpu.vector_store_idx %arg8[%parallel_loop3A_480], %parallel_loop3A_464 : memref<32768xf32, #tpu.memory_space<vmem>>[vector<16xi32>], vector<16xf32>,
          %parallel_loop3A_481 = arith.constant 3 : i32
          %parallel_loop3A_482 = vector.broadcast %parallel_loop3A_481 : i32 to vector<16xi32>
          %parallel_loop3A_483 = arith.addi %parallel_loop3A_471, %parallel_loop3A_482 : vector<16xi32>
          tpu.vector_store_idx %arg8[%parallel_loop3A_483], %parallel_loop3A_464 : memref<32768xf32, #tpu.memory_space<vmem>>[vector<16xi32>], vector<16xf32>,
          %parallel_loop3A_484 = arith.constant 4 : i32
          %parallel_loop3A_485 = vector.broadcast %parallel_loop3A_484 : i32 to vector<16xi32>
          %parallel_loop3A_486 = arith.addi %parallel_loop3A_471, %parallel_loop3A_485 : vector<16xi32>
          tpu.vector_store_idx %arg8[%parallel_loop3A_486], %parallel_loop3A_465 : memref<32768xf32, #tpu.memory_space<vmem>>[vector<16xi32>], vector<16xf32>,
          %parallel_loop3A_487 = arith.constant 5 : i32
          %parallel_loop3A_488 = vector.broadcast %parallel_loop3A_487 : i32 to vector<16xi32>
          %parallel_loop3A_489 = arith.addi %parallel_loop3A_471, %parallel_loop3A_488 : vector<16xi32>
          tpu.vector_store_idx %arg8[%parallel_loop3A_489], %parallel_loop3A_465 : memref<32768xf32, #tpu.memory_space<vmem>>[vector<16xi32>], vector<16xf32>,
          %parallel_loop3A_490 = arith.constant 6 : i32
          %parallel_loop3A_491 = vector.broadcast %parallel_loop3A_490 : i32 to vector<16xi32>
          %parallel_loop3A_492 = arith.addi %parallel_loop3A_471, %parallel_loop3A_491 : vector<16xi32>
          tpu.vector_store_idx %arg8[%parallel_loop3A_492], %parallel_loop3A_465 : memref<32768xf32, #tpu.memory_space<vmem>>[vector<16xi32>], vector<16xf32>,
          %parallel_loop3A_493 = arith.constant 7 : i32
          %parallel_loop3A_494 = vector.broadcast %parallel_loop3A_493 : i32 to vector<16xi32>
          %parallel_loop3A_495 = arith.addi %parallel_loop3A_471, %parallel_loop3A_494 : vector<16xi32>
          tpu.vector_store_idx %arg8[%parallel_loop3A_495], %parallel_loop3A_465 : memref<32768xf32, #tpu.memory_space<vmem>>[vector<16xi32>], vector<16xf32>,
          %parallel_loop3A_496 = arith.constant 8 : i32
          %parallel_loop3A_497 = vector.broadcast %parallel_loop3A_496 : i32 to vector<16xi32>
          %parallel_loop3A_498 = arith.addi %parallel_loop3A_471, %parallel_loop3A_497 : vector<16xi32>
          tpu.vector_store_idx %arg8[%parallel_loop3A_498], %parallel_loop3A_466 : memref<32768xf32, #tpu.memory_space<vmem>>[vector<16xi32>], vector<16xf32>,
          %parallel_loop3A_499 = arith.constant 9 : i32
          %parallel_loop3A_500 = vector.broadcast %parallel_loop3A_499 : i32 to vector<16xi32>
          %parallel_loop3A_501 = arith.addi %parallel_loop3A_471, %parallel_loop3A_500 : vector<16xi32>
          tpu.vector_store_idx %arg8[%parallel_loop3A_501], %parallel_loop3A_466 : memref<32768xf32, #tpu.memory_space<vmem>>[vector<16xi32>], vector<16xf32>,
          %parallel_loop3A_502 = arith.constant 10 : i32
          %parallel_loop3A_503 = vector.broadcast %parallel_loop3A_502 : i32 to vector<16xi32>
          %parallel_loop3A_504 = arith.addi %parallel_loop3A_471, %parallel_loop3A_503 : vector<16xi32>
          tpu.vector_store_idx %arg8[%parallel_loop3A_504], %parallel_loop3A_466 : memref<32768xf32, #tpu.memory_space<vmem>>[vector<16xi32>], vector<16xf32>,
          %parallel_loop3A_505 = arith.constant 11 : i32
          %parallel_loop3A_506 = vector.broadcast %parallel_loop3A_505 : i32 to vector<16xi32>
          %parallel_loop3A_507 = arith.addi %parallel_loop3A_471, %parallel_loop3A_506 : vector<16xi32>
          tpu.vector_store_idx %arg8[%parallel_loop3A_507], %parallel_loop3A_466 : memref<32768xf32, #tpu.memory_space<vmem>>[vector<16xi32>], vector<16xf32>,
          %parallel_loop3A_508 = arith.constant 12 : i32
          %parallel_loop3A_509 = vector.broadcast %parallel_loop3A_508 : i32 to vector<16xi32>
          %parallel_loop3A_510 = arith.addi %parallel_loop3A_471, %parallel_loop3A_509 : vector<16xi32>
          tpu.vector_store_idx %arg8[%parallel_loop3A_510], %parallel_loop3A_467 : memref<32768xf32, #tpu.memory_space<vmem>>[vector<16xi32>], vector<16xf32>,
          %parallel_loop3A_511 = arith.constant 13 : i32
          %parallel_loop3A_512 = vector.broadcast %parallel_loop3A_511 : i32 to vector<16xi32>
          %parallel_loop3A_513 = arith.addi %parallel_loop3A_471, %parallel_loop3A_512 : vector<16xi32>
          tpu.vector_store_idx %arg8[%parallel_loop3A_513], %parallel_loop3A_467 : memref<32768xf32, #tpu.memory_space<vmem>>[vector<16xi32>], vector<16xf32>,
          %parallel_loop3A_514 = arith.constant 14 : i32
          %parallel_loop3A_515 = vector.broadcast %parallel_loop3A_514 : i32 to vector<16xi32>
          %parallel_loop3A_516 = arith.addi %parallel_loop3A_471, %parallel_loop3A_515 : vector<16xi32>
          tpu.vector_store_idx %arg8[%parallel_loop3A_516], %parallel_loop3A_467 : memref<32768xf32, #tpu.memory_space<vmem>>[vector<16xi32>], vector<16xf32>,
          %parallel_loop3A_517 = arith.constant 15 : i32
          %parallel_loop3A_518 = vector.broadcast %parallel_loop3A_517 : i32 to vector<16xi32>
          %parallel_loop3A_519 = arith.addi %parallel_loop3A_471, %parallel_loop3A_518 : vector<16xi32>
          tpu.vector_store_idx %arg8[%parallel_loop3A_519], %parallel_loop3A_467 : memref<32768xf32, #tpu.memory_space<vmem>>[vector<16xi32>], vector<16xf32>,
        } {sc.loop_unroll_factor = 2 : i64, sc.parallel_access}
      }
      %scan3A_157 = arith.constant 16 : i32
      %dma_start3A_158 = arith.constant 0 : i32
      %dma_start3A_159 = arith.constant 0 : i32
      %dma_start3A_160 = arith.constant 0 : i32
      %dma_start3A_161 = arith.constant 0 : i32
      %dma_start3A_162 = arith.constant 0 : i32
      %dma_start3A_163 = tpu.memref_slice %arg10[%dma_start3A_160, %dma_start3A_161, %dma_start3A_162] : memref<2x512x16xf32, #tpu.memory_space<vmem>> -> memref<1x128x16xf32, #tpu.memory_space<vmem>>
      %dma_start3A_164 = tpu.memref_squeeze %dma_start3A_163 : memref<1x128x16xf32, #tpu.memory_space<vmem>> -> memref<128x16xf32, #tpu.memory_space<vmem>>
      %dma_start3A_165 = arith.constant 0 : i32
      %dma_start3A_166 = tpu.memref_slice %arg9[%dma_start3A_158, %dma_start3A_159, %dma_start3A_165] : memref<16x4x128xi32, #tpu.memory_space<vmem>> -> memref<1x1x128xi32, #tpu.memory_space<vmem>>
      %dma_start3A_167 = tpu.memref_squeeze %dma_start3A_166 : memref<1x1x128xi32, #tpu.memory_space<vmem>> -> memref<128xi32, #tpu.memory_space<vmem>>
      %dma_start3A_168 = arith.constant 0 : i32
      %dma_start3A_169 = arith.constant 0 : i32
      %dma_start3A_170 = tpu.memref_slice %arg3[%dma_start3A_168, %dma_start3A_169] : memref<83521x16xf32, #tpu.memory_space<hbm>> -> memref<83521x16xf32, #tpu.memory_space<hbm>>
      tpu.enqueue_indirect_dma source(%dma_start3A_170 : memref<83521x16xf32, #tpu.memory_space<hbm>>) target(%dma_start3A_164 : memref<128x16xf32, #tpu.memory_space<vmem>>) offsets(%dma_start3A_167 : memref<128xi32, #tpu.memory_space<vmem>>) semaphore(%arg13 : memref<!tpu.dma_semaphore, #tpu.memory_space<semaphore_mem>>)
      %dma_start3A_171 = arith.constant 0 : i32
      %dma_start3A_172 = arith.constant 1 : i32
      %dma_start3A_173 = arith.constant 0 : i32
      %dma_start3A_174 = arith.constant 128 : i32
      %dma_start3A_175 = arith.constant 0 : i32
      %dma_start3A_176 = tpu.memref_slice %arg10[%dma_start3A_173, %dma_start3A_174, %dma_start3A_175] : memref<2x512x16xf32, #tpu.memory_space<vmem>> -> memref<1x128x16xf32, #tpu.memory_space<vmem>>
      %dma_start3A_177 = tpu.memref_squeeze %dma_start3A_176 : memref<1x128x16xf32, #tpu.memory_space<vmem>> -> memref<128x16xf32, #tpu.memory_space<vmem>>
      %dma_start3A_178 = arith.constant 0 : i32
      %dma_start3A_179 = tpu.memref_slice %arg9[%dma_start3A_171, %dma_start3A_172, %dma_start3A_178] : memref<16x4x128xi32, #tpu.memory_space<vmem>> -> memref<1x1x128xi32, #tpu.memory_space<vmem>>
      %dma_start3A_180 = tpu.memref_squeeze %dma_start3A_179 : memref<1x1x128xi32, #tpu.memory_space<vmem>> -> memref<128xi32, #tpu.memory_space<vmem>>
      %dma_start3A_181 = arith.constant 0 : i32
      %dma_start3A_182 = arith.constant 0 : i32
      %dma_start3A_183 = tpu.memref_slice %arg3[%dma_start3A_181, %dma_start3A_182] : memref<83521x16xf32, #tpu.memory_space<hbm>> -> memref<83521x16xf32, #tpu.memory_space<hbm>>
      tpu.enqueue_indirect_dma source(%dma_start3A_183 : memref<83521x16xf32, #tpu.memory_space<hbm>>) target(%dma_start3A_177 : memref<128x16xf32, #tpu.memory_space<vmem>>) offsets(%dma_start3A_180 : memref<128xi32, #tpu.memory_space<vmem>>) semaphore(%arg13 : memref<!tpu.dma_semaphore, #tpu.memory_space<semaphore_mem>>)
      %dma_start3A_184 = arith.constant 0 : i32
      %dma_start3A_185 = arith.constant 2 : i32
      %dma_start3A_186 = arith.constant 0 : i32
      %dma_start3A_187 = arith.constant 256 : i32
      %dma_start3A_188 = arith.constant 0 : i32
      %dma_start3A_189 = tpu.memref_slice %arg10[%dma_start3A_186, %dma_start3A_187, %dma_start3A_188] : memref<2x512x16xf32, #tpu.memory_space<vmem>> -> memref<1x128x16xf32, #tpu.memory_space<vmem>>
      %dma_start3A_190 = tpu.memref_squeeze %dma_start3A_189 : memref<1x128x16xf32, #tpu.memory_space<vmem>> -> memref<128x16xf32, #tpu.memory_space<vmem>>
      %dma_start3A_191 = arith.constant 0 : i32
      %dma_start3A_192 = tpu.memref_slice %arg9[%dma_start3A_184, %dma_start3A_185, %dma_start3A_191] : memref<16x4x128xi32, #tpu.memory_space<vmem>> -> memref<1x1x128xi32, #tpu.memory_space<vmem>>
      %dma_start3A_193 = tpu.memref_squeeze %dma_start3A_192 : memref<1x1x128xi32, #tpu.memory_space<vmem>> -> memref<128xi32, #tpu.memory_space<vmem>>
      %dma_start3A_194 = arith.constant 0 : i32
      %dma_start3A_195 = arith.constant 0 : i32
      %dma_start3A_196 = tpu.memref_slice %arg3[%dma_start3A_194, %dma_start3A_195] : memref<83521x16xf32, #tpu.memory_space<hbm>> -> memref<83521x16xf32, #tpu.memory_space<hbm>>
      tpu.enqueue_indirect_dma source(%dma_start3A_196 : memref<83521x16xf32, #tpu.memory_space<hbm>>) target(%dma_start3A_190 : memref<128x16xf32, #tpu.memory_space<vmem>>) offsets(%dma_start3A_193 : memref<128xi32, #tpu.memory_space<vmem>>) semaphore(%arg13 : memref<!tpu.dma_semaphore, #tpu.memory_space<semaphore_mem>>)
      %dma_start3A_197 = arith.constant 0 : i32
      %dma_start3A_198 = arith.constant 3 : i32
      %dma_start3A_199 = arith.constant 0 : i32
      %dma_start3A_200 = arith.constant 384 : i32
      %dma_start3A_201 = arith.constant 0 : i32
      %dma_start3A_202 = tpu.memref_slice %arg10[%dma_start3A_199, %dma_start3A_200, %dma_start3A_201] : memref<2x512x16xf32, #tpu.memory_space<vmem>> -> memref<1x128x16xf32, #tpu.memory_space<vmem>>
      %dma_start3A_203 = tpu.memref_squeeze %dma_start3A_202 : memref<1x128x16xf32, #tpu.memory_space<vmem>> -> memref<128x16xf32, #tpu.memory_space<vmem>>
      %dma_start3A_204 = arith.constant 0 : i32
      %dma_start3A_205 = tpu.memref_slice %arg9[%dma_start3A_197, %dma_start3A_198, %dma_start3A_204] : memref<16x4x128xi32, #tpu.memory_space<vmem>> -> memref<1x1x128xi32, #tpu.memory_space<vmem>>
      %dma_start3A_206 = tpu.memref_squeeze %dma_start3A_205 : memref<1x1x128xi32, #tpu.memory_space<vmem>> -> memref<128xi32, #tpu.memory_space<vmem>>
      %dma_start3A_207 = arith.constant 0 : i32
      %dma_start3A_208 = arith.constant 0 : i32
      %dma_start3A_209 = tpu.memref_slice %arg3[%dma_start3A_207, %dma_start3A_208] : memref<83521x16xf32, #tpu.memory_space<hbm>> -> memref<83521x16xf32, #tpu.memory_space<hbm>>
      tpu.enqueue_indirect_dma source(%dma_start3A_209 : memref<83521x16xf32, #tpu.memory_space<hbm>>) target(%dma_start3A_203 : memref<128x16xf32, #tpu.memory_space<vmem>>) offsets(%dma_start3A_206 : memref<128xi32, #tpu.memory_space<vmem>>) semaphore(%arg13 : memref<!tpu.dma_semaphore, #tpu.memory_space<semaphore_mem>>)
      %scan3A_210 = arith.constant 0 : i32
      %scan3A_211 = arith.constant 7 : i32
      %scan3A_212 = arith.addi %scan3A_210, %scan3A_211 : i32
      %scan3A_213 = arith.constant 1 : i32
      scf.for %scan3A_312 = %scan3A_210 to %scan3A_212 step %scan3A_213  : i32 {
        %mul3A_313 = arith.constant 2 : i32
        %mul3A_314 = arith.muli %mul3A_313, %scan3A_312 : i32
        %add3A_315 = arith.constant 1 : i32
        %add3A_316 = arith.addi %mul3A_314, %add3A_315 : i32
        %dma_start3A_317 = arith.constant 0 : i32
        %dma_start3A_318 = arith.constant 1 : i32
        %dma_start3A_319 = arith.constant 0 : i32
        %dma_start3A_320 = arith.constant 0 : i32
        %dma_start3A_321 = tpu.memref_slice %arg10[%dma_start3A_318, %dma_start3A_319, %dma_start3A_320] : memref<2x512x16xf32, #tpu.memory_space<vmem>> -> memref<1x128x16xf32, #tpu.memory_space<vmem>>
        %dma_start3A_322 = tpu.memref_squeeze %dma_start3A_321 : memref<1x128x16xf32, #tpu.memory_space<vmem>> -> memref<128x16xf32, #tpu.memory_space<vmem>>
        %dma_start3A_323 = arith.constant 0 : i32
        %dma_start3A_324 = tpu.memref_slice %arg9[%add3A_316, %dma_start3A_317, %dma_start3A_323] : memref<16x4x128xi32, #tpu.memory_space<vmem>> -> memref<1x1x128xi32, #tpu.memory_space<vmem>>
        %dma_start3A_325 = tpu.memref_squeeze %dma_start3A_324 : memref<1x1x128xi32, #tpu.memory_space<vmem>> -> memref<128xi32, #tpu.memory_space<vmem>>
        %dma_start3A_326 = arith.constant 0 : i32
        %dma_start3A_327 = arith.constant 0 : i32
        %dma_start3A_328 = tpu.memref_slice %arg3[%dma_start3A_326, %dma_start3A_327] : memref<83521x16xf32, #tpu.memory_space<hbm>> -> memref<83521x16xf32, #tpu.memory_space<hbm>>
        tpu.enqueue_indirect_dma source(%dma_start3A_328 : memref<83521x16xf32, #tpu.memory_space<hbm>>) target(%dma_start3A_322 : memref<128x16xf32, #tpu.memory_space<vmem>>) offsets(%dma_start3A_325 : memref<128xi32, #tpu.memory_space<vmem>>) semaphore(%arg14 : memref<!tpu.dma_semaphore, #tpu.memory_space<semaphore_mem>>)
        %dma_start3A_329 = arith.constant 1 : i32
        %dma_start3A_330 = arith.constant 1 : i32
        %dma_start3A_331 = arith.constant 128 : i32
        %dma_start3A_332 = arith.constant 0 : i32
        %dma_start3A_333 = tpu.memref_slice %arg10[%dma_start3A_330, %dma_start3A_331, %dma_start3A_332] : memref<2x512x16xf32, #tpu.memory_space<vmem>> -> memref<1x128x16xf32, #tpu.memory_space<vmem>>
        %dma_start3A_334 = tpu.memref_squeeze %dma_start3A_333 : memref<1x128x16xf32, #tpu.memory_space<vmem>> -> memref<128x16xf32, #tpu.memory_space<vmem>>
        %dma_start3A_335 = arith.constant 0 : i32
        %dma_start3A_336 = tpu.memref_slice %arg9[%add3A_316, %dma_start3A_329, %dma_start3A_335] : memref<16x4x128xi32, #tpu.memory_space<vmem>> -> memref<1x1x128xi32, #tpu.memory_space<vmem>>
        %dma_start3A_337 = tpu.memref_squeeze %dma_start3A_336 : memref<1x1x128xi32, #tpu.memory_space<vmem>> -> memref<128xi32, #tpu.memory_space<vmem>>
        %dma_start3A_338 = arith.constant 0 : i32
        %dma_start3A_339 = arith.constant 0 : i32
        %dma_start3A_340 = tpu.memref_slice %arg3[%dma_start3A_338, %dma_start3A_339] : memref<83521x16xf32, #tpu.memory_space<hbm>> -> memref<83521x16xf32, #tpu.memory_space<hbm>>
        tpu.enqueue_indirect_dma source(%dma_start3A_340 : memref<83521x16xf32, #tpu.memory_space<hbm>>) target(%dma_start3A_334 : memref<128x16xf32, #tpu.memory_space<vmem>>) offsets(%dma_start3A_337 : memref<128xi32, #tpu.memory_space<vmem>>) semaphore(%arg14 : memref<!tpu.dma_semaphore, #tpu.memory_space<semaphore_mem>>)
        %dma_start3A_341 = arith.constant 2 : i32
        %dma_start3A_342 = arith.constant 1 : i32
        %dma_start3A_343 = arith.constant 256 : i32
        %dma_start3A_344 = arith.constant 0 : i32
        %dma_start3A_345 = tpu.memref_slice %arg10[%dma_start3A_342, %dma_start3A_343, %dma_start3A_344] : memref<2x512x16xf32, #tpu.memory_space<vmem>> -> memref<1x128x16xf32, #tpu.memory_space<vmem>>
        %dma_start3A_346 = tpu.memref_squeeze %dma_start3A_345 : memref<1x128x16xf32, #tpu.memory_space<vmem>> -> memref<128x16xf32, #tpu.memory_space<vmem>>
        %dma_start3A_347 = arith.constant 0 : i32
        %dma_start3A_348 = tpu.memref_slice %arg9[%add3A_316, %dma_start3A_341, %dma_start3A_347] : memref<16x4x128xi32, #tpu.memory_space<vmem>> -> memref<1x1x128xi32, #tpu.memory_space<vmem>>
        %dma_start3A_349 = tpu.memref_squeeze %dma_start3A_348 : memref<1x1x128xi32, #tpu.memory_space<vmem>> -> memref<128xi32, #tpu.memory_space<vmem>>
        %dma_start3A_350 = arith.constant 0 : i32
        %dma_start3A_351 = arith.constant 0 : i32
        %dma_start3A_352 = tpu.memref_slice %arg3[%dma_start3A_350, %dma_start3A_351] : memref<83521x16xf32, #tpu.memory_space<hbm>> -> memref<83521x16xf32, #tpu.memory_space<hbm>>
        tpu.enqueue_indirect_dma source(%dma_start3A_352 : memref<83521x16xf32, #tpu.memory_space<hbm>>) target(%dma_start3A_346 : memref<128x16xf32, #tpu.memory_space<vmem>>) offsets(%dma_start3A_349 : memref<128xi32, #tpu.memory_space<vmem>>) semaphore(%arg14 : memref<!tpu.dma_semaphore, #tpu.memory_space<semaphore_mem>>)
        %dma_start3A_353 = arith.constant 3 : i32
        %dma_start3A_354 = arith.constant 1 : i32
        %dma_start3A_355 = arith.constant 384 : i32
        %dma_start3A_356 = arith.constant 0 : i32
        %dma_start3A_357 = tpu.memref_slice %arg10[%dma_start3A_354, %dma_start3A_355, %dma_start3A_356] : memref<2x512x16xf32, #tpu.memory_space<vmem>> -> memref<1x128x16xf32, #tpu.memory_space<vmem>>
        %dma_start3A_358 = tpu.memref_squeeze %dma_start3A_357 : memref<1x128x16xf32, #tpu.memory_space<vmem>> -> memref<128x16xf32, #tpu.memory_space<vmem>>
        %dma_start3A_359 = arith.constant 0 : i32
        %dma_start3A_360 = tpu.memref_slice %arg9[%add3A_316, %dma_start3A_353, %dma_start3A_359] : memref<16x4x128xi32, #tpu.memory_space<vmem>> -> memref<1x1x128xi32, #tpu.memory_space<vmem>>
        %dma_start3A_361 = tpu.memref_squeeze %dma_start3A_360 : memref<1x1x128xi32, #tpu.memory_space<vmem>> -> memref<128xi32, #tpu.memory_space<vmem>>
        %dma_start3A_362 = arith.constant 0 : i32
        %dma_start3A_363 = arith.constant 0 : i32
        %dma_start3A_364 = tpu.memref_slice %arg3[%dma_start3A_362, %dma_start3A_363] : memref<83521x16xf32, #tpu.memory_space<hbm>> -> memref<83521x16xf32, #tpu.memory_space<hbm>>
        tpu.enqueue_indirect_dma source(%dma_start3A_364 : memref<83521x16xf32, #tpu.memory_space<hbm>>) target(%dma_start3A_358 : memref<128x16xf32, #tpu.memory_space<vmem>>) offsets(%dma_start3A_361 : memref<128xi32, #tpu.memory_space<vmem>>) semaphore(%arg14 : memref<!tpu.dma_semaphore, #tpu.memory_space<semaphore_mem>>)
        %dma_wait3A_365 = arith.constant 0 : i32
        %dma_wait3A_366 = arith.constant 0 : i32
        %dma_wait3A_367 = arith.constant 0 : i32
        %dma_wait3A_368 = arith.constant 0 : i32
        %dma_wait3A_369 = arith.constant 0 : i32
        %dma_wait3A_370 = tpu.memref_slice %arg10[%dma_wait3A_367, %dma_wait3A_368, %dma_wait3A_369] : memref<2x512x16xf32, #tpu.memory_space<vmem>> -> memref<1x512x16xf32, #tpu.memory_space<vmem>>
        %dma_wait3A_371 = tpu.memref_squeeze %dma_wait3A_370 : memref<1x512x16xf32, #tpu.memory_space<vmem>> -> memref<512x16xf32, #tpu.memory_space<vmem>>
        %dma_wait3A_372 = arith.constant 0 : i32
        %dma_wait3A_373 = tpu.memref_slice %arg9[%dma_wait3A_365, %dma_wait3A_366, %dma_wait3A_372] : memref<16x4x128xi32, #tpu.memory_space<vmem>> -> memref<1x1x128xi32, #tpu.memory_space<vmem>>
        %dma_wait3A_374 = tpu.memref_squeeze %dma_wait3A_373 : memref<1x1x128xi32, #tpu.memory_space<vmem>> -> memref<128xi32, #tpu.memory_space<vmem>>
        %dma_wait3A_375 = arith.constant 0 : i32
        %dma_wait3A_376 = arith.constant 0 : i32
        %dma_wait3A_377 = tpu.memref_slice %arg3[%dma_wait3A_375, %dma_wait3A_376] : memref<83521x16xf32, #tpu.memory_space<hbm>> -> memref<83521x16xf32, #tpu.memory_space<hbm>>
        tpu.wait_indirect_dma semaphore(%arg13 : memref<!tpu.dma_semaphore, #tpu.memory_space<semaphore_mem>>) src(%dma_wait3A_377 : memref<83521x16xf32, #tpu.memory_space<hbm>>) dst(%dma_wait3A_371 : memref<512x16xf32, #tpu.memory_space<vmem>>)
        %scan3A_378 = arith.constant 0 : i32
        %scan3A_379 = arith.constant 8 : i32
        %scan3A_380 = arith.addi %scan3A_378, %scan3A_379 : i32
        %scan3A_381 = arith.constant 1 : i32
        scf.for %scan3A_453 = %scan3A_378 to %scan3A_380 step %scan3A_381  : i32 {
          %mul3A_454 = arith.constant 128 : i32
          %mul3A_455 = arith.muli %mul3A_314, %mul3A_454 : i32
          %mul3A_456 = arith.constant 16 : i32
          %mul3A_457 = arith.muli %scan3A_453, %mul3A_456 : i32
          %add3A_458 = arith.addi %mul3A_455, %mul3A_457 : i32
          %get3A = arith.constant 0 : i32
          %get3A_459 = arith.index_cast %get3A : i32 to index
          %get3A_460 = arith.index_cast %add3A_458 : i32 to index
          %get3A_461 = tpu.vector_load %arg7[%get3A_459, %get3A_460] {strides = array<i32>} : memref<2x2048xf32, #tpu.memory_space<vmem>>, vector<16xf32>,
          %get3A_462 = arith.constant 1 : i32
          %get3A_463 = arith.index_cast %get3A_462 : i32 to index
          %get3A_464 = arith.index_cast %add3A_458 : i32 to index
          %get3A_465 = tpu.vector_load %arg7[%get3A_463, %get3A_464] {strides = array<i32>} : memref<2x2048xf32, #tpu.memory_space<vmem>>, vector<16xf32>,
          %mul3A_466 = arith.constant 4 : i32
          %mul3A_467 = arith.muli %add3A_458, %mul3A_466 : i32
          %add3A_468 = vector.broadcast %mul3A_467 : i32 to vector<16xi32>
          %add3A_469 = arith.addi %add3A_468, %iota3A : vector<16xi32>
          %mul3A_470 = arith.constant 16 : i32
          %mul3A_471 = arith.muli %add3A_458, %mul3A_470 : i32
          %parallel_loop3A_472 = arith.constant 0 : i32
          %parallel_loop3A_473 = arith.constant 16 : i32
          %parallel_loop3A_474 = arith.constant 1 : i32
          scf.for %parallel_loop3A_475 = %parallel_loop3A_472 to %parallel_loop3A_473 step %parallel_loop3A_474  : i32 {
            %parallel_loop3A_476 = arith.constant 16 : i32
            %parallel_loop3A_477 = arith.muli %scan3A_453, %parallel_loop3A_476 : i32
            %parallel_loop3A_478 = arith.addi %parallel_loop3A_477, %parallel_loop3A_475 : i32
            %parallel_loop3A_479 = arith.constant 0 : i32
            %parallel_loop3A_480 = arith.index_cast %parallel_loop3A_479 : i32 to index
            %parallel_loop3A_481 = arith.index_cast %parallel_loop3A_478 : i32 to index
            %parallel_loop3A_482 = arith.constant 0 : index
            %parallel_loop3A_483 = tpu.vector_load %arg10[%parallel_loop3A_480, %parallel_loop3A_481, %parallel_loop3A_482] {strides = array<i32>} : memref<2x512x16xf32, #tpu.memory_space<vmem>>, vector<16xf32>,
            %parallel_loop3A_484 = arith.constant 128 : i32
            %parallel_loop3A_485 = arith.addi %parallel_loop3A_484, %parallel_loop3A_478 : i32
            %parallel_loop3A_486 = arith.constant 0 : i32
            %parallel_loop3A_487 = arith.index_cast %parallel_loop3A_486 : i32 to index
            %parallel_loop3A_488 = arith.index_cast %parallel_loop3A_485 : i32 to index
            %parallel_loop3A_489 = arith.constant 0 : index
            %parallel_loop3A_490 = tpu.vector_load %arg10[%parallel_loop3A_487, %parallel_loop3A_488, %parallel_loop3A_489] {strides = array<i32>} : memref<2x512x16xf32, #tpu.memory_space<vmem>>, vector<16xf32>,
            %parallel_loop3A_491 = arith.constant 256 : i32
            %parallel_loop3A_492 = arith.addi %parallel_loop3A_491, %parallel_loop3A_478 : i32
            %parallel_loop3A_493 = arith.constant 0 : i32
            %parallel_loop3A_494 = arith.index_cast %parallel_loop3A_493 : i32 to index
            %parallel_loop3A_495 = arith.index_cast %parallel_loop3A_492 : i32 to index
            %parallel_loop3A_496 = arith.constant 0 : index
            %parallel_loop3A_497 = tpu.vector_load %arg10[%parallel_loop3A_494, %parallel_loop3A_495, %parallel_loop3A_496] {strides = array<i32>} : memref<2x512x16xf32, #tpu.memory_space<vmem>>, vector<16xf32>,
            %parallel_loop3A_498 = arith.constant 384 : i32
            %parallel_loop3A_499 = arith.addi %parallel_loop3A_498, %parallel_loop3A_478 : i32
            %parallel_loop3A_500 = arith.constant 0 : i32
            %parallel_loop3A_501 = arith.index_cast %parallel_loop3A_500 : i32 to index
            %parallel_loop3A_502 = arith.index_cast %parallel_loop3A_499 : i32 to index
            %parallel_loop3A_503 = arith.constant 0 : index
            %parallel_loop3A_504 = tpu.vector_load %arg10[%parallel_loop3A_501, %parallel_loop3A_502, %parallel_loop3A_503] {strides = array<i32>} : memref<2x512x16xf32, #tpu.memory_space<vmem>>, vector<16xf32>,
            %parallel_loop3A_505 = vector.broadcast %parallel_loop3A_475 : i32 to vector<16xi32>
            %parallel_loop3A_506 = arith.constant 16 : i32
            %parallel_loop3A_507 = arith.constant 0 : i32
            %parallel_loop3A_508 = arith.cmpi eq, %parallel_loop3A_506, %parallel_loop3A_507 : i32
            %parallel_loop3A_509 = arith.constant 1 : i32
            %parallel_loop3A_510 = arith.select %parallel_loop3A_508, %parallel_loop3A_509, %parallel_loop3A_506 : i32
            %parallel_loop3A_511 = vector.broadcast %parallel_loop3A_510 : i32 to vector<16xi32>
            %parallel_loop3A_512 = arith.remsi %parallel_loop3A_505, %parallel_loop3A_511 : vector<16xi32>
            %parallel_loop3A_513 = arith.constant 0 : i32
            %parallel_loop3A_514 = vector.broadcast %parallel_loop3A_513 : i32 to vector<16xi32>
            %parallel_loop3A_515 = arith.cmpi ne, %parallel_loop3A_512, %parallel_loop3A_514 : vector<16xi32>
            %parallel_loop3A_516 = arith.constant 0 : i32
            %parallel_loop3A_517 = vector.broadcast %parallel_loop3A_516 : i32 to vector<16xi32>
            %parallel_loop3A_518 = arith.cmpi slt, %parallel_loop3A_512, %parallel_loop3A_517 : vector<16xi32>
            %parallel_loop3A_519 = arith.constant 0 : i32
            %parallel_loop3A_520 = arith.cmpi slt, %parallel_loop3A_510, %parallel_loop3A_519 : i32
            %parallel_loop3A_521 = vector.broadcast %parallel_loop3A_520 : i1 to vector<16xi1>
            %parallel_loop3A_522 = vector.broadcast %parallel_loop3A_521 : vector<16xi1> to vector<16xi1>
            %parallel_loop3A_523 = arith.xori %parallel_loop3A_518, %parallel_loop3A_522 : vector<16xi1>
            %parallel_loop3A_524 = arith.andi %parallel_loop3A_523, %parallel_loop3A_515 : vector<16xi1>
            %parallel_loop3A_525 = vector.broadcast %parallel_loop3A_510 : i32 to vector<16xi32>
            %parallel_loop3A_526 = arith.addi %parallel_loop3A_512, %parallel_loop3A_525 : vector<16xi32>
            %parallel_loop3A_527 = arith.select %parallel_loop3A_524, %parallel_loop3A_526, %parallel_loop3A_512 : vector<16xi1>, vector<16xi32>
            %parallel_loop3A_528 = vector.shape_cast %parallel_loop3A_527 : vector<16xi32> to vector<16x1xi32>
            %parallel_loop3A_529 = vector.shape_cast %parallel_loop3A_528 : vector<16x1xi32> to vector<16xi32>
            %parallel_loop3A_530 = tpu.dynamic_gather %get3A_461[%parallel_loop3A_529] in [0] : vector<16xf32>, vector<16xi32> -> vector<16xf32>
            %parallel_loop3A_531 = arith.constant 16 : i32
            %parallel_loop3A_532 = arith.constant 0 : i32
            %parallel_loop3A_533 = arith.cmpi eq, %parallel_loop3A_531, %parallel_loop3A_532 : i32
            %parallel_loop3A_534 = arith.constant 1 : i32
            %parallel_loop3A_535 = arith.select %parallel_loop3A_533, %parallel_loop3A_534, %parallel_loop3A_531 : i32
            %parallel_loop3A_536 = vector.broadcast %parallel_loop3A_535 : i32 to vector<16xi32>
            %parallel_loop3A_537 = arith.remsi %parallel_loop3A_505, %parallel_loop3A_536 : vector<16xi32>
            %parallel_loop3A_538 = arith.constant 0 : i32
            %parallel_loop3A_539 = vector.broadcast %parallel_loop3A_538 : i32 to vector<16xi32>
            %parallel_loop3A_540 = arith.cmpi ne, %parallel_loop3A_537, %parallel_loop3A_539 : vector<16xi32>
            %parallel_loop3A_541 = arith.constant 0 : i32
            %parallel_loop3A_542 = vector.broadcast %parallel_loop3A_541 : i32 to vector<16xi32>
            %parallel_loop3A_543 = arith.cmpi slt, %parallel_loop3A_537, %parallel_loop3A_542 : vector<16xi32>
            %parallel_loop3A_544 = arith.constant 0 : i32
            %parallel_loop3A_545 = arith.cmpi slt, %parallel_loop3A_535, %parallel_loop3A_544 : i32
            %parallel_loop3A_546 = vector.broadcast %parallel_loop3A_545 : i1 to vector<16xi1>
            %parallel_loop3A_547 = vector.broadcast %parallel_loop3A_546 : vector<16xi1> to vector<16xi1>
            %parallel_loop3A_548 = arith.xori %parallel_loop3A_543, %parallel_loop3A_547 : vector<16xi1>
            %parallel_loop3A_549 = arith.andi %parallel_loop3A_548, %parallel_loop3A_540 : vector<16xi1>
            %parallel_loop3A_550 = vector.broadcast %parallel_loop3A_535 : i32 to vector<16xi32>
            %parallel_loop3A_551 = arith.addi %parallel_loop3A_537, %parallel_loop3A_550 : vector<16xi32>
            %parallel_loop3A_552 = arith.select %parallel_loop3A_549, %parallel_loop3A_551, %parallel_loop3A_537 : vector<16xi1>, vector<16xi32>
            %parallel_loop3A_553 = vector.shape_cast %parallel_loop3A_552 : vector<16xi32> to vector<16x1xi32>
            %parallel_loop3A_554 = vector.shape_cast %parallel_loop3A_553 : vector<16x1xi32> to vector<16xi32>
            %parallel_loop3A_555 = tpu.dynamic_gather %get3A_465[%parallel_loop3A_554] in [0] : vector<16xf32>, vector<16xi32> -> vector<16xf32>
            %parallel_loop3A_556 = arith.constant 16 : i32
            %parallel_loop3A_557 = arith.muli %parallel_loop3A_475, %parallel_loop3A_556 : i32
            %parallel_loop3A_558 = arith.addi %mul3A_471, %parallel_loop3A_557 : i32
            %parallel_loop3A_559 = arith.index_cast %parallel_loop3A_558 : i32 to index
            %parallel_loop3A_560 = tpu.vector_load %arg8[%parallel_loop3A_559] {strides = array<i32>} : memref<32768xf32, #tpu.memory_space<vmem>>, vector<16xf32>,
            %parallel_loop3A_561 = arith.subf %parallel_loop3A_490, %parallel_loop3A_483 : vector<16xf32>
            %parallel_loop3A_562 = arith.mulf %parallel_loop3A_561, %parallel_loop3A_555 : vector<16xf32>
            %parallel_loop3A_563 = arith.addf %parallel_loop3A_483, %parallel_loop3A_562 : vector<16xf32>
            %parallel_loop3A_564 = arith.subf %parallel_loop3A_504, %parallel_loop3A_497 : vector<16xf32>
            %parallel_loop3A_565 = arith.mulf %parallel_loop3A_564, %parallel_loop3A_555 : vector<16xf32>
            %parallel_loop3A_566 = arith.addf %parallel_loop3A_497, %parallel_loop3A_565 : vector<16xf32>
            %parallel_loop3A_567 = arith.subf %parallel_loop3A_566, %parallel_loop3A_563 : vector<16xf32>
            %parallel_loop3A_568 = arith.mulf %parallel_loop3A_567, %parallel_loop3A_530 : vector<16xf32>
            %parallel_loop3A_569 = arith.addf %parallel_loop3A_563, %parallel_loop3A_568 : vector<16xf32>
            %parallel_loop3A_570 = arith.mulf %parallel_loop3A_569, %parallel_loop3A_560 : vector<16xf32>
            %parallel_loop3A_571 = arith.constant 16 : i32
            %parallel_loop3A_572 = arith.constant 0 : i32
            %parallel_loop3A_573 = arith.cmpi eq, %parallel_loop3A_571, %parallel_loop3A_572 : i32
            %parallel_loop3A_574 = arith.constant 1 : i32
            %parallel_loop3A_575 = arith.select %parallel_loop3A_573, %parallel_loop3A_574, %parallel_loop3A_571 : i32
            %parallel_loop3A_576 = vector.broadcast %parallel_loop3A_575 : i32 to vector<16xi32>
            %parallel_loop3A_577 = arith.remsi %and3A_44, %parallel_loop3A_576 : vector<16xi32>
            %parallel_loop3A_578 = arith.constant 0 : i32
            %parallel_loop3A_579 = vector.broadcast %parallel_loop3A_578 : i32 to vector<16xi32>
            %parallel_loop3A_580 = arith.cmpi ne, %parallel_loop3A_577, %parallel_loop3A_579 : vector<16xi32>
            %parallel_loop3A_581 = arith.constant 0 : i32
            %parallel_loop3A_582 = vector.broadcast %parallel_loop3A_581 : i32 to vector<16xi32>
            %parallel_loop3A_583 = arith.cmpi slt, %parallel_loop3A_577, %parallel_loop3A_582 : vector<16xi32>
            %parallel_loop3A_584 = arith.constant 0 : i32
            %parallel_loop3A_585 = arith.cmpi slt, %parallel_loop3A_575, %parallel_loop3A_584 : i32
            %parallel_loop3A_586 = vector.broadcast %parallel_loop3A_585 : i1 to vector<16xi1>
            %parallel_loop3A_587 = vector.broadcast %parallel_loop3A_586 : vector<16xi1> to vector<16xi1>
            %parallel_loop3A_588 = arith.xori %parallel_loop3A_583, %parallel_loop3A_587 : vector<16xi1>
            %parallel_loop3A_589 = arith.andi %parallel_loop3A_588, %parallel_loop3A_580 : vector<16xi1>
            %parallel_loop3A_590 = vector.broadcast %parallel_loop3A_575 : i32 to vector<16xi32>
            %parallel_loop3A_591 = arith.addi %parallel_loop3A_577, %parallel_loop3A_590 : vector<16xi32>
            %parallel_loop3A_592 = arith.select %parallel_loop3A_589, %parallel_loop3A_591, %parallel_loop3A_577 : vector<16xi1>, vector<16xi32>
            %parallel_loop3A_593 = vector.shape_cast %parallel_loop3A_592 : vector<16xi32> to vector<16x1xi32>
            %parallel_loop3A_594 = vector.shape_cast %parallel_loop3A_593 : vector<16x1xi32> to vector<16xi32>
            %parallel_loop3A_595 = tpu.dynamic_gather %parallel_loop3A_570[%parallel_loop3A_594] in [0] : vector<16xf32>, vector<16xi32> -> vector<16xf32>
            %parallel_loop3A_596 = arith.addf %parallel_loop3A_570, %parallel_loop3A_595 : vector<16xf32>
            %parallel_loop3A_597 = arith.constant 16 : i32
            %parallel_loop3A_598 = arith.constant 0 : i32
            %parallel_loop3A_599 = arith.cmpi eq, %parallel_loop3A_597, %parallel_loop3A_598 : i32
            %parallel_loop3A_600 = arith.constant 1 : i32
            %parallel_loop3A_601 = arith.select %parallel_loop3A_599, %parallel_loop3A_600, %parallel_loop3A_597 : i32
            %parallel_loop3A_602 = vector.broadcast %parallel_loop3A_601 : i32 to vector<16xi32>
            %parallel_loop3A_603 = arith.remsi %and3A_38, %parallel_loop3A_602 : vector<16xi32>
            %parallel_loop3A_604 = arith.constant 0 : i32
            %parallel_loop3A_605 = vector.broadcast %parallel_loop3A_604 : i32 to vector<16xi32>
            %parallel_loop3A_606 = arith.cmpi ne, %parallel_loop3A_603, %parallel_loop3A_605 : vector<16xi32>
            %parallel_loop3A_607 = arith.constant 0 : i32
            %parallel_loop3A_608 = vector.broadcast %parallel_loop3A_607 : i32 to vector<16xi32>
            %parallel_loop3A_609 = arith.cmpi slt, %parallel_loop3A_603, %parallel_loop3A_608 : vector<16xi32>
            %parallel_loop3A_610 = arith.constant 0 : i32
            %parallel_loop3A_611 = arith.cmpi slt, %parallel_loop3A_601, %parallel_loop3A_610 : i32
            %parallel_loop3A_612 = vector.broadcast %parallel_loop3A_611 : i1 to vector<16xi1>
            %parallel_loop3A_613 = vector.broadcast %parallel_loop3A_612 : vector<16xi1> to vector<16xi1>
            %parallel_loop3A_614 = arith.xori %parallel_loop3A_609, %parallel_loop3A_613 : vector<16xi1>
            %parallel_loop3A_615 = arith.andi %parallel_loop3A_614, %parallel_loop3A_606 : vector<16xi1>
            %parallel_loop3A_616 = vector.broadcast %parallel_loop3A_601 : i32 to vector<16xi32>
            %parallel_loop3A_617 = arith.addi %parallel_loop3A_603, %parallel_loop3A_616 : vector<16xi32>
            %parallel_loop3A_618 = arith.select %parallel_loop3A_615, %parallel_loop3A_617, %parallel_loop3A_603 : vector<16xi1>, vector<16xi32>
            %parallel_loop3A_619 = vector.shape_cast %parallel_loop3A_618 : vector<16xi32> to vector<16x1xi32>
            %parallel_loop3A_620 = vector.shape_cast %parallel_loop3A_619 : vector<16x1xi32> to vector<16xi32>
            %parallel_loop3A_621 = tpu.dynamic_gather %parallel_loop3A_596[%parallel_loop3A_620] in [0] : vector<16xf32>, vector<16xi32> -> vector<16xf32>
            %parallel_loop3A_622 = arith.addf %parallel_loop3A_596, %parallel_loop3A_621 : vector<16xf32>
            %parallel_loop3A_623 = arith.constant 4 : i32
            %parallel_loop3A_624 = arith.muli %parallel_loop3A_475, %parallel_loop3A_623 : i32
            %parallel_loop3A_625 = vector.broadcast %parallel_loop3A_624 : i32 to vector<16xi32>
            %parallel_loop3A_626 = arith.addi %add3A_469, %parallel_loop3A_625 : vector<16xi32>
            tpu.vector_store_idx %arg11[%parallel_loop3A_626], %parallel_loop3A_622 masked %lt3A_47 : memref<8192xf32, #tpu.memory_space<vmem>>[vector<16xi32>], vector<16xf32>, vector<16xi1>
          } {sc.loop_unroll_factor = 4 : i64, sc.parallel_access}
        }
        %scan3A_382 = arith.constant 8 : i32
        %add3A_383 = arith.constant 2 : i32
        %add3A_384 = arith.addi %mul3A_314, %add3A_383 : i32
        %dma_start3A_385 = arith.constant 0 : i32
        %dma_start3A_386 = arith.constant 0 : i32
        %dma_start3A_387 = arith.constant 0 : i32
        %dma_start3A_388 = arith.constant 0 : i32
        %dma_start3A_389 = tpu.memref_slice %arg10[%dma_start3A_386, %dma_start3A_387, %dma_start3A_388] : memref<2x512x16xf32, #tpu.memory_space<vmem>> -> memref<1x128x16xf32, #tpu.memory_space<vmem>>
        %dma_start3A_390 = tpu.memref_squeeze %dma_start3A_389 : memref<1x128x16xf32, #tpu.memory_space<vmem>> -> memref<128x16xf32, #tpu.memory_space<vmem>>
        %dma_start3A_391 = arith.constant 0 : i32
        %dma_start3A_392 = tpu.memref_slice %arg9[%add3A_384, %dma_start3A_385, %dma_start3A_391] : memref<16x4x128xi32, #tpu.memory_space<vmem>> -> memref<1x1x128xi32, #tpu.memory_space<vmem>>
        %dma_start3A_393 = tpu.memref_squeeze %dma_start3A_392 : memref<1x1x128xi32, #tpu.memory_space<vmem>> -> memref<128xi32, #tpu.memory_space<vmem>>
        %dma_start3A_394 = arith.constant 0 : i32
        %dma_start3A_395 = arith.constant 0 : i32
        %dma_start3A_396 = tpu.memref_slice %arg3[%dma_start3A_394, %dma_start3A_395] : memref<83521x16xf32, #tpu.memory_space<hbm>> -> memref<83521x16xf32, #tpu.memory_space<hbm>>
        tpu.enqueue_indirect_dma source(%dma_start3A_396 : memref<83521x16xf32, #tpu.memory_space<hbm>>) target(%dma_start3A_390 : memref<128x16xf32, #tpu.memory_space<vmem>>) offsets(%dma_start3A_393 : memref<128xi32, #tpu.memory_space<vmem>>) semaphore(%arg13 : memref<!tpu.dma_semaphore, #tpu.memory_space<semaphore_mem>>)
        %dma_start3A_397 = arith.constant 1 : i32
        %dma_start3A_398 = arith.constant 0 : i32
        %dma_start3A_399 = arith.constant 128 : i32
        %dma_start3A_400 = arith.constant 0 : i32
        %dma_start3A_401 = tpu.memref_slice %arg10[%dma_start3A_398, %dma_start3A_399, %dma_start3A_400] : memref<2x512x16xf32, #tpu.memory_space<vmem>> -> memref<1x128x16xf32, #tpu.memory_space<vmem>>
        %dma_start3A_402 = tpu.memref_squeeze %dma_start3A_401 : memref<1x128x16xf32, #tpu.memory_space<vmem>> -> memref<128x16xf32, #tpu.memory_space<vmem>>
        %dma_start3A_403 = arith.constant 0 : i32
        %dma_start3A_404 = tpu.memref_slice %arg9[%add3A_384, %dma_start3A_397, %dma_start3A_403] : memref<16x4x128xi32, #tpu.memory_space<vmem>> -> memref<1x1x128xi32, #tpu.memory_space<vmem>>
        %dma_start3A_405 = tpu.memref_squeeze %dma_start3A_404 : memref<1x1x128xi32, #tpu.memory_space<vmem>> -> memref<128xi32, #tpu.memory_space<vmem>>
        %dma_start3A_406 = arith.constant 0 : i32
        %dma_start3A_407 = arith.constant 0 : i32
        %dma_start3A_408 = tpu.memref_slice %arg3[%dma_start3A_406, %dma_start3A_407] : memref<83521x16xf32, #tpu.memory_space<hbm>> -> memref<83521x16xf32, #tpu.memory_space<hbm>>
        tpu.enqueue_indirect_dma source(%dma_start3A_408 : memref<83521x16xf32, #tpu.memory_space<hbm>>) target(%dma_start3A_402 : memref<128x16xf32, #tpu.memory_space<vmem>>) offsets(%dma_start3A_405 : memref<128xi32, #tpu.memory_space<vmem>>) semaphore(%arg13 : memref<!tpu.dma_semaphore, #tpu.memory_space<semaphore_mem>>)
        %dma_start3A_409 = arith.constant 2 : i32
        %dma_start3A_410 = arith.constant 0 : i32
        %dma_start3A_411 = arith.constant 256 : i32
        %dma_start3A_412 = arith.constant 0 : i32
        %dma_start3A_413 = tpu.memref_slice %arg10[%dma_start3A_410, %dma_start3A_411, %dma_start3A_412] : memref<2x512x16xf32, #tpu.memory_space<vmem>> -> memref<1x128x16xf32, #tpu.memory_space<vmem>>
        %dma_start3A_414 = tpu.memref_squeeze %dma_start3A_413 : memref<1x128x16xf32, #tpu.memory_space<vmem>> -> memref<128x16xf32, #tpu.memory_space<vmem>>
        %dma_start3A_415 = arith.constant 0 : i32
        %dma_start3A_416 = tpu.memref_slice %arg9[%add3A_384, %dma_start3A_409, %dma_start3A_415] : memref<16x4x128xi32, #tpu.memory_space<vmem>> -> memref<1x1x128xi32, #tpu.memory_space<vmem>>
        %dma_start3A_417 = tpu.memref_squeeze %dma_start3A_416 : memref<1x1x128xi32, #tpu.memory_space<vmem>> -> memref<128xi32, #tpu.memory_space<vmem>>
        %dma_start3A_418 = arith.constant 0 : i32
        %dma_start3A_419 = arith.constant 0 : i32
        %dma_start3A_420 = tpu.memref_slice %arg3[%dma_start3A_418, %dma_start3A_419] : memref<83521x16xf32, #tpu.memory_space<hbm>> -> memref<83521x16xf32, #tpu.memory_space<hbm>>
        tpu.enqueue_indirect_dma source(%dma_start3A_420 : memref<83521x16xf32, #tpu.memory_space<hbm>>) target(%dma_start3A_414 : memref<128x16xf32, #tpu.memory_space<vmem>>) offsets(%dma_start3A_417 : memref<128xi32, #tpu.memory_space<vmem>>) semaphore(%arg13 : memref<!tpu.dma_semaphore, #tpu.memory_space<semaphore_mem>>)
        %dma_start3A_421 = arith.constant 3 : i32
        %dma_start3A_422 = arith.constant 0 : i32
        %dma_start3A_423 = arith.constant 384 : i32
        %dma_start3A_424 = arith.constant 0 : i32
        %dma_start3A_425 = tpu.memref_slice %arg10[%dma_start3A_422, %dma_start3A_423, %dma_start3A_424] : memref<2x512x16xf32, #tpu.memory_space<vmem>> -> memref<1x128x16xf32, #tpu.memory_space<vmem>>
        %dma_start3A_426 = tpu.memref_squeeze %dma_start3A_425 : memref<1x128x16xf32, #tpu.memory_space<vmem>> -> memref<128x16xf32, #tpu.memory_space<vmem>>
        %dma_start3A_427 = arith.constant 0 : i32
        %dma_start3A_428 = tpu.memref_slice %arg9[%add3A_384, %dma_start3A_421, %dma_start3A_427] : memref<16x4x128xi32, #tpu.memory_space<vmem>> -> memref<1x1x128xi32, #tpu.memory_space<vmem>>
        %dma_start3A_429 = tpu.memref_squeeze %dma_start3A_428 : memref<1x1x128xi32, #tpu.memory_space<vmem>> -> memref<128xi32, #tpu.memory_space<vmem>>
        %dma_start3A_430 = arith.constant 0 : i32
        %dma_start3A_431 = arith.constant 0 : i32
        %dma_start3A_432 = tpu.memref_slice %arg3[%dma_start3A_430, %dma_start3A_431] : memref<83521x16xf32, #tpu.memory_space<hbm>> -> memref<83521x16xf32, #tpu.memory_space<hbm>>
        tpu.enqueue_indirect_dma source(%dma_start3A_432 : memref<83521x16xf32, #tpu.memory_space<hbm>>) target(%dma_start3A_426 : memref<128x16xf32, #tpu.memory_space<vmem>>) offsets(%dma_start3A_429 : memref<128xi32, #tpu.memory_space<vmem>>) semaphore(%arg13 : memref<!tpu.dma_semaphore, #tpu.memory_space<semaphore_mem>>)
        %dma_wait3A_433 = arith.constant 0 : i32
        %dma_wait3A_434 = arith.constant 0 : i32
        %dma_wait3A_435 = arith.constant 1 : i32
        %dma_wait3A_436 = arith.constant 0 : i32
        %dma_wait3A_437 = arith.constant 0 : i32
        %dma_wait3A_438 = tpu.memref_slice %arg10[%dma_wait3A_435, %dma_wait3A_436, %dma_wait3A_437] : memref<2x512x16xf32, #tpu.memory_space<vmem>> -> memref<1x512x16xf32, #tpu.memory_space<vmem>>
        %dma_wait3A_439 = tpu.memref_squeeze %dma_wait3A_438 : memref<1x512x16xf32, #tpu.memory_space<vmem>> -> memref<512x16xf32, #tpu.memory_space<vmem>>
        %dma_wait3A_440 = arith.constant 0 : i32
        %dma_wait3A_441 = tpu.memref_slice %arg9[%dma_wait3A_433, %dma_wait3A_434, %dma_wait3A_440] : memref<16x4x128xi32, #tpu.memory_space<vmem>> -> memref<1x1x128xi32, #tpu.memory_space<vmem>>
        %dma_wait3A_442 = tpu.memref_squeeze %dma_wait3A_441 : memref<1x1x128xi32, #tpu.memory_space<vmem>> -> memref<128xi32, #tpu.memory_space<vmem>>
        %dma_wait3A_443 = arith.constant 0 : i32
        %dma_wait3A_444 = arith.constant 0 : i32
        %dma_wait3A_445 = tpu.memref_slice %arg3[%dma_wait3A_443, %dma_wait3A_444] : memref<83521x16xf32, #tpu.memory_space<hbm>> -> memref<83521x16xf32, #tpu.memory_space<hbm>>
        tpu.wait_indirect_dma semaphore(%arg14 : memref<!tpu.dma_semaphore, #tpu.memory_space<semaphore_mem>>) src(%dma_wait3A_445 : memref<83521x16xf32, #tpu.memory_space<hbm>>) dst(%dma_wait3A_439 : memref<512x16xf32, #tpu.memory_space<vmem>>)
        %add3A_446 = arith.constant 1 : i32
        %add3A_447 = arith.addi %mul3A_314, %add3A_446 : i32
        %scan3A_448 = arith.constant 0 : i32
        %scan3A_449 = arith.constant 8 : i32
        %scan3A_450 = arith.addi %scan3A_448, %scan3A_449 : i32
        %scan3A_451 = arith.constant 1 : i32
        scf.for %scan3A_453 = %scan3A_448 to %scan3A_450 step %scan3A_451  : i32 {
          %mul3A_454 = arith.constant 128 : i32
          %mul3A_455 = arith.muli %add3A_447, %mul3A_454 : i32
          %mul3A_456 = arith.constant 16 : i32
          %mul3A_457 = arith.muli %scan3A_453, %mul3A_456 : i32
          %add3A_458 = arith.addi %mul3A_455, %mul3A_457 : i32
          %get3A = arith.constant 0 : i32
          %get3A_459 = arith.index_cast %get3A : i32 to index
          %get3A_460 = arith.index_cast %add3A_458 : i32 to index
          %get3A_461 = tpu.vector_load %arg7[%get3A_459, %get3A_460] {strides = array<i32>} : memref<2x2048xf32, #tpu.memory_space<vmem>>, vector<16xf32>,
          %get3A_462 = arith.constant 1 : i32
          %get3A_463 = arith.index_cast %get3A_462 : i32 to index
          %get3A_464 = arith.index_cast %add3A_458 : i32 to index
          %get3A_465 = tpu.vector_load %arg7[%get3A_463, %get3A_464] {strides = array<i32>} : memref<2x2048xf32, #tpu.memory_space<vmem>>, vector<16xf32>,
          %mul3A_466 = arith.constant 4 : i32
          %mul3A_467 = arith.muli %add3A_458, %mul3A_466 : i32
          %add3A_468 = vector.broadcast %mul3A_467 : i32 to vector<16xi32>
          %add3A_469 = arith.addi %add3A_468, %iota3A : vector<16xi32>
          %mul3A_470 = arith.constant 16 : i32
          %mul3A_471 = arith.muli %add3A_458, %mul3A_470 : i32
          %parallel_loop3A_472 = arith.constant 0 : i32
          %parallel_loop3A_473 = arith.constant 16 : i32
          %parallel_loop3A_474 = arith.constant 1 : i32
          scf.for %parallel_loop3A_475 = %parallel_loop3A_472 to %parallel_loop3A_473 step %parallel_loop3A_474  : i32 {
            %parallel_loop3A_476 = arith.constant 16 : i32
            %parallel_loop3A_477 = arith.muli %scan3A_453, %parallel_loop3A_476 : i32
            %parallel_loop3A_478 = arith.addi %parallel_loop3A_477, %parallel_loop3A_475 : i32
            %parallel_loop3A_479 = arith.constant 1 : i32
            %parallel_loop3A_480 = arith.index_cast %parallel_loop3A_479 : i32 to index
            %parallel_loop3A_481 = arith.index_cast %parallel_loop3A_478 : i32 to index
            %parallel_loop3A_482 = arith.constant 0 : index
            %parallel_loop3A_483 = tpu.vector_load %arg10[%parallel_loop3A_480, %parallel_loop3A_481, %parallel_loop3A_482] {strides = array<i32>} : memref<2x512x16xf32, #tpu.memory_space<vmem>>, vector<16xf32>,
            %parallel_loop3A_484 = arith.constant 128 : i32
            %parallel_loop3A_485 = arith.addi %parallel_loop3A_484, %parallel_loop3A_478 : i32
            %parallel_loop3A_486 = arith.constant 1 : i32
            %parallel_loop3A_487 = arith.index_cast %parallel_loop3A_486 : i32 to index
            %parallel_loop3A_488 = arith.index_cast %parallel_loop3A_485 : i32 to index
            %parallel_loop3A_489 = arith.constant 0 : index
            %parallel_loop3A_490 = tpu.vector_load %arg10[%parallel_loop3A_487, %parallel_loop3A_488, %parallel_loop3A_489] {strides = array<i32>} : memref<2x512x16xf32, #tpu.memory_space<vmem>>, vector<16xf32>,
            %parallel_loop3A_491 = arith.constant 256 : i32
            %parallel_loop3A_492 = arith.addi %parallel_loop3A_491, %parallel_loop3A_478 : i32
            %parallel_loop3A_493 = arith.constant 1 : i32
            %parallel_loop3A_494 = arith.index_cast %parallel_loop3A_493 : i32 to index
            %parallel_loop3A_495 = arith.index_cast %parallel_loop3A_492 : i32 to index
            %parallel_loop3A_496 = arith.constant 0 : index
            %parallel_loop3A_497 = tpu.vector_load %arg10[%parallel_loop3A_494, %parallel_loop3A_495, %parallel_loop3A_496] {strides = array<i32>} : memref<2x512x16xf32, #tpu.memory_space<vmem>>, vector<16xf32>,
            %parallel_loop3A_498 = arith.constant 384 : i32
            %parallel_loop3A_499 = arith.addi %parallel_loop3A_498, %parallel_loop3A_478 : i32
            %parallel_loop3A_500 = arith.constant 1 : i32
            %parallel_loop3A_501 = arith.index_cast %parallel_loop3A_500 : i32 to index
            %parallel_loop3A_502 = arith.index_cast %parallel_loop3A_499 : i32 to index
            %parallel_loop3A_503 = arith.constant 0 : index
            %parallel_loop3A_504 = tpu.vector_load %arg10[%parallel_loop3A_501, %parallel_loop3A_502, %parallel_loop3A_503] {strides = array<i32>} : memref<2x512x16xf32, #tpu.memory_space<vmem>>, vector<16xf32>,
            %parallel_loop3A_505 = vector.broadcast %parallel_loop3A_475 : i32 to vector<16xi32>
            %parallel_loop3A_506 = arith.constant 16 : i32
            %parallel_loop3A_507 = arith.constant 0 : i32
            %parallel_loop3A_508 = arith.cmpi eq, %parallel_loop3A_506, %parallel_loop3A_507 : i32
            %parallel_loop3A_509 = arith.constant 1 : i32
            %parallel_loop3A_510 = arith.select %parallel_loop3A_508, %parallel_loop3A_509, %parallel_loop3A_506 : i32
            %parallel_loop3A_511 = vector.broadcast %parallel_loop3A_510 : i32 to vector<16xi32>
            %parallel_loop3A_512 = arith.remsi %parallel_loop3A_505, %parallel_loop3A_511 : vector<16xi32>
            %parallel_loop3A_513 = arith.constant 0 : i32
            %parallel_loop3A_514 = vector.broadcast %parallel_loop3A_513 : i32 to vector<16xi32>
            %parallel_loop3A_515 = arith.cmpi ne, %parallel_loop3A_512, %parallel_loop3A_514 : vector<16xi32>
            %parallel_loop3A_516 = arith.constant 0 : i32
            %parallel_loop3A_517 = vector.broadcast %parallel_loop3A_516 : i32 to vector<16xi32>
            %parallel_loop3A_518 = arith.cmpi slt, %parallel_loop3A_512, %parallel_loop3A_517 : vector<16xi32>
            %parallel_loop3A_519 = arith.constant 0 : i32
            %parallel_loop3A_520 = arith.cmpi slt, %parallel_loop3A_510, %parallel_loop3A_519 : i32
            %parallel_loop3A_521 = vector.broadcast %parallel_loop3A_520 : i1 to vector<16xi1>
            %parallel_loop3A_522 = vector.broadcast %parallel_loop3A_521 : vector<16xi1> to vector<16xi1>
            %parallel_loop3A_523 = arith.xori %parallel_loop3A_518, %parallel_loop3A_522 : vector<16xi1>
            %parallel_loop3A_524 = arith.andi %parallel_loop3A_523, %parallel_loop3A_515 : vector<16xi1>
            %parallel_loop3A_525 = vector.broadcast %parallel_loop3A_510 : i32 to vector<16xi32>
            %parallel_loop3A_526 = arith.addi %parallel_loop3A_512, %parallel_loop3A_525 : vector<16xi32>
            %parallel_loop3A_527 = arith.select %parallel_loop3A_524, %parallel_loop3A_526, %parallel_loop3A_512 : vector<16xi1>, vector<16xi32>
            %parallel_loop3A_528 = vector.shape_cast %parallel_loop3A_527 : vector<16xi32> to vector<16x1xi32>
            %parallel_loop3A_529 = vector.shape_cast %parallel_loop3A_528 : vector<16x1xi32> to vector<16xi32>
            %parallel_loop3A_530 = tpu.dynamic_gather %get3A_461[%parallel_loop3A_529] in [0] : vector<16xf32>, vector<16xi32> -> vector<16xf32>
            %parallel_loop3A_531 = arith.constant 16 : i32
            %parallel_loop3A_532 = arith.constant 0 : i32
            %parallel_loop3A_533 = arith.cmpi eq, %parallel_loop3A_531, %parallel_loop3A_532 : i32
            %parallel_loop3A_534 = arith.constant 1 : i32
            %parallel_loop3A_535 = arith.select %parallel_loop3A_533, %parallel_loop3A_534, %parallel_loop3A_531 : i32
            %parallel_loop3A_536 = vector.broadcast %parallel_loop3A_535 : i32 to vector<16xi32>
            %parallel_loop3A_537 = arith.remsi %parallel_loop3A_505, %parallel_loop3A_536 : vector<16xi32>
            %parallel_loop3A_538 = arith.constant 0 : i32
            %parallel_loop3A_539 = vector.broadcast %parallel_loop3A_538 : i32 to vector<16xi32>
            %parallel_loop3A_540 = arith.cmpi ne, %parallel_loop3A_537, %parallel_loop3A_539 : vector<16xi32>
            %parallel_loop3A_541 = arith.constant 0 : i32
            %parallel_loop3A_542 = vector.broadcast %parallel_loop3A_541 : i32 to vector<16xi32>
            %parallel_loop3A_543 = arith.cmpi slt, %parallel_loop3A_537, %parallel_loop3A_542 : vector<16xi32>
            %parallel_loop3A_544 = arith.constant 0 : i32
            %parallel_loop3A_545 = arith.cmpi slt, %parallel_loop3A_535, %parallel_loop3A_544 : i32
            %parallel_loop3A_546 = vector.broadcast %parallel_loop3A_545 : i1 to vector<16xi1>
            %parallel_loop3A_547 = vector.broadcast %parallel_loop3A_546 : vector<16xi1> to vector<16xi1>
            %parallel_loop3A_548 = arith.xori %parallel_loop3A_543, %parallel_loop3A_547 : vector<16xi1>
            %parallel_loop3A_549 = arith.andi %parallel_loop3A_548, %parallel_loop3A_540 : vector<16xi1>
            %parallel_loop3A_550 = vector.broadcast %parallel_loop3A_535 : i32 to vector<16xi32>
            %parallel_loop3A_551 = arith.addi %parallel_loop3A_537, %parallel_loop3A_550 : vector<16xi32>
            %parallel_loop3A_552 = arith.select %parallel_loop3A_549, %parallel_loop3A_551, %parallel_loop3A_537 : vector<16xi1>, vector<16xi32>
            %parallel_loop3A_553 = vector.shape_cast %parallel_loop3A_552 : vector<16xi32> to vector<16x1xi32>
            %parallel_loop3A_554 = vector.shape_cast %parallel_loop3A_553 : vector<16x1xi32> to vector<16xi32>
            %parallel_loop3A_555 = tpu.dynamic_gather %get3A_465[%parallel_loop3A_554] in [0] : vector<16xf32>, vector<16xi32> -> vector<16xf32>
            %parallel_loop3A_556 = arith.constant 16 : i32
            %parallel_loop3A_557 = arith.muli %parallel_loop3A_475, %parallel_loop3A_556 : i32
            %parallel_loop3A_558 = arith.addi %mul3A_471, %parallel_loop3A_557 : i32
            %parallel_loop3A_559 = arith.index_cast %parallel_loop3A_558 : i32 to index
            %parallel_loop3A_560 = tpu.vector_load %arg8[%parallel_loop3A_559] {strides = array<i32>} : memref<32768xf32, #tpu.memory_space<vmem>>, vector<16xf32>,
            %parallel_loop3A_561 = arith.subf %parallel_loop3A_490, %parallel_loop3A_483 : vector<16xf32>
            %parallel_loop3A_562 = arith.mulf %parallel_loop3A_561, %parallel_loop3A_555 : vector<16xf32>
            %parallel_loop3A_563 = arith.addf %parallel_loop3A_483, %parallel_loop3A_562 : vector<16xf32>
            %parallel_loop3A_564 = arith.subf %parallel_loop3A_504, %parallel_loop3A_497 : vector<16xf32>
            %parallel_loop3A_565 = arith.mulf %parallel_loop3A_564, %parallel_loop3A_555 : vector<16xf32>
            %parallel_loop3A_566 = arith.addf %parallel_loop3A_497, %parallel_loop3A_565 : vector<16xf32>
            %parallel_loop3A_567 = arith.subf %parallel_loop3A_566, %parallel_loop3A_563 : vector<16xf32>
            %parallel_loop3A_568 = arith.mulf %parallel_loop3A_567, %parallel_loop3A_530 : vector<16xf32>
            %parallel_loop3A_569 = arith.addf %parallel_loop3A_563, %parallel_loop3A_568 : vector<16xf32>
            %parallel_loop3A_570 = arith.mulf %parallel_loop3A_569, %parallel_loop3A_560 : vector<16xf32>
            %parallel_loop3A_571 = arith.constant 16 : i32
            %parallel_loop3A_572 = arith.constant 0 : i32
            %parallel_loop3A_573 = arith.cmpi eq, %parallel_loop3A_571, %parallel_loop3A_572 : i32
            %parallel_loop3A_574 = arith.constant 1 : i32
            %parallel_loop3A_575 = arith.select %parallel_loop3A_573, %parallel_loop3A_574, %parallel_loop3A_571 : i32
            %parallel_loop3A_576 = vector.broadcast %parallel_loop3A_575 : i32 to vector<16xi32>
            %parallel_loop3A_577 = arith.remsi %and3A_44, %parallel_loop3A_576 : vector<16xi32>
            %parallel_loop3A_578 = arith.constant 0 : i32
            %parallel_loop3A_579 = vector.broadcast %parallel_loop3A_578 : i32 to vector<16xi32>
            %parallel_loop3A_580 = arith.cmpi ne, %parallel_loop3A_577, %parallel_loop3A_579 : vector<16xi32>
            %parallel_loop3A_581 = arith.constant 0 : i32
            %parallel_loop3A_582 = vector.broadcast %parallel_loop3A_581 : i32 to vector<16xi32>
            %parallel_loop3A_583 = arith.cmpi slt, %parallel_loop3A_577, %parallel_loop3A_582 : vector<16xi32>
            %parallel_loop3A_584 = arith.constant 0 : i32
            %parallel_loop3A_585 = arith.cmpi slt, %parallel_loop3A_575, %parallel_loop3A_584 : i32
            %parallel_loop3A_586 = vector.broadcast %parallel_loop3A_585 : i1 to vector<16xi1>
            %parallel_loop3A_587 = vector.broadcast %parallel_loop3A_586 : vector<16xi1> to vector<16xi1>
            %parallel_loop3A_588 = arith.xori %parallel_loop3A_583, %parallel_loop3A_587 : vector<16xi1>
            %parallel_loop3A_589 = arith.andi %parallel_loop3A_588, %parallel_loop3A_580 : vector<16xi1>
            %parallel_loop3A_590 = vector.broadcast %parallel_loop3A_575 : i32 to vector<16xi32>
            %parallel_loop3A_591 = arith.addi %parallel_loop3A_577, %parallel_loop3A_590 : vector<16xi32>
            %parallel_loop3A_592 = arith.select %parallel_loop3A_589, %parallel_loop3A_591, %parallel_loop3A_577 : vector<16xi1>, vector<16xi32>
            %parallel_loop3A_593 = vector.shape_cast %parallel_loop3A_592 : vector<16xi32> to vector<16x1xi32>
            %parallel_loop3A_594 = vector.shape_cast %parallel_loop3A_593 : vector<16x1xi32> to vector<16xi32>
            %parallel_loop3A_595 = tpu.dynamic_gather %parallel_loop3A_570[%parallel_loop3A_594] in [0] : vector<16xf32>, vector<16xi32> -> vector<16xf32>
            %parallel_loop3A_596 = arith.addf %parallel_loop3A_570, %parallel_loop3A_595 : vector<16xf32>
            %parallel_loop3A_597 = arith.constant 16 : i32
            %parallel_loop3A_598 = arith.constant 0 : i32
            %parallel_loop3A_599 = arith.cmpi eq, %parallel_loop3A_597, %parallel_loop3A_598 : i32
            %parallel_loop3A_600 = arith.constant 1 : i32
            %parallel_loop3A_601 = arith.select %parallel_loop3A_599, %parallel_loop3A_600, %parallel_loop3A_597 : i32
            %parallel_loop3A_602 = vector.broadcast %parallel_loop3A_601 : i32 to vector<16xi32>
            %parallel_loop3A_603 = arith.remsi %and3A_38, %parallel_loop3A_602 : vector<16xi32>
            %parallel_loop3A_604 = arith.constant 0 : i32
            %parallel_loop3A_605 = vector.broadcast %parallel_loop3A_604 : i32 to vector<16xi32>
            %parallel_loop3A_606 = arith.cmpi ne, %parallel_loop3A_603, %parallel_loop3A_605 : vector<16xi32>
            %parallel_loop3A_607 = arith.constant 0 : i32
            %parallel_loop3A_608 = vector.broadcast %parallel_loop3A_607 : i32 to vector<16xi32>
            %parallel_loop3A_609 = arith.cmpi slt, %parallel_loop3A_603, %parallel_loop3A_608 : vector<16xi32>
            %parallel_loop3A_610 = arith.constant 0 : i32
            %parallel_loop3A_611 = arith.cmpi slt, %parallel_loop3A_601, %parallel_loop3A_610 : i32
            %parallel_loop3A_612 = vector.broadcast %parallel_loop3A_611 : i1 to vector<16xi1>
            %parallel_loop3A_613 = vector.broadcast %parallel_loop3A_612 : vector<16xi1> to vector<16xi1>
            %parallel_loop3A_614 = arith.xori %parallel_loop3A_609, %parallel_loop3A_613 : vector<16xi1>
            %parallel_loop3A_615 = arith.andi %parallel_loop3A_614, %parallel_loop3A_606 : vector<16xi1>
            %parallel_loop3A_616 = vector.broadcast %parallel_loop3A_601 : i32 to vector<16xi32>
            %parallel_loop3A_617 = arith.addi %parallel_loop3A_603, %parallel_loop3A_616 : vector<16xi32>
            %parallel_loop3A_618 = arith.select %parallel_loop3A_615, %parallel_loop3A_617, %parallel_loop3A_603 : vector<16xi1>, vector<16xi32>
            %parallel_loop3A_619 = vector.shape_cast %parallel_loop3A_618 : vector<16xi32> to vector<16x1xi32>
            %parallel_loop3A_620 = vector.shape_cast %parallel_loop3A_619 : vector<16x1xi32> to vector<16xi32>
            %parallel_loop3A_621 = tpu.dynamic_gather %parallel_loop3A_596[%parallel_loop3A_620] in [0] : vector<16xf32>, vector<16xi32> -> vector<16xf32>
            %parallel_loop3A_622 = arith.addf %parallel_loop3A_596, %parallel_loop3A_621 : vector<16xf32>
            %parallel_loop3A_623 = arith.constant 4 : i32
            %parallel_loop3A_624 = arith.muli %parallel_loop3A_475, %parallel_loop3A_623 : i32
            %parallel_loop3A_625 = vector.broadcast %parallel_loop3A_624 : i32 to vector<16xi32>
            %parallel_loop3A_626 = arith.addi %add3A_469, %parallel_loop3A_625 : vector<16xi32>
            tpu.vector_store_idx %arg11[%parallel_loop3A_626], %parallel_loop3A_622 masked %lt3A_47 : memref<8192xf32, #tpu.memory_space<vmem>>[vector<16xi32>], vector<16xf32>, vector<16xi1>
          } {sc.loop_unroll_factor = 4 : i64, sc.parallel_access}
        }
        %scan3A_452 = arith.constant 8 : i32
      }
      %scan3A_214 = arith.constant 7 : i32
      %dma_start3A_215 = arith.constant 15 : i32
      %dma_start3A_216 = arith.constant 0 : i32
      %dma_start3A_217 = arith.constant 1 : i32
      %dma_start3A_218 = arith.constant 0 : i32
      %dma_start3A_219 = arith.constant 0 : i32
      %dma_start3A_220 = tpu.memref_slice %arg10[%dma_start3A_217, %dma_start3A_218, %dma_start3A_219] : memref<2x512x16xf32, #tpu.memory_space<vmem>> -> memref<1x128x16xf32, #tpu.memory_space<vmem>>
      %dma_start3A_221 = tpu.memref_squeeze %dma_start3A_220 : memref<1x128x16xf32, #tpu.memory_space<vmem>> -> memref<128x16xf32, #tpu.memory_space<vmem>>
      %dma_start3A_222 = arith.constant 0 : i32
      %dma_start3A_223 = tpu.memref_slice %arg9[%dma_start3A_215, %dma_start3A_216, %dma_start3A_222] : memref<16x4x128xi32, #tpu.memory_space<vmem>> -> memref<1x1x128xi32, #tpu.memory_space<vmem>>
      %dma_start3A_224 = tpu.memref_squeeze %dma_start3A_223 : memref<1x1x128xi32, #tpu.memory_space<vmem>> -> memref<128xi32, #tpu.memory_space<vmem>>
      %dma_start3A_225 = arith.constant 0 : i32
      %dma_start3A_226 = arith.constant 0 : i32
      %dma_start3A_227 = tpu.memref_slice %arg3[%dma_start3A_225, %dma_start3A_226] : memref<83521x16xf32, #tpu.memory_space<hbm>> -> memref<83521x16xf32, #tpu.memory_space<hbm>>
      tpu.enqueue_indirect_dma source(%dma_start3A_227 : memref<83521x16xf32, #tpu.memory_space<hbm>>) target(%dma_start3A_221 : memref<128x16xf32, #tpu.memory_space<vmem>>) offsets(%dma_start3A_224 : memref<128xi32, #tpu.memory_space<vmem>>) semaphore(%arg14 : memref<!tpu.dma_semaphore, #tpu.memory_space<semaphore_mem>>)
      %dma_start3A_228 = arith.constant 15 : i32
      %dma_start3A_229 = arith.constant 1 : i32
      %dma_start3A_230 = arith.constant 1 : i32
      %dma_start3A_231 = arith.constant 128 : i32
      %dma_start3A_232 = arith.constant 0 : i32
      %dma_start3A_233 = tpu.memref_slice %arg10[%dma_start3A_230, %dma_start3A_231, %dma_start3A_232] : memref<2x512x16xf32, #tpu.memory_space<vmem>> -> memref<1x128x16xf32, #tpu.memory_space<vmem>>
      %dma_start3A_234 = tpu.memref_squeeze %dma_start3A_233 : memref<1x128x16xf32, #tpu.memory_space<vmem>> -> memref<128x16xf32, #tpu.memory_space<vmem>>
      %dma_start3A_235 = arith.constant 0 : i32
      %dma_start3A_236 = tpu.memref_slice %arg9[%dma_start3A_228, %dma_start3A_229, %dma_start3A_235] : memref<16x4x128xi32, #tpu.memory_space<vmem>> -> memref<1x1x128xi32, #tpu.memory_space<vmem>>
      %dma_start3A_237 = tpu.memref_squeeze %dma_start3A_236 : memref<1x1x128xi32, #tpu.memory_space<vmem>> -> memref<128xi32, #tpu.memory_space<vmem>>
      %dma_start3A_238 = arith.constant 0 : i32
      %dma_start3A_239 = arith.constant 0 : i32
      %dma_start3A_240 = tpu.memref_slice %arg3[%dma_start3A_238, %dma_start3A_239] : memref<83521x16xf32, #tpu.memory_space<hbm>> -> memref<83521x16xf32, #tpu.memory_space<hbm>>
      tpu.enqueue_indirect_dma source(%dma_start3A_240 : memref<83521x16xf32, #tpu.memory_space<hbm>>) target(%dma_start3A_234 : memref<128x16xf32, #tpu.memory_space<vmem>>) offsets(%dma_start3A_237 : memref<128xi32, #tpu.memory_space<vmem>>) semaphore(%arg14 : memref<!tpu.dma_semaphore, #tpu.memory_space<semaphore_mem>>)
      %dma_start3A_241 = arith.constant 15 : i32
      %dma_start3A_242 = arith.constant 2 : i32
      %dma_start3A_243 = arith.constant 1 : i32
      %dma_start3A_244 = arith.constant 256 : i32
      %dma_start3A_245 = arith.constant 0 : i32
      %dma_start3A_246 = tpu.memref_slice %arg10[%dma_start3A_243, %dma_start3A_244, %dma_start3A_245] : memref<2x512x16xf32, #tpu.memory_space<vmem>> -> memref<1x128x16xf32, #tpu.memory_space<vmem>>
      %dma_start3A_247 = tpu.memref_squeeze %dma_start3A_246 : memref<1x128x16xf32, #tpu.memory_space<vmem>> -> memref<128x16xf32, #tpu.memory_space<vmem>>
      %dma_start3A_248 = arith.constant 0 : i32
      %dma_start3A_249 = tpu.memref_slice %arg9[%dma_start3A_241, %dma_start3A_242, %dma_start3A_248] : memref<16x4x128xi32, #tpu.memory_space<vmem>> -> memref<1x1x128xi32, #tpu.memory_space<vmem>>
      %dma_start3A_250 = tpu.memref_squeeze %dma_start3A_249 : memref<1x1x128xi32, #tpu.memory_space<vmem>> -> memref<128xi32, #tpu.memory_space<vmem>>
      %dma_start3A_251 = arith.constant 0 : i32
      %dma_start3A_252 = arith.constant 0 : i32
      %dma_start3A_253 = tpu.memref_slice %arg3[%dma_start3A_251, %dma_start3A_252] : memref<83521x16xf32, #tpu.memory_space<hbm>> -> memref<83521x16xf32, #tpu.memory_space<hbm>>
      tpu.enqueue_indirect_dma source(%dma_start3A_253 : memref<83521x16xf32, #tpu.memory_space<hbm>>) target(%dma_start3A_247 : memref<128x16xf32, #tpu.memory_space<vmem>>) offsets(%dma_start3A_250 : memref<128xi32, #tpu.memory_space<vmem>>) semaphore(%arg14 : memref<!tpu.dma_semaphore, #tpu.memory_space<semaphore_mem>>)
      %dma_start3A_254 = arith.constant 15 : i32
      %dma_start3A_255 = arith.constant 3 : i32
      %dma_start3A_256 = arith.constant 1 : i32
      %dma_start3A_257 = arith.constant 384 : i32
      %dma_start3A_258 = arith.constant 0 : i32
      %dma_start3A_259 = tpu.memref_slice %arg10[%dma_start3A_256, %dma_start3A_257, %dma_start3A_258] : memref<2x512x16xf32, #tpu.memory_space<vmem>> -> memref<1x128x16xf32, #tpu.memory_space<vmem>>
      %dma_start3A_260 = tpu.memref_squeeze %dma_start3A_259 : memref<1x128x16xf32, #tpu.memory_space<vmem>> -> memref<128x16xf32, #tpu.memory_space<vmem>>
      %dma_start3A_261 = arith.constant 0 : i32
      %dma_start3A_262 = tpu.memref_slice %arg9[%dma_start3A_254, %dma_start3A_255, %dma_start3A_261] : memref<16x4x128xi32, #tpu.memory_space<vmem>> -> memref<1x1x128xi32, #tpu.memory_space<vmem>>
      %dma_start3A_263 = tpu.memref_squeeze %dma_start3A_262 : memref<1x1x128xi32, #tpu.memory_space<vmem>> -> memref<128xi32, #tpu.memory_space<vmem>>
      %dma_start3A_264 = arith.constant 0 : i32
      %dma_start3A_265 = arith.constant 0 : i32
      %dma_start3A_266 = tpu.memref_slice %arg3[%dma_start3A_264, %dma_start3A_265] : memref<83521x16xf32, #tpu.memory_space<hbm>> -> memref<83521x16xf32, #tpu.memory_space<hbm>>
      tpu.enqueue_indirect_dma source(%dma_start3A_266 : memref<83521x16xf32, #tpu.memory_space<hbm>>) target(%dma_start3A_260 : memref<128x16xf32, #tpu.memory_space<vmem>>) offsets(%dma_start3A_263 : memref<128xi32, #tpu.memory_space<vmem>>) semaphore(%arg14 : memref<!tpu.dma_semaphore, #tpu.memory_space<semaphore_mem>>)
      %dma_wait3A_267 = arith.constant 0 : i32
      %dma_wait3A_268 = arith.constant 0 : i32
      %dma_wait3A_269 = arith.constant 0 : i32
      %dma_wait3A_270 = arith.constant 0 : i32
      %dma_wait3A_271 = arith.constant 0 : i32
      %dma_wait3A_272 = tpu.memref_slice %arg10[%dma_wait3A_269, %dma_wait3A_270, %dma_wait3A_271] : memref<2x512x16xf32, #tpu.memory_space<vmem>> -> memref<1x512x16xf32, #tpu.memory_space<vmem>>
      %dma_wait3A_273 = tpu.memref_squeeze %dma_wait3A_272 : memref<1x512x16xf32, #tpu.memory_space<vmem>> -> memref<512x16xf32, #tpu.memory_space<vmem>>
      %dma_wait3A_274 = arith.constant 0 : i32
      %dma_wait3A_275 = tpu.memref_slice %arg9[%dma_wait3A_267, %dma_wait3A_268, %dma_wait3A_274] : memref<16x4x128xi32, #tpu.memory_space<vmem>> -> memref<1x1x128xi32, #tpu.memory_space<vmem>>
      %dma_wait3A_276 = tpu.memref_squeeze %dma_wait3A_275 : memref<1x1x128xi32, #tpu.memory_space<vmem>> -> memref<128xi32, #tpu.memory_space<vmem>>
      %dma_wait3A_277 = arith.constant 0 : i32
      %dma_wait3A_278 = arith.constant 0 : i32
      %dma_wait3A_279 = tpu.memref_slice %arg3[%dma_wait3A_277, %dma_wait3A_278] : memref<83521x16xf32, #tpu.memory_space<hbm>> -> memref<83521x16xf32, #tpu.memory_space<hbm>>
      tpu.wait_indirect_dma semaphore(%arg13 : memref<!tpu.dma_semaphore, #tpu.memory_space<semaphore_mem>>) src(%dma_wait3A_279 : memref<83521x16xf32, #tpu.memory_space<hbm>>) dst(%dma_wait3A_273 : memref<512x16xf32, #tpu.memory_space<vmem>>)
      %scan3A_280 = arith.constant 0 : i32
      %scan3A_281 = arith.constant 8 : i32
      %scan3A_282 = arith.addi %scan3A_280, %scan3A_281 : i32
      %scan3A_283 = arith.constant 1 : i32
      scf.for %scan3A_312 = %scan3A_280 to %scan3A_282 step %scan3A_283  : i32 {
        %mul3A_313 = arith.constant 16 : i32
        %mul3A_314 = arith.muli %scan3A_312, %mul3A_313 : i32
        %add3A_315 = arith.constant 1792 : i32
        %add3A_316 = arith.addi %add3A_315, %mul3A_314 : i32
        %get3A = arith.constant 0 : i32
        %get3A_317 = arith.index_cast %get3A : i32 to index
        %get3A_318 = arith.index_cast %add3A_316 : i32 to index
        %get3A_319 = tpu.vector_load %arg7[%get3A_317, %get3A_318] {strides = array<i32>} : memref<2x2048xf32, #tpu.memory_space<vmem>>, vector<16xf32>,
        %get3A_320 = arith.constant 1 : i32
        %get3A_321 = arith.index_cast %get3A_320 : i32 to index
        %get3A_322 = arith.index_cast %add3A_316 : i32 to index
        %get3A_323 = tpu.vector_load %arg7[%get3A_321, %get3A_322] {strides = array<i32>} : memref<2x2048xf32, #tpu.memory_space<vmem>>, vector<16xf32>,
        %mul3A_324 = arith.constant 4 : i32
        %mul3A_325 = arith.muli %add3A_316, %mul3A_324 : i32
        %add3A_326 = vector.broadcast %mul3A_325 : i32 to vector<16xi32>
        %add3A_327 = arith.addi %add3A_326, %iota3A : vector<16xi32>
        %mul3A_328 = arith.constant 16 : i32
        %mul3A_329 = arith.muli %add3A_316, %mul3A_328 : i32
        %parallel_loop3A_330 = arith.constant 0 : i32
        %parallel_loop3A_331 = arith.constant 16 : i32
        %parallel_loop3A_332 = arith.constant 1 : i32
        scf.for %parallel_loop3A_333 = %parallel_loop3A_330 to %parallel_loop3A_331 step %parallel_loop3A_332  : i32 {
          %parallel_loop3A_334 = arith.constant 16 : i32
          %parallel_loop3A_335 = arith.muli %scan3A_312, %parallel_loop3A_334 : i32
          %parallel_loop3A_336 = arith.addi %parallel_loop3A_335, %parallel_loop3A_333 : i32
          %parallel_loop3A_337 = arith.constant 0 : i32
          %parallel_loop3A_338 = arith.index_cast %parallel_loop3A_337 : i32 to index
          %parallel_loop3A_339 = arith.index_cast %parallel_loop3A_336 : i32 to index
          %parallel_loop3A_340 = arith.constant 0 : index
          %parallel_loop3A_341 = tpu.vector_load %arg10[%parallel_loop3A_338, %parallel_loop3A_339, %parallel_loop3A_340] {strides = array<i32>} : memref<2x512x16xf32, #tpu.memory_space<vmem>>, vector<16xf32>,
          %parallel_loop3A_342 = arith.constant 128 : i32
          %parallel_loop3A_343 = arith.addi %parallel_loop3A_342, %parallel_loop3A_336 : i32
          %parallel_loop3A_344 = arith.constant 0 : i32
          %parallel_loop3A_345 = arith.index_cast %parallel_loop3A_344 : i32 to index
          %parallel_loop3A_346 = arith.index_cast %parallel_loop3A_343 : i32 to index
          %parallel_loop3A_347 = arith.constant 0 : index
          %parallel_loop3A_348 = tpu.vector_load %arg10[%parallel_loop3A_345, %parallel_loop3A_346, %parallel_loop3A_347] {strides = array<i32>} : memref<2x512x16xf32, #tpu.memory_space<vmem>>, vector<16xf32>,
          %parallel_loop3A_349 = arith.constant 256 : i32
          %parallel_loop3A_350 = arith.addi %parallel_loop3A_349, %parallel_loop3A_336 : i32
          %parallel_loop3A_351 = arith.constant 0 : i32
          %parallel_loop3A_352 = arith.index_cast %parallel_loop3A_351 : i32 to index
          %parallel_loop3A_353 = arith.index_cast %parallel_loop3A_350 : i32 to index
          %parallel_loop3A_354 = arith.constant 0 : index
          %parallel_loop3A_355 = tpu.vector_load %arg10[%parallel_loop3A_352, %parallel_loop3A_353, %parallel_loop3A_354] {strides = array<i32>} : memref<2x512x16xf32, #tpu.memory_space<vmem>>, vector<16xf32>,
          %parallel_loop3A_356 = arith.constant 384 : i32
          %parallel_loop3A_357 = arith.addi %parallel_loop3A_356, %parallel_loop3A_336 : i32
          %parallel_loop3A_358 = arith.constant 0 : i32
          %parallel_loop3A_359 = arith.index_cast %parallel_loop3A_358 : i32 to index
          %parallel_loop3A_360 = arith.index_cast %parallel_loop3A_357 : i32 to index
          %parallel_loop3A_361 = arith.constant 0 : index
          %parallel_loop3A_362 = tpu.vector_load %arg10[%parallel_loop3A_359, %parallel_loop3A_360, %parallel_loop3A_361] {strides = array<i32>} : memref<2x512x16xf32, #tpu.memory_space<vmem>>, vector<16xf32>,
          %parallel_loop3A_363 = vector.broadcast %parallel_loop3A_333 : i32 to vector<16xi32>
          %parallel_loop3A_364 = arith.constant 16 : i32
          %parallel_loop3A_365 = arith.constant 0 : i32
          %parallel_loop3A_366 = arith.cmpi eq, %parallel_loop3A_364, %parallel_loop3A_365 : i32
          %parallel_loop3A_367 = arith.constant 1 : i32
          %parallel_loop3A_368 = arith.select %parallel_loop3A_366, %parallel_loop3A_367, %parallel_loop3A_364 : i32
          %parallel_loop3A_369 = vector.broadcast %parallel_loop3A_368 : i32 to vector<16xi32>
          %parallel_loop3A_370 = arith.remsi %parallel_loop3A_363, %parallel_loop3A_369 : vector<16xi32>
          %parallel_loop3A_371 = arith.constant 0 : i32
          %parallel_loop3A_372 = vector.broadcast %parallel_loop3A_371 : i32 to vector<16xi32>
          %parallel_loop3A_373 = arith.cmpi ne, %parallel_loop3A_370, %parallel_loop3A_372 : vector<16xi32>
          %parallel_loop3A_374 = arith.constant 0 : i32
          %parallel_loop3A_375 = vector.broadcast %parallel_loop3A_374 : i32 to vector<16xi32>
          %parallel_loop3A_376 = arith.cmpi slt, %parallel_loop3A_370, %parallel_loop3A_375 : vector<16xi32>
          %parallel_loop3A_377 = arith.constant 0 : i32
          %parallel_loop3A_378 = arith.cmpi slt, %parallel_loop3A_368, %parallel_loop3A_377 : i32
          %parallel_loop3A_379 = vector.broadcast %parallel_loop3A_378 : i1 to vector<16xi1>
          %parallel_loop3A_380 = vector.broadcast %parallel_loop3A_379 : vector<16xi1> to vector<16xi1>
          %parallel_loop3A_381 = arith.xori %parallel_loop3A_376, %parallel_loop3A_380 : vector<16xi1>
          %parallel_loop3A_382 = arith.andi %parallel_loop3A_381, %parallel_loop3A_373 : vector<16xi1>
          %parallel_loop3A_383 = vector.broadcast %parallel_loop3A_368 : i32 to vector<16xi32>
          %parallel_loop3A_384 = arith.addi %parallel_loop3A_370, %parallel_loop3A_383 : vector<16xi32>
          %parallel_loop3A_385 = arith.select %parallel_loop3A_382, %parallel_loop3A_384, %parallel_loop3A_370 : vector<16xi1>, vector<16xi32>
          %parallel_loop3A_386 = vector.shape_cast %parallel_loop3A_385 : vector<16xi32> to vector<16x1xi32>
          %parallel_loop3A_387 = vector.shape_cast %parallel_loop3A_386 : vector<16x1xi32> to vector<16xi32>
          %parallel_loop3A_388 = tpu.dynamic_gather %get3A_319[%parallel_loop3A_387] in [0] : vector<16xf32>, vector<16xi32> -> vector<16xf32>
          %parallel_loop3A_389 = arith.constant 16 : i32
          %parallel_loop3A_390 = arith.constant 0 : i32
          %parallel_loop3A_391 = arith.cmpi eq, %parallel_loop3A_389, %parallel_loop3A_390 : i32
          %parallel_loop3A_392 = arith.constant 1 : i32
          %parallel_loop3A_393 = arith.select %parallel_loop3A_391, %parallel_loop3A_392, %parallel_loop3A_389 : i32
          %parallel_loop3A_394 = vector.broadcast %parallel_loop3A_393 : i32 to vector<16xi32>
          %parallel_loop3A_395 = arith.remsi %parallel_loop3A_363, %parallel_loop3A_394 : vector<16xi32>
          %parallel_loop3A_396 = arith.constant 0 : i32
          %parallel_loop3A_397 = vector.broadcast %parallel_loop3A_396 : i32 to vector<16xi32>
          %parallel_loop3A_398 = arith.cmpi ne, %parallel_loop3A_395, %parallel_loop3A_397 : vector<16xi32>
          %parallel_loop3A_399 = arith.constant 0 : i32
          %parallel_loop3A_400 = vector.broadcast %parallel_loop3A_399 : i32 to vector<16xi32>
          %parallel_loop3A_401 = arith.cmpi slt, %parallel_loop3A_395, %parallel_loop3A_400 : vector<16xi32>
          %parallel_loop3A_402 = arith.constant 0 : i32
          %parallel_loop3A_403 = arith.cmpi slt, %parallel_loop3A_393, %parallel_loop3A_402 : i32
          %parallel_loop3A_404 = vector.broadcast %parallel_loop3A_403 : i1 to vector<16xi1>
          %parallel_loop3A_405 = vector.broadcast %parallel_loop3A_404 : vector<16xi1> to vector<16xi1>
          %parallel_loop3A_406 = arith.xori %parallel_loop3A_401, %parallel_loop3A_405 : vector<16xi1>
          %parallel_loop3A_407 = arith.andi %parallel_loop3A_406, %parallel_loop3A_398 : vector<16xi1>
          %parallel_loop3A_408 = vector.broadcast %parallel_loop3A_393 : i32 to vector<16xi32>
          %parallel_loop3A_409 = arith.addi %parallel_loop3A_395, %parallel_loop3A_408 : vector<16xi32>
          %parallel_loop3A_410 = arith.select %parallel_loop3A_407, %parallel_loop3A_409, %parallel_loop3A_395 : vector<16xi1>, vector<16xi32>
          %parallel_loop3A_411 = vector.shape_cast %parallel_loop3A_410 : vector<16xi32> to vector<16x1xi32>
          %parallel_loop3A_412 = vector.shape_cast %parallel_loop3A_411 : vector<16x1xi32> to vector<16xi32>
          %parallel_loop3A_413 = tpu.dynamic_gather %get3A_323[%parallel_loop3A_412] in [0] : vector<16xf32>, vector<16xi32> -> vector<16xf32>
          %parallel_loop3A_414 = arith.constant 16 : i32
          %parallel_loop3A_415 = arith.muli %parallel_loop3A_333, %parallel_loop3A_414 : i32
          %parallel_loop3A_416 = arith.addi %mul3A_329, %parallel_loop3A_415 : i32
          %parallel_loop3A_417 = arith.index_cast %parallel_loop3A_416 : i32 to index
          %parallel_loop3A_418 = tpu.vector_load %arg8[%parallel_loop3A_417] {strides = array<i32>} : memref<32768xf32, #tpu.memory_space<vmem>>, vector<16xf32>,
          %parallel_loop3A_419 = arith.subf %parallel_loop3A_348, %parallel_loop3A_341 : vector<16xf32>
          %parallel_loop3A_420 = arith.mulf %parallel_loop3A_419, %parallel_loop3A_413 : vector<16xf32>
          %parallel_loop3A_421 = arith.addf %parallel_loop3A_341, %parallel_loop3A_420 : vector<16xf32>
          %parallel_loop3A_422 = arith.subf %parallel_loop3A_362, %parallel_loop3A_355 : vector<16xf32>
          %parallel_loop3A_423 = arith.mulf %parallel_loop3A_422, %parallel_loop3A_413 : vector<16xf32>
          %parallel_loop3A_424 = arith.addf %parallel_loop3A_355, %parallel_loop3A_423 : vector<16xf32>
          %parallel_loop3A_425 = arith.subf %parallel_loop3A_424, %parallel_loop3A_421 : vector<16xf32>
          %parallel_loop3A_426 = arith.mulf %parallel_loop3A_425, %parallel_loop3A_388 : vector<16xf32>
          %parallel_loop3A_427 = arith.addf %parallel_loop3A_421, %parallel_loop3A_426 : vector<16xf32>
          %parallel_loop3A_428 = arith.mulf %parallel_loop3A_427, %parallel_loop3A_418 : vector<16xf32>
          %parallel_loop3A_429 = arith.constant 16 : i32
          %parallel_loop3A_430 = arith.constant 0 : i32
          %parallel_loop3A_431 = arith.cmpi eq, %parallel_loop3A_429, %parallel_loop3A_430 : i32
          %parallel_loop3A_432 = arith.constant 1 : i32
          %parallel_loop3A_433 = arith.select %parallel_loop3A_431, %parallel_loop3A_432, %parallel_loop3A_429 : i32
          %parallel_loop3A_434 = vector.broadcast %parallel_loop3A_433 : i32 to vector<16xi32>
          %parallel_loop3A_435 = arith.remsi %and3A_44, %parallel_loop3A_434 : vector<16xi32>
          %parallel_loop3A_436 = arith.constant 0 : i32
          %parallel_loop3A_437 = vector.broadcast %parallel_loop3A_436 : i32 to vector<16xi32>
          %parallel_loop3A_438 = arith.cmpi ne, %parallel_loop3A_435, %parallel_loop3A_437 : vector<16xi32>
          %parallel_loop3A_439 = arith.constant 0 : i32
          %parallel_loop3A_440 = vector.broadcast %parallel_loop3A_439 : i32 to vector<16xi32>
          %parallel_loop3A_441 = arith.cmpi slt, %parallel_loop3A_435, %parallel_loop3A_440 : vector<16xi32>
          %parallel_loop3A_442 = arith.constant 0 : i32
          %parallel_loop3A_443 = arith.cmpi slt, %parallel_loop3A_433, %parallel_loop3A_442 : i32
          %parallel_loop3A_444 = vector.broadcast %parallel_loop3A_443 : i1 to vector<16xi1>
          %parallel_loop3A_445 = vector.broadcast %parallel_loop3A_444 : vector<16xi1> to vector<16xi1>
          %parallel_loop3A_446 = arith.xori %parallel_loop3A_441, %parallel_loop3A_445 : vector<16xi1>
          %parallel_loop3A_447 = arith.andi %parallel_loop3A_446, %parallel_loop3A_438 : vector<16xi1>
          %parallel_loop3A_448 = vector.broadcast %parallel_loop3A_433 : i32 to vector<16xi32>
          %parallel_loop3A_449 = arith.addi %parallel_loop3A_435, %parallel_loop3A_448 : vector<16xi32>
          %parallel_loop3A_450 = arith.select %parallel_loop3A_447, %parallel_loop3A_449, %parallel_loop3A_435 : vector<16xi1>, vector<16xi32>
          %parallel_loop3A_451 = vector.shape_cast %parallel_loop3A_450 : vector<16xi32> to vector<16x1xi32>
          %parallel_loop3A_452 = vector.shape_cast %parallel_loop3A_451 : vector<16x1xi32> to vector<16xi32>
          %parallel_loop3A_453 = tpu.dynamic_gather %parallel_loop3A_428[%parallel_loop3A_452] in [0] : vector<16xf32>, vector<16xi32> -> vector<16xf32>
          %parallel_loop3A_454 = arith.addf %parallel_loop3A_428, %parallel_loop3A_453 : vector<16xf32>
          %parallel_loop3A_455 = arith.constant 16 : i32
          %parallel_loop3A_456 = arith.constant 0 : i32
          %parallel_loop3A_457 = arith.cmpi eq, %parallel_loop3A_455, %parallel_loop3A_456 : i32
          %parallel_loop3A_458 = arith.constant 1 : i32
          %parallel_loop3A_459 = arith.select %parallel_loop3A_457, %parallel_loop3A_458, %parallel_loop3A_455 : i32
          %parallel_loop3A_460 = vector.broadcast %parallel_loop3A_459 : i32 to vector<16xi32>
          %parallel_loop3A_461 = arith.remsi %and3A_38, %parallel_loop3A_460 : vector<16xi32>
          %parallel_loop3A_462 = arith.constant 0 : i32
          %parallel_loop3A_463 = vector.broadcast %parallel_loop3A_462 : i32 to vector<16xi32>
          %parallel_loop3A_464 = arith.cmpi ne, %parallel_loop3A_461, %parallel_loop3A_463 : vector<16xi32>
          %parallel_loop3A_465 = arith.constant 0 : i32
          %parallel_loop3A_466 = vector.broadcast %parallel_loop3A_465 : i32 to vector<16xi32>
          %parallel_loop3A_467 = arith.cmpi slt, %parallel_loop3A_461, %parallel_loop3A_466 : vector<16xi32>
          %parallel_loop3A_468 = arith.constant 0 : i32
          %parallel_loop3A_469 = arith.cmpi slt, %parallel_loop3A_459, %parallel_loop3A_468 : i32
          %parallel_loop3A_470 = vector.broadcast %parallel_loop3A_469 : i1 to vector<16xi1>
          %parallel_loop3A_471 = vector.broadcast %parallel_loop3A_470 : vector<16xi1> to vector<16xi1>
          %parallel_loop3A_472 = arith.xori %parallel_loop3A_467, %parallel_loop3A_471 : vector<16xi1>
          %parallel_loop3A_473 = arith.andi %parallel_loop3A_472, %parallel_loop3A_464 : vector<16xi1>
          %parallel_loop3A_474 = vector.broadcast %parallel_loop3A_459 : i32 to vector<16xi32>
          %parallel_loop3A_475 = arith.addi %parallel_loop3A_461, %parallel_loop3A_474 : vector<16xi32>
          %parallel_loop3A_476 = arith.select %parallel_loop3A_473, %parallel_loop3A_475, %parallel_loop3A_461 : vector<16xi1>, vector<16xi32>
          %parallel_loop3A_477 = vector.shape_cast %parallel_loop3A_476 : vector<16xi32> to vector<16x1xi32>
          %parallel_loop3A_478 = vector.shape_cast %parallel_loop3A_477 : vector<16x1xi32> to vector<16xi32>
          %parallel_loop3A_479 = tpu.dynamic_gather %parallel_loop3A_454[%parallel_loop3A_478] in [0] : vector<16xf32>, vector<16xi32> -> vector<16xf32>
          %parallel_loop3A_480 = arith.addf %parallel_loop3A_454, %parallel_loop3A_479 : vector<16xf32>
          %parallel_loop3A_481 = arith.constant 4 : i32
          %parallel_loop3A_482 = arith.muli %parallel_loop3A_333, %parallel_loop3A_481 : i32
          %parallel_loop3A_483 = vector.broadcast %parallel_loop3A_482 : i32 to vector<16xi32>
          %parallel_loop3A_484 = arith.addi %add3A_327, %parallel_loop3A_483 : vector<16xi32>
          tpu.vector_store_idx %arg11[%parallel_loop3A_484], %parallel_loop3A_480 masked %lt3A_47 : memref<8192xf32, #tpu.memory_space<vmem>>[vector<16xi32>], vector<16xf32>, vector<16xi1>
        } {sc.loop_unroll_factor = 4 : i64, sc.parallel_access}
      }
      %scan3A_284 = arith.constant 8 : i32
      %dma_wait3A_285 = arith.constant 0 : i32
      %dma_wait3A_286 = arith.constant 0 : i32
      %dma_wait3A_287 = arith.constant 1 : i32
      %dma_wait3A_288 = arith.constant 0 : i32
      %dma_wait3A_289 = arith.constant 0 : i32
      %dma_wait3A_290 = tpu.memref_slice %arg10[%dma_wait3A_287, %dma_wait3A_288, %dma_wait3A_289] : memref<2x512x16xf32, #tpu.memory_space<vmem>> -> memref<1x512x16xf32, #tpu.memory_space<vmem>>
      %dma_wait3A_291 = tpu.memref_squeeze %dma_wait3A_290 : memref<1x512x16xf32, #tpu.memory_space<vmem>> -> memref<512x16xf32, #tpu.memory_space<vmem>>
      %dma_wait3A_292 = arith.constant 0 : i32
      %dma_wait3A_293 = tpu.memref_slice %arg9[%dma_wait3A_285, %dma_wait3A_286, %dma_wait3A_292] : memref<16x4x128xi32, #tpu.memory_space<vmem>> -> memref<1x1x128xi32, #tpu.memory_space<vmem>>
      %dma_wait3A_294 = tpu.memref_squeeze %dma_wait3A_293 : memref<1x1x128xi32, #tpu.memory_space<vmem>> -> memref<128xi32, #tpu.memory_space<vmem>>
      %dma_wait3A_295 = arith.constant 0 : i32
      %dma_wait3A_296 = arith.constant 0 : i32
      %dma_wait3A_297 = tpu.memref_slice %arg3[%dma_wait3A_295, %dma_wait3A_296] : memref<83521x16xf32, #tpu.memory_space<hbm>> -> memref<83521x16xf32, #tpu.memory_space<hbm>>
      tpu.wait_indirect_dma semaphore(%arg14 : memref<!tpu.dma_semaphore, #tpu.memory_space<semaphore_mem>>) src(%dma_wait3A_297 : memref<83521x16xf32, #tpu.memory_space<hbm>>) dst(%dma_wait3A_291 : memref<512x16xf32, #tpu.memory_space<vmem>>)
      %scan3A_298 = arith.constant 0 : i32
      %scan3A_299 = arith.constant 8 : i32
      %scan3A_300 = arith.addi %scan3A_298, %scan3A_299 : i32
      %scan3A_301 = arith.constant 1 : i32
      scf.for %scan3A_312 = %scan3A_298 to %scan3A_300 step %scan3A_301  : i32 {
        %mul3A_313 = arith.constant 16 : i32
        %mul3A_314 = arith.muli %scan3A_312, %mul3A_313 : i32
        %add3A_315 = arith.constant 1920 : i32
        %add3A_316 = arith.addi %add3A_315, %mul3A_314 : i32
        %get3A = arith.constant 0 : i32
        %get3A_317 = arith.index_cast %get3A : i32 to index
        %get3A_318 = arith.index_cast %add3A_316 : i32 to index
        %get3A_319 = tpu.vector_load %arg7[%get3A_317, %get3A_318] {strides = array<i32>} : memref<2x2048xf32, #tpu.memory_space<vmem>>, vector<16xf32>,
        %get3A_320 = arith.constant 1 : i32
        %get3A_321 = arith.index_cast %get3A_320 : i32 to index
        %get3A_322 = arith.index_cast %add3A_316 : i32 to index
        %get3A_323 = tpu.vector_load %arg7[%get3A_321, %get3A_322] {strides = array<i32>} : memref<2x2048xf32, #tpu.memory_space<vmem>>, vector<16xf32>,
        %mul3A_324 = arith.constant 4 : i32
        %mul3A_325 = arith.muli %add3A_316, %mul3A_324 : i32
        %add3A_326 = vector.broadcast %mul3A_325 : i32 to vector<16xi32>
        %add3A_327 = arith.addi %add3A_326, %iota3A : vector<16xi32>
        %mul3A_328 = arith.constant 16 : i32
        %mul3A_329 = arith.muli %add3A_316, %mul3A_328 : i32
        %parallel_loop3A_330 = arith.constant 0 : i32
        %parallel_loop3A_331 = arith.constant 16 : i32
        %parallel_loop3A_332 = arith.constant 1 : i32
        scf.for %parallel_loop3A_333 = %parallel_loop3A_330 to %parallel_loop3A_331 step %parallel_loop3A_332  : i32 {
          %parallel_loop3A_334 = arith.constant 16 : i32
          %parallel_loop3A_335 = arith.muli %scan3A_312, %parallel_loop3A_334 : i32
          %parallel_loop3A_336 = arith.addi %parallel_loop3A_335, %parallel_loop3A_333 : i32
          %parallel_loop3A_337 = arith.constant 1 : i32
          %parallel_loop3A_338 = arith.index_cast %parallel_loop3A_337 : i32 to index
          %parallel_loop3A_339 = arith.index_cast %parallel_loop3A_336 : i32 to index
          %parallel_loop3A_340 = arith.constant 0 : index
          %parallel_loop3A_341 = tpu.vector_load %arg10[%parallel_loop3A_338, %parallel_loop3A_339, %parallel_loop3A_340] {strides = array<i32>} : memref<2x512x16xf32, #tpu.memory_space<vmem>>, vector<16xf32>,
          %parallel_loop3A_342 = arith.constant 128 : i32
          %parallel_loop3A_343 = arith.addi %parallel_loop3A_342, %parallel_loop3A_336 : i32
          %parallel_loop3A_344 = arith.constant 1 : i32
          %parallel_loop3A_345 = arith.index_cast %parallel_loop3A_344 : i32 to index
          %parallel_loop3A_346 = arith.index_cast %parallel_loop3A_343 : i32 to index
          %parallel_loop3A_347 = arith.constant 0 : index
          %parallel_loop3A_348 = tpu.vector_load %arg10[%parallel_loop3A_345, %parallel_loop3A_346, %parallel_loop3A_347] {strides = array<i32>} : memref<2x512x16xf32, #tpu.memory_space<vmem>>, vector<16xf32>,
          %parallel_loop3A_349 = arith.constant 256 : i32
          %parallel_loop3A_350 = arith.addi %parallel_loop3A_349, %parallel_loop3A_336 : i32
          %parallel_loop3A_351 = arith.constant 1 : i32
          %parallel_loop3A_352 = arith.index_cast %parallel_loop3A_351 : i32 to index
          %parallel_loop3A_353 = arith.index_cast %parallel_loop3A_350 : i32 to index
          %parallel_loop3A_354 = arith.constant 0 : index
          %parallel_loop3A_355 = tpu.vector_load %arg10[%parallel_loop3A_352, %parallel_loop3A_353, %parallel_loop3A_354] {strides = array<i32>} : memref<2x512x16xf32, #tpu.memory_space<vmem>>, vector<16xf32>,
          %parallel_loop3A_356 = arith.constant 384 : i32
          %parallel_loop3A_357 = arith.addi %parallel_loop3A_356, %parallel_loop3A_336 : i32
          %parallel_loop3A_358 = arith.constant 1 : i32
          %parallel_loop3A_359 = arith.index_cast %parallel_loop3A_358 : i32 to index
          %parallel_loop3A_360 = arith.index_cast %parallel_loop3A_357 : i32 to index
          %parallel_loop3A_361 = arith.constant 0 : index
          %parallel_loop3A_362 = tpu.vector_load %arg10[%parallel_loop3A_359, %parallel_loop3A_360, %parallel_loop3A_361] {strides = array<i32>} : memref<2x512x16xf32, #tpu.memory_space<vmem>>, vector<16xf32>,
          %parallel_loop3A_363 = vector.broadcast %parallel_loop3A_333 : i32 to vector<16xi32>
          %parallel_loop3A_364 = arith.constant 16 : i32
          %parallel_loop3A_365 = arith.constant 0 : i32
          %parallel_loop3A_366 = arith.cmpi eq, %parallel_loop3A_364, %parallel_loop3A_365 : i32
          %parallel_loop3A_367 = arith.constant 1 : i32
          %parallel_loop3A_368 = arith.select %parallel_loop3A_366, %parallel_loop3A_367, %parallel_loop3A_364 : i32
          %parallel_loop3A_369 = vector.broadcast %parallel_loop3A_368 : i32 to vector<16xi32>
          %parallel_loop3A_370 = arith.remsi %parallel_loop3A_363, %parallel_loop3A_369 : vector<16xi32>
          %parallel_loop3A_371 = arith.constant 0 : i32
          %parallel_loop3A_372 = vector.broadcast %parallel_loop3A_371 : i32 to vector<16xi32>
          %parallel_loop3A_373 = arith.cmpi ne, %parallel_loop3A_370, %parallel_loop3A_372 : vector<16xi32>
          %parallel_loop3A_374 = arith.constant 0 : i32
          %parallel_loop3A_375 = vector.broadcast %parallel_loop3A_374 : i32 to vector<16xi32>
          %parallel_loop3A_376 = arith.cmpi slt, %parallel_loop3A_370, %parallel_loop3A_375 : vector<16xi32>
          %parallel_loop3A_377 = arith.constant 0 : i32
          %parallel_loop3A_378 = arith.cmpi slt, %parallel_loop3A_368, %parallel_loop3A_377 : i32
          %parallel_loop3A_379 = vector.broadcast %parallel_loop3A_378 : i1 to vector<16xi1>
          %parallel_loop3A_380 = vector.broadcast %parallel_loop3A_379 : vector<16xi1> to vector<16xi1>
          %parallel_loop3A_381 = arith.xori %parallel_loop3A_376, %parallel_loop3A_380 : vector<16xi1>
          %parallel_loop3A_382 = arith.andi %parallel_loop3A_381, %parallel_loop3A_373 : vector<16xi1>
          %parallel_loop3A_383 = vector.broadcast %parallel_loop3A_368 : i32 to vector<16xi32>
          %parallel_loop3A_384 = arith.addi %parallel_loop3A_370, %parallel_loop3A_383 : vector<16xi32>
          %parallel_loop3A_385 = arith.select %parallel_loop3A_382, %parallel_loop3A_384, %parallel_loop3A_370 : vector<16xi1>, vector<16xi32>
          %parallel_loop3A_386 = vector.shape_cast %parallel_loop3A_385 : vector<16xi32> to vector<16x1xi32>
          %parallel_loop3A_387 = vector.shape_cast %parallel_loop3A_386 : vector<16x1xi32> to vector<16xi32>
          %parallel_loop3A_388 = tpu.dynamic_gather %get3A_319[%parallel_loop3A_387] in [0] : vector<16xf32>, vector<16xi32> -> vector<16xf32>
          %parallel_loop3A_389 = arith.constant 16 : i32
          %parallel_loop3A_390 = arith.constant 0 : i32
          %parallel_loop3A_391 = arith.cmpi eq, %parallel_loop3A_389, %parallel_loop3A_390 : i32
          %parallel_loop3A_392 = arith.constant 1 : i32
          %parallel_loop3A_393 = arith.select %parallel_loop3A_391, %parallel_loop3A_392, %parallel_loop3A_389 : i32
          %parallel_loop3A_394 = vector.broadcast %parallel_loop3A_393 : i32 to vector<16xi32>
          %parallel_loop3A_395 = arith.remsi %parallel_loop3A_363, %parallel_loop3A_394 : vector<16xi32>
          %parallel_loop3A_396 = arith.constant 0 : i32
          %parallel_loop3A_397 = vector.broadcast %parallel_loop3A_396 : i32 to vector<16xi32>
          %parallel_loop3A_398 = arith.cmpi ne, %parallel_loop3A_395, %parallel_loop3A_397 : vector<16xi32>
          %parallel_loop3A_399 = arith.constant 0 : i32
          %parallel_loop3A_400 = vector.broadcast %parallel_loop3A_399 : i32 to vector<16xi32>
          %parallel_loop3A_401 = arith.cmpi slt, %parallel_loop3A_395, %parallel_loop3A_400 : vector<16xi32>
          %parallel_loop3A_402 = arith.constant 0 : i32
          %parallel_loop3A_403 = arith.cmpi slt, %parallel_loop3A_393, %parallel_loop3A_402 : i32
          %parallel_loop3A_404 = vector.broadcast %parallel_loop3A_403 : i1 to vector<16xi1>
          %parallel_loop3A_405 = vector.broadcast %parallel_loop3A_404 : vector<16xi1> to vector<16xi1>
          %parallel_loop3A_406 = arith.xori %parallel_loop3A_401, %parallel_loop3A_405 : vector<16xi1>
          %parallel_loop3A_407 = arith.andi %parallel_loop3A_406, %parallel_loop3A_398 : vector<16xi1>
          %parallel_loop3A_408 = vector.broadcast %parallel_loop3A_393 : i32 to vector<16xi32>
          %parallel_loop3A_409 = arith.addi %parallel_loop3A_395, %parallel_loop3A_408 : vector<16xi32>
          %parallel_loop3A_410 = arith.select %parallel_loop3A_407, %parallel_loop3A_409, %parallel_loop3A_395 : vector<16xi1>, vector<16xi32>
          %parallel_loop3A_411 = vector.shape_cast %parallel_loop3A_410 : vector<16xi32> to vector<16x1xi32>
          %parallel_loop3A_412 = vector.shape_cast %parallel_loop3A_411 : vector<16x1xi32> to vector<16xi32>
          %parallel_loop3A_413 = tpu.dynamic_gather %get3A_323[%parallel_loop3A_412] in [0] : vector<16xf32>, vector<16xi32> -> vector<16xf32>
          %parallel_loop3A_414 = arith.constant 16 : i32
          %parallel_loop3A_415 = arith.muli %parallel_loop3A_333, %parallel_loop3A_414 : i32
          %parallel_loop3A_416 = arith.addi %mul3A_329, %parallel_loop3A_415 : i32
          %parallel_loop3A_417 = arith.index_cast %parallel_loop3A_416 : i32 to index
          %parallel_loop3A_418 = tpu.vector_load %arg8[%parallel_loop3A_417] {strides = array<i32>} : memref<32768xf32, #tpu.memory_space<vmem>>, vector<16xf32>,
          %parallel_loop3A_419 = arith.subf %parallel_loop3A_348, %parallel_loop3A_341 : vector<16xf32>
          %parallel_loop3A_420 = arith.mulf %parallel_loop3A_419, %parallel_loop3A_413 : vector<16xf32>
          %parallel_loop3A_421 = arith.addf %parallel_loop3A_341, %parallel_loop3A_420 : vector<16xf32>
          %parallel_loop3A_422 = arith.subf %parallel_loop3A_362, %parallel_loop3A_355 : vector<16xf32>
          %parallel_loop3A_423 = arith.mulf %parallel_loop3A_422, %parallel_loop3A_413 : vector<16xf32>
          %parallel_loop3A_424 = arith.addf %parallel_loop3A_355, %parallel_loop3A_423 : vector<16xf32>
          %parallel_loop3A_425 = arith.subf %parallel_loop3A_424, %parallel_loop3A_421 : vector<16xf32>
          %parallel_loop3A_426 = arith.mulf %parallel_loop3A_425, %parallel_loop3A_388 : vector<16xf32>
          %parallel_loop3A_427 = arith.addf %parallel_loop3A_421, %parallel_loop3A_426 : vector<16xf32>
          %parallel_loop3A_428 = arith.mulf %parallel_loop3A_427, %parallel_loop3A_418 : vector<16xf32>
          %parallel_loop3A_429 = arith.constant 16 : i32
          %parallel_loop3A_430 = arith.constant 0 : i32
          %parallel_loop3A_431 = arith.cmpi eq, %parallel_loop3A_429, %parallel_loop3A_430 : i32
          %parallel_loop3A_432 = arith.constant 1 : i32
          %parallel_loop3A_433 = arith.select %parallel_loop3A_431, %parallel_loop3A_432, %parallel_loop3A_429 : i32
          %parallel_loop3A_434 = vector.broadcast %parallel_loop3A_433 : i32 to vector<16xi32>
          %parallel_loop3A_435 = arith.remsi %and3A_44, %parallel_loop3A_434 : vector<16xi32>
          %parallel_loop3A_436 = arith.constant 0 : i32
          %parallel_loop3A_437 = vector.broadcast %parallel_loop3A_436 : i32 to vector<16xi32>
          %parallel_loop3A_438 = arith.cmpi ne, %parallel_loop3A_435, %parallel_loop3A_437 : vector<16xi32>
          %parallel_loop3A_439 = arith.constant 0 : i32
          %parallel_loop3A_440 = vector.broadcast %parallel_loop3A_439 : i32 to vector<16xi32>
          %parallel_loop3A_441 = arith.cmpi slt, %parallel_loop3A_435, %parallel_loop3A_440 : vector<16xi32>
          %parallel_loop3A_442 = arith.constant 0 : i32
          %parallel_loop3A_443 = arith.cmpi slt, %parallel_loop3A_433, %parallel_loop3A_442 : i32
          %parallel_loop3A_444 = vector.broadcast %parallel_loop3A_443 : i1 to vector<16xi1>
          %parallel_loop3A_445 = vector.broadcast %parallel_loop3A_444 : vector<16xi1> to vector<16xi1>
          %parallel_loop3A_446 = arith.xori %parallel_loop3A_441, %parallel_loop3A_445 : vector<16xi1>
          %parallel_loop3A_447 = arith.andi %parallel_loop3A_446, %parallel_loop3A_438 : vector<16xi1>
          %parallel_loop3A_448 = vector.broadcast %parallel_loop3A_433 : i32 to vector<16xi32>
          %parallel_loop3A_449 = arith.addi %parallel_loop3A_435, %parallel_loop3A_448 : vector<16xi32>
          %parallel_loop3A_450 = arith.select %parallel_loop3A_447, %parallel_loop3A_449, %parallel_loop3A_435 : vector<16xi1>, vector<16xi32>
          %parallel_loop3A_451 = vector.shape_cast %parallel_loop3A_450 : vector<16xi32> to vector<16x1xi32>
          %parallel_loop3A_452 = vector.shape_cast %parallel_loop3A_451 : vector<16x1xi32> to vector<16xi32>
          %parallel_loop3A_453 = tpu.dynamic_gather %parallel_loop3A_428[%parallel_loop3A_452] in [0] : vector<16xf32>, vector<16xi32> -> vector<16xf32>
          %parallel_loop3A_454 = arith.addf %parallel_loop3A_428, %parallel_loop3A_453 : vector<16xf32>
          %parallel_loop3A_455 = arith.constant 16 : i32
          %parallel_loop3A_456 = arith.constant 0 : i32
          %parallel_loop3A_457 = arith.cmpi eq, %parallel_loop3A_455, %parallel_loop3A_456 : i32
          %parallel_loop3A_458 = arith.constant 1 : i32
          %parallel_loop3A_459 = arith.select %parallel_loop3A_457, %parallel_loop3A_458, %parallel_loop3A_455 : i32
          %parallel_loop3A_460 = vector.broadcast %parallel_loop3A_459 : i32 to vector<16xi32>
          %parallel_loop3A_461 = arith.remsi %and3A_38, %parallel_loop3A_460 : vector<16xi32>
          %parallel_loop3A_462 = arith.constant 0 : i32
          %parallel_loop3A_463 = vector.broadcast %parallel_loop3A_462 : i32 to vector<16xi32>
          %parallel_loop3A_464 = arith.cmpi ne, %parallel_loop3A_461, %parallel_loop3A_463 : vector<16xi32>
          %parallel_loop3A_465 = arith.constant 0 : i32
          %parallel_loop3A_466 = vector.broadcast %parallel_loop3A_465 : i32 to vector<16xi32>
          %parallel_loop3A_467 = arith.cmpi slt, %parallel_loop3A_461, %parallel_loop3A_466 : vector<16xi32>
          %parallel_loop3A_468 = arith.constant 0 : i32
          %parallel_loop3A_469 = arith.cmpi slt, %parallel_loop3A_459, %parallel_loop3A_468 : i32
          %parallel_loop3A_470 = vector.broadcast %parallel_loop3A_469 : i1 to vector<16xi1>
          %parallel_loop3A_471 = vector.broadcast %parallel_loop3A_470 : vector<16xi1> to vector<16xi1>
          %parallel_loop3A_472 = arith.xori %parallel_loop3A_467, %parallel_loop3A_471 : vector<16xi1>
          %parallel_loop3A_473 = arith.andi %parallel_loop3A_472, %parallel_loop3A_464 : vector<16xi1>
          %parallel_loop3A_474 = vector.broadcast %parallel_loop3A_459 : i32 to vector<16xi32>
          %parallel_loop3A_475 = arith.addi %parallel_loop3A_461, %parallel_loop3A_474 : vector<16xi32>
          %parallel_loop3A_476 = arith.select %parallel_loop3A_473, %parallel_loop3A_475, %parallel_loop3A_461 : vector<16xi1>, vector<16xi32>
          %parallel_loop3A_477 = vector.shape_cast %parallel_loop3A_476 : vector<16xi32> to vector<16x1xi32>
          %parallel_loop3A_478 = vector.shape_cast %parallel_loop3A_477 : vector<16x1xi32> to vector<16xi32>
          %parallel_loop3A_479 = tpu.dynamic_gather %parallel_loop3A_454[%parallel_loop3A_478] in [0] : vector<16xf32>, vector<16xi32> -> vector<16xf32>
          %parallel_loop3A_480 = arith.addf %parallel_loop3A_454, %parallel_loop3A_479 : vector<16xf32>
          %parallel_loop3A_481 = arith.constant 4 : i32
          %parallel_loop3A_482 = arith.muli %parallel_loop3A_333, %parallel_loop3A_481 : i32
          %parallel_loop3A_483 = vector.broadcast %parallel_loop3A_482 : i32 to vector<16xi32>
          %parallel_loop3A_484 = arith.addi %add3A_327, %parallel_loop3A_483 : vector<16xi32>
          tpu.vector_store_idx %arg11[%parallel_loop3A_484], %parallel_loop3A_480 masked %lt3A_47 : memref<8192xf32, #tpu.memory_space<vmem>>[vector<16xi32>], vector<16xf32>, vector<16xi1>
        } {sc.loop_unroll_factor = 4 : i64, sc.parallel_access}
      }
      %scan3A_302 = arith.constant 8 : i32
      %parallel_loop3A = arith.constant 0 : i32
      %parallel_loop3A_303 = arith.constant 128 : i32
      %parallel_loop3A_304 = arith.constant 1 : i32
      scf.for %parallel_loop3A_312 = %parallel_loop3A to %parallel_loop3A_303 step %parallel_loop3A_304  : i32 {
        %parallel_loop3A_313 = arith.constant 16 : i32
        %parallel_loop3A_314 = arith.muli %parallel_loop3A_312, %parallel_loop3A_313 : i32
        %parallel_loop3A_315 = vector.broadcast %parallel_loop3A_314 : i32 to vector<16xi32>
        %parallel_loop3A_316 = arith.addi %parallel_loop3A_315, %iota3A : vector<16xi32>
        %parallel_loop3A_317 = arith.constant 4 : i32
        %parallel_loop3A_318 = vector.broadcast %parallel_loop3A_317 : i32 to vector<16xi32>
        %parallel_loop3A_319 = arith.muli %parallel_loop3A_316, %parallel_loop3A_318 : vector<16xi32>
        %parallel_loop3A_320 = arith.constant 0 : i32
        %parallel_loop3A_321 = vector.broadcast %parallel_loop3A_320 : i32 to vector<16xi32>
        %parallel_loop3A_322 = arith.addi %parallel_loop3A_319, %parallel_loop3A_321 : vector<16xi32>
        %parallel_loop3A_323 = tpu.vector_load_idx %arg11[%parallel_loop3A_322] : memref<8192xf32, #tpu.memory_space<vmem>>[vector<16xi32>], vector<16xf32>,
        %parallel_loop3A_324 = arith.constant 16 : i32
        %parallel_loop3A_325 = arith.muli %parallel_loop3A_312, %parallel_loop3A_324 : i32
        %parallel_loop3A_326 = arith.constant 0 : i32
        %parallel_loop3A_327 = arith.index_cast %parallel_loop3A_326 : i32 to index
        %parallel_loop3A_328 = arith.index_cast %parallel_loop3A_325 : i32 to index
        %parallel_loop3A_329 = tpu.vector_load %arg6[%parallel_loop3A_327, %parallel_loop3A_328] {strides = array<i32>} : memref<4x2048xf32, #tpu.memory_space<vmem>>, vector<16xf32>,
        tpu.vector_store %arg6[%parallel_loop3A_327, %parallel_loop3A_328], %parallel_loop3A_323 {strides = array<i32>} : memref<4x2048xf32, #tpu.memory_space<vmem>>, vector<16xf32>,
        %parallel_loop3A_330 = arith.constant 1 : i32
        %parallel_loop3A_331 = vector.broadcast %parallel_loop3A_330 : i32 to vector<16xi32>
        %parallel_loop3A_332 = arith.addi %parallel_loop3A_319, %parallel_loop3A_331 : vector<16xi32>
        %parallel_loop3A_333 = tpu.vector_load_idx %arg11[%parallel_loop3A_332] : memref<8192xf32, #tpu.memory_space<vmem>>[vector<16xi32>], vector<16xf32>,
        %parallel_loop3A_334 = arith.constant 16 : i32
        %parallel_loop3A_335 = arith.muli %parallel_loop3A_312, %parallel_loop3A_334 : i32
        %parallel_loop3A_336 = arith.constant 1 : i32
        %parallel_loop3A_337 = arith.index_cast %parallel_loop3A_336 : i32 to index
        %parallel_loop3A_338 = arith.index_cast %parallel_loop3A_335 : i32 to index
        %parallel_loop3A_339 = tpu.vector_load %arg6[%parallel_loop3A_337, %parallel_loop3A_338] {strides = array<i32>} : memref<4x2048xf32, #tpu.memory_space<vmem>>, vector<16xf32>,
        tpu.vector_store %arg6[%parallel_loop3A_337, %parallel_loop3A_338], %parallel_loop3A_333 {strides = array<i32>} : memref<4x2048xf32, #tpu.memory_space<vmem>>, vector<16xf32>,
        %parallel_loop3A_340 = arith.constant 2 : i32
        %parallel_loop3A_341 = vector.broadcast %parallel_loop3A_340 : i32 to vector<16xi32>
        %parallel_loop3A_342 = arith.addi %parallel_loop3A_319, %parallel_loop3A_341 : vector<16xi32>
        %parallel_loop3A_343 = tpu.vector_load_idx %arg11[%parallel_loop3A_342] : memref<8192xf32, #tpu.memory_space<vmem>>[vector<16xi32>], vector<16xf32>,
        %parallel_loop3A_344 = arith.constant 16 : i32
        %parallel_loop3A_345 = arith.muli %parallel_loop3A_312, %parallel_loop3A_344 : i32
        %parallel_loop3A_346 = arith.constant 2 : i32
        %parallel_loop3A_347 = arith.index_cast %parallel_loop3A_346 : i32 to index
        %parallel_loop3A_348 = arith.index_cast %parallel_loop3A_345 : i32 to index
        %parallel_loop3A_349 = tpu.vector_load %arg6[%parallel_loop3A_347, %parallel_loop3A_348] {strides = array<i32>} : memref<4x2048xf32, #tpu.memory_space<vmem>>, vector<16xf32>,
        tpu.vector_store %arg6[%parallel_loop3A_347, %parallel_loop3A_348], %parallel_loop3A_343 {strides = array<i32>} : memref<4x2048xf32, #tpu.memory_space<vmem>>, vector<16xf32>,
        %parallel_loop3A_350 = arith.constant 3 : i32
        %parallel_loop3A_351 = vector.broadcast %parallel_loop3A_350 : i32 to vector<16xi32>
        %parallel_loop3A_352 = arith.addi %parallel_loop3A_319, %parallel_loop3A_351 : vector<16xi32>
        %parallel_loop3A_353 = tpu.vector_load_idx %arg11[%parallel_loop3A_352] : memref<8192xf32, #tpu.memory_space<vmem>>[vector<16xi32>], vector<16xf32>,
        %parallel_loop3A_354 = arith.constant 16 : i32
        %parallel_loop3A_355 = arith.muli %parallel_loop3A_312, %parallel_loop3A_354 : i32
        %parallel_loop3A_356 = arith.constant 3 : i32
        %parallel_loop3A_357 = arith.index_cast %parallel_loop3A_356 : i32 to index
        %parallel_loop3A_358 = arith.index_cast %parallel_loop3A_355 : i32 to index
        %parallel_loop3A_359 = tpu.vector_load %arg6[%parallel_loop3A_357, %parallel_loop3A_358] {strides = array<i32>} : memref<4x2048xf32, #tpu.memory_space<vmem>>, vector<16xf32>,
        tpu.vector_store %arg6[%parallel_loop3A_357, %parallel_loop3A_358], %parallel_loop3A_353 {strides = array<i32>} : memref<4x2048xf32, #tpu.memory_space<vmem>>, vector<16xf32>,
      } {sc.loop_unroll_factor = 2 : i64, sc.parallel_access}
      %run_scoped3A = arith.constant 0 : i32
      %run_scoped3A_305 = arith.constant 0 : i32
      "tpu.region"() ({
        %run_scoped3A_312 = tpu.sem_alloc : memref<!tpu.dma_semaphore, #tpu.memory_space<semaphore_mem>>
        %dma_start3A_313 = arith.constant 0 : i32
        %dma_start3A_314 = tpu.memref_slice %arg6[%run_scoped3A, %dma_start3A_313] : memref<4x2048xf32, #tpu.memory_space<vmem>> -> memref<1x2048xf32, #tpu.memory_space<vmem>>
        %dma_start3A_315 = tpu.memref_squeeze %dma_start3A_314 : memref<1x2048xf32, #tpu.memory_space<vmem>> -> memref<2048xf32, #tpu.memory_space<vmem>>
        %dma_start3A_316 = tpu.memref_slice %arg4[%select_n3A, %run_scoped3A_305, %add3A_58] : memref<8x4x262144xf32, #tpu.memory_space<hbm>> -> memref<1x1x2048xf32, #tpu.memory_space<hbm>>
        %dma_start3A_317 = tpu.memref_squeeze %dma_start3A_316 : memref<1x1x2048xf32, #tpu.memory_space<hbm>> -> memref<2048xf32, #tpu.memory_space<hbm>>
        %dma_start3A_318 = tpu.memref_slice %arg4[%select_n3A, %run_scoped3A_305, %add3A_58] : memref<8x4x262144xf32, #tpu.memory_space<hbm>> -> memref<1x1x2048xf32, #tpu.memory_space<hbm>>
        %dma_start3A_319 = tpu.memref_squeeze %dma_start3A_318 : memref<1x1x2048xf32, #tpu.memory_space<hbm>> -> memref<2048xf32, #tpu.memory_space<hbm>>
        %dma_start3A_320 = arith.constant 0 : i32
        %dma_start3A_321 = tpu.memref_slice %arg6[%run_scoped3A, %dma_start3A_320] : memref<4x2048xf32, #tpu.memory_space<vmem>> -> memref<1x2048xf32, #tpu.memory_space<vmem>>
        %dma_start3A_322 = tpu.memref_squeeze %dma_start3A_321 : memref<1x2048xf32, #tpu.memory_space<vmem>> -> memref<2048xf32, #tpu.memory_space<vmem>>
        tpu.enqueue_dma source(%dma_start3A_322 : memref<2048xf32, #tpu.memory_space<vmem>>) target(%dma_start3A_319 : memref<2048xf32, #tpu.memory_space<hbm>>) target_semaphore(%run_scoped3A_312 : memref<!tpu.dma_semaphore, #tpu.memory_space<semaphore_mem>>)
        %dma_wait3A_323 = arith.constant 0 : i32
        %dma_wait3A_324 = tpu.memref_slice %arg6[%run_scoped3A, %dma_wait3A_323] : memref<4x2048xf32, #tpu.memory_space<vmem>> -> memref<1x2048xf32, #tpu.memory_space<vmem>>
        %dma_wait3A_325 = tpu.memref_squeeze %dma_wait3A_324 : memref<1x2048xf32, #tpu.memory_space<vmem>> -> memref<2048xf32, #tpu.memory_space<vmem>>
        %dma_wait3A_326 = tpu.memref_slice %arg4[%select_n3A, %run_scoped3A_305, %add3A_58] : memref<8x4x262144xf32, #tpu.memory_space<hbm>> -> memref<1x1x2048xf32, #tpu.memory_space<hbm>>
        %dma_wait3A_327 = tpu.memref_squeeze %dma_wait3A_326 : memref<1x1x2048xf32, #tpu.memory_space<hbm>> -> memref<2048xf32, #tpu.memory_space<hbm>>
        %dma_wait3A_328 = tpu.memref_slice %arg4[%select_n3A, %run_scoped3A_305, %add3A_58] : memref<8x4x262144xf32, #tpu.memory_space<hbm>> -> memref<1x1x2048xf32, #tpu.memory_space<hbm>>
        %dma_wait3A_329 = tpu.memref_squeeze %dma_wait3A_328 : memref<1x1x2048xf32, #tpu.memory_space<hbm>> -> memref<2048xf32, #tpu.memory_space<hbm>>
        %dma_wait3A_330 = arith.constant 0 : i32
        %dma_wait3A_331 = tpu.memref_slice %arg6[%run_scoped3A, %dma_wait3A_330] : memref<4x2048xf32, #tpu.memory_space<vmem>> -> memref<1x2048xf32, #tpu.memory_space<vmem>>
        %dma_wait3A_332 = tpu.memref_squeeze %dma_wait3A_331 : memref<1x2048xf32, #tpu.memory_space<vmem>> -> memref<2048xf32, #tpu.memory_space<vmem>>
        tpu.wait_dma2 semaphore(%run_scoped3A_312 : memref<!tpu.dma_semaphore, #tpu.memory_space<semaphore_mem>>) src(%dma_wait3A_332 : memref<2048xf32, #tpu.memory_space<vmem>>) dst(%dma_wait3A_329 : memref<2048xf32, #tpu.memory_space<hbm>>)
        tpu.yield
      }) : () -> ()
      %run_scoped3A_306 = arith.constant 1 : i32
      %run_scoped3A_307 = arith.constant 1 : i32
      "tpu.region"() ({
        %run_scoped3A_312 = tpu.sem_alloc : memref<!tpu.dma_semaphore, #tpu.memory_space<semaphore_mem>>
        %dma_start3A_313 = arith.constant 0 : i32
        %dma_start3A_314 = tpu.memref_slice %arg6[%run_scoped3A_306, %dma_start3A_313] : memref<4x2048xf32, #tpu.memory_space<vmem>> -> memref<1x2048xf32, #tpu.memory_space<vmem>>
        %dma_start3A_315 = tpu.memref_squeeze %dma_start3A_314 : memref<1x2048xf32, #tpu.memory_space<vmem>> -> memref<2048xf32, #tpu.memory_space<vmem>>
        %dma_start3A_316 = tpu.memref_slice %arg4[%select_n3A, %run_scoped3A_307, %add3A_58] : memref<8x4x262144xf32, #tpu.memory_space<hbm>> -> memref<1x1x2048xf32, #tpu.memory_space<hbm>>
        %dma_start3A_317 = tpu.memref_squeeze %dma_start3A_316 : memref<1x1x2048xf32, #tpu.memory_space<hbm>> -> memref<2048xf32, #tpu.memory_space<hbm>>
        %dma_start3A_318 = tpu.memref_slice %arg4[%select_n3A, %run_scoped3A_307, %add3A_58] : memref<8x4x262144xf32, #tpu.memory_space<hbm>> -> memref<1x1x2048xf32, #tpu.memory_space<hbm>>
        %dma_start3A_319 = tpu.memref_squeeze %dma_start3A_318 : memref<1x1x2048xf32, #tpu.memory_space<hbm>> -> memref<2048xf32, #tpu.memory_space<hbm>>
        %dma_start3A_320 = arith.constant 0 : i32
        %dma_start3A_321 = tpu.memref_slice %arg6[%run_scoped3A_306, %dma_start3A_320] : memref<4x2048xf32, #tpu.memory_space<vmem>> -> memref<1x2048xf32, #tpu.memory_space<vmem>>
        %dma_start3A_322 = tpu.memref_squeeze %dma_start3A_321 : memref<1x2048xf32, #tpu.memory_space<vmem>> -> memref<2048xf32, #tpu.memory_space<vmem>>
        tpu.enqueue_dma source(%dma_start3A_322 : memref<2048xf32, #tpu.memory_space<vmem>>) target(%dma_start3A_319 : memref<2048xf32, #tpu.memory_space<hbm>>) target_semaphore(%run_scoped3A_312 : memref<!tpu.dma_semaphore, #tpu.memory_space<semaphore_mem>>)
        %dma_wait3A_323 = arith.constant 0 : i32
        %dma_wait3A_324 = tpu.memref_slice %arg6[%run_scoped3A_306, %dma_wait3A_323] : memref<4x2048xf32, #tpu.memory_space<vmem>> -> memref<1x2048xf32, #tpu.memory_space<vmem>>
        %dma_wait3A_325 = tpu.memref_squeeze %dma_wait3A_324 : memref<1x2048xf32, #tpu.memory_space<vmem>> -> memref<2048xf32, #tpu.memory_space<vmem>>
        %dma_wait3A_326 = tpu.memref_slice %arg4[%select_n3A, %run_scoped3A_307, %add3A_58] : memref<8x4x262144xf32, #tpu.memory_space<hbm>> -> memref<1x1x2048xf32, #tpu.memory_space<hbm>>
        %dma_wait3A_327 = tpu.memref_squeeze %dma_wait3A_326 : memref<1x1x2048xf32, #tpu.memory_space<hbm>> -> memref<2048xf32, #tpu.memory_space<hbm>>
        %dma_wait3A_328 = tpu.memref_slice %arg4[%select_n3A, %run_scoped3A_307, %add3A_58] : memref<8x4x262144xf32, #tpu.memory_space<hbm>> -> memref<1x1x2048xf32, #tpu.memory_space<hbm>>
        %dma_wait3A_329 = tpu.memref_squeeze %dma_wait3A_328 : memref<1x1x2048xf32, #tpu.memory_space<hbm>> -> memref<2048xf32, #tpu.memory_space<hbm>>
        %dma_wait3A_330 = arith.constant 0 : i32
        %dma_wait3A_331 = tpu.memref_slice %arg6[%run_scoped3A_306, %dma_wait3A_330] : memref<4x2048xf32, #tpu.memory_space<vmem>> -> memref<1x2048xf32, #tpu.memory_space<vmem>>
        %dma_wait3A_332 = tpu.memref_squeeze %dma_wait3A_331 : memref<1x2048xf32, #tpu.memory_space<vmem>> -> memref<2048xf32, #tpu.memory_space<vmem>>
        tpu.wait_dma2 semaphore(%run_scoped3A_312 : memref<!tpu.dma_semaphore, #tpu.memory_space<semaphore_mem>>) src(%dma_wait3A_332 : memref<2048xf32, #tpu.memory_space<vmem>>) dst(%dma_wait3A_329 : memref<2048xf32, #tpu.memory_space<hbm>>)
        tpu.yield
      }) : () -> ()
      %run_scoped3A_308 = arith.constant 2 : i32
      %run_scoped3A_309 = arith.constant 2 : i32
      "tpu.region"() ({
        %run_scoped3A_312 = tpu.sem_alloc : memref<!tpu.dma_semaphore, #tpu.memory_space<semaphore_mem>>
        %dma_start3A_313 = arith.constant 0 : i32
        %dma_start3A_314 = tpu.memref_slice %arg6[%run_scoped3A_308, %dma_start3A_313] : memref<4x2048xf32, #tpu.memory_space<vmem>> -> memref<1x2048xf32, #tpu.memory_space<vmem>>
        %dma_start3A_315 = tpu.memref_squeeze %dma_start3A_314 : memref<1x2048xf32, #tpu.memory_space<vmem>> -> memref<2048xf32, #tpu.memory_space<vmem>>
        %dma_start3A_316 = tpu.memref_slice %arg4[%select_n3A, %run_scoped3A_309, %add3A_58] : memref<8x4x262144xf32, #tpu.memory_space<hbm>> -> memref<1x1x2048xf32, #tpu.memory_space<hbm>>
        %dma_start3A_317 = tpu.memref_squeeze %dma_start3A_316 : memref<1x1x2048xf32, #tpu.memory_space<hbm>> -> memref<2048xf32, #tpu.memory_space<hbm>>
        %dma_start3A_318 = tpu.memref_slice %arg4[%select_n3A, %run_scoped3A_309, %add3A_58] : memref<8x4x262144xf32, #tpu.memory_space<hbm>> -> memref<1x1x2048xf32, #tpu.memory_space<hbm>>
        %dma_start3A_319 = tpu.memref_squeeze %dma_start3A_318 : memref<1x1x2048xf32, #tpu.memory_space<hbm>> -> memref<2048xf32, #tpu.memory_space<hbm>>
        %dma_start3A_320 = arith.constant 0 : i32
        %dma_start3A_321 = tpu.memref_slice %arg6[%run_scoped3A_308, %dma_start3A_320] : memref<4x2048xf32, #tpu.memory_space<vmem>> -> memref<1x2048xf32, #tpu.memory_space<vmem>>
        %dma_start3A_322 = tpu.memref_squeeze %dma_start3A_321 : memref<1x2048xf32, #tpu.memory_space<vmem>> -> memref<2048xf32, #tpu.memory_space<vmem>>
        tpu.enqueue_dma source(%dma_start3A_322 : memref<2048xf32, #tpu.memory_space<vmem>>) target(%dma_start3A_319 : memref<2048xf32, #tpu.memory_space<hbm>>) target_semaphore(%run_scoped3A_312 : memref<!tpu.dma_semaphore, #tpu.memory_space<semaphore_mem>>)
        %dma_wait3A_323 = arith.constant 0 : i32
        %dma_wait3A_324 = tpu.memref_slice %arg6[%run_scoped3A_308, %dma_wait3A_323] : memref<4x2048xf32, #tpu.memory_space<vmem>> -> memref<1x2048xf32, #tpu.memory_space<vmem>>
        %dma_wait3A_325 = tpu.memref_squeeze %dma_wait3A_324 : memref<1x2048xf32, #tpu.memory_space<vmem>> -> memref<2048xf32, #tpu.memory_space<vmem>>
        %dma_wait3A_326 = tpu.memref_slice %arg4[%select_n3A, %run_scoped3A_309, %add3A_58] : memref<8x4x262144xf32, #tpu.memory_space<hbm>> -> memref<1x1x2048xf32, #tpu.memory_space<hbm>>
        %dma_wait3A_327 = tpu.memref_squeeze %dma_wait3A_326 : memref<1x1x2048xf32, #tpu.memory_space<hbm>> -> memref<2048xf32, #tpu.memory_space<hbm>>
        %dma_wait3A_328 = tpu.memref_slice %arg4[%select_n3A, %run_scoped3A_309, %add3A_58] : memref<8x4x262144xf32, #tpu.memory_space<hbm>> -> memref<1x1x2048xf32, #tpu.memory_space<hbm>>
        %dma_wait3A_329 = tpu.memref_squeeze %dma_wait3A_328 : memref<1x1x2048xf32, #tpu.memory_space<hbm>> -> memref<2048xf32, #tpu.memory_space<hbm>>
        %dma_wait3A_330 = arith.constant 0 : i32
        %dma_wait3A_331 = tpu.memref_slice %arg6[%run_scoped3A_308, %dma_wait3A_330] : memref<4x2048xf32, #tpu.memory_space<vmem>> -> memref<1x2048xf32, #tpu.memory_space<vmem>>
        %dma_wait3A_332 = tpu.memref_squeeze %dma_wait3A_331 : memref<1x2048xf32, #tpu.memory_space<vmem>> -> memref<2048xf32, #tpu.memory_space<vmem>>
        tpu.wait_dma2 semaphore(%run_scoped3A_312 : memref<!tpu.dma_semaphore, #tpu.memory_space<semaphore_mem>>) src(%dma_wait3A_332 : memref<2048xf32, #tpu.memory_space<vmem>>) dst(%dma_wait3A_329 : memref<2048xf32, #tpu.memory_space<hbm>>)
        tpu.yield
      }) : () -> ()
      %run_scoped3A_310 = arith.constant 3 : i32
      %run_scoped3A_311 = arith.constant 3 : i32
      "tpu.region"() ({
        %run_scoped3A_312 = tpu.sem_alloc : memref<!tpu.dma_semaphore, #tpu.memory_space<semaphore_mem>>
        %dma_start3A_313 = arith.constant 0 : i32
        %dma_start3A_314 = tpu.memref_slice %arg6[%run_scoped3A_310, %dma_start3A_313] : memref<4x2048xf32, #tpu.memory_space<vmem>> -> memref<1x2048xf32, #tpu.memory_space<vmem>>
        %dma_start3A_315 = tpu.memref_squeeze %dma_start3A_314 : memref<1x2048xf32, #tpu.memory_space<vmem>> -> memref<2048xf32, #tpu.memory_space<vmem>>
        %dma_start3A_316 = tpu.memref_slice %arg4[%select_n3A, %run_scoped3A_311, %add3A_58] : memref<8x4x262144xf32, #tpu.memory_space<hbm>> -> memref<1x1x2048xf32, #tpu.memory_space<hbm>>
        %dma_start3A_317 = tpu.memref_squeeze %dma_start3A_316 : memref<1x1x2048xf32, #tpu.memory_space<hbm>> -> memref<2048xf32, #tpu.memory_space<hbm>>
        %dma_start3A_318 = tpu.memref_slice %arg4[%select_n3A, %run_scoped3A_311, %add3A_58] : memref<8x4x262144xf32, #tpu.memory_space<hbm>> -> memref<1x1x2048xf32, #tpu.memory_space<hbm>>
        %dma_start3A_319 = tpu.memref_squeeze %dma_start3A_318 : memref<1x1x2048xf32, #tpu.memory_space<hbm>> -> memref<2048xf32, #tpu.memory_space<hbm>>
        %dma_start3A_320 = arith.constant 0 : i32
        %dma_start3A_321 = tpu.memref_slice %arg6[%run_scoped3A_310, %dma_start3A_320] : memref<4x2048xf32, #tpu.memory_space<vmem>> -> memref<1x2048xf32, #tpu.memory_space<vmem>>
        %dma_start3A_322 = tpu.memref_squeeze %dma_start3A_321 : memref<1x2048xf32, #tpu.memory_space<vmem>> -> memref<2048xf32, #tpu.memory_space<vmem>>
        tpu.enqueue_dma source(%dma_start3A_322 : memref<2048xf32, #tpu.memory_space<vmem>>) target(%dma_start3A_319 : memref<2048xf32, #tpu.memory_space<hbm>>) target_semaphore(%run_scoped3A_312 : memref<!tpu.dma_semaphore, #tpu.memory_space<semaphore_mem>>)
        %dma_wait3A_323 = arith.constant 0 : i32
        %dma_wait3A_324 = tpu.memref_slice %arg6[%run_scoped3A_310, %dma_wait3A_323] : memref<4x2048xf32, #tpu.memory_space<vmem>> -> memref<1x2048xf32, #tpu.memory_space<vmem>>
        %dma_wait3A_325 = tpu.memref_squeeze %dma_wait3A_324 : memref<1x2048xf32, #tpu.memory_space<vmem>> -> memref<2048xf32, #tpu.memory_space<vmem>>
        %dma_wait3A_326 = tpu.memref_slice %arg4[%select_n3A, %run_scoped3A_311, %add3A_58] : memref<8x4x262144xf32, #tpu.memory_space<hbm>> -> memref<1x1x2048xf32, #tpu.memory_space<hbm>>
        %dma_wait3A_327 = tpu.memref_squeeze %dma_wait3A_326 : memref<1x1x2048xf32, #tpu.memory_space<hbm>> -> memref<2048xf32, #tpu.memory_space<hbm>>
        %dma_wait3A_328 = tpu.memref_slice %arg4[%select_n3A, %run_scoped3A_311, %add3A_58] : memref<8x4x262144xf32, #tpu.memory_space<hbm>> -> memref<1x1x2048xf32, #tpu.memory_space<hbm>>
        %dma_wait3A_329 = tpu.memref_squeeze %dma_wait3A_328 : memref<1x1x2048xf32, #tpu.memory_space<hbm>> -> memref<2048xf32, #tpu.memory_space<hbm>>
        %dma_wait3A_330 = arith.constant 0 : i32
        %dma_wait3A_331 = tpu.memref_slice %arg6[%run_scoped3A_310, %dma_wait3A_330] : memref<4x2048xf32, #tpu.memory_space<vmem>> -> memref<1x2048xf32, #tpu.memory_space<vmem>>
        %dma_wait3A_332 = tpu.memref_squeeze %dma_wait3A_331 : memref<1x2048xf32, #tpu.memory_space<vmem>> -> memref<2048xf32, #tpu.memory_space<vmem>>
        tpu.wait_dma2 semaphore(%run_scoped3A_312 : memref<!tpu.dma_semaphore, #tpu.memory_space<semaphore_mem>>) src(%dma_wait3A_332 : memref<2048xf32, #tpu.memory_space<vmem>>) dst(%dma_wait3A_329 : memref<2048xf32, #tpu.memory_space<hbm>>)
        tpu.yield
      }) : () -> ()
    }
    %scan3A_54 = arith.constant 32 : i32
    return
  }
}

</mosaic_0001>

<sc_bundles>
// kernel: kernel.3.cloned.1.call-start
scs
__scs_entry_jumppad:
0x0: {  	(pc) =	sbr.rel $0x88, $3  }
0x1: {  	(tag) =	ssettag $0x0;
	lr =	simm.s32 $0x1  }
0x2: {  	[smem:$0x3F9F] =	sst lr;
	_ =	strace $0xD0000000  }
0x3: {  	_ = 	snop  }
0x4: {  	_ = 	snop  }
0x5: {  	_ = 	snop  }
0x6: {  	_ = 	snop  }
0x7: {  	_ = 	snop  }
__scs_overlays_trampoline_lowered:
0x8: {  	[smem:$0x3FAE] =	sst s0  }
0x9: {  	[smem:$0x3FAF] =	sst s1  }
0xa: {  	[smem:$0x3FB0] =	sst s2  }
0xb: {  	[smem:$0x3FB1] =	sst s3  }
0xc: {  	[smem:$0x3FB2] =	sst s4  }
0xd: {  	[smem:$0x3FB3] =	sst s5  }
0xe: {  	[smem:$0x3FB4] =	sst s6  }
0xf: {  	[smem:$0x3FB5] =	sst s7  }
0x10: {  	[smem:$0x3FB6] =	sst s8  }
0x11: {  	[smem:$0x3FB7] =	sst s9;
	s0 =	simm.s32 @!p0 $0x0  }
0x12: {  	s1 =	sld [smem:$0x3F9D];
	s0 =	simm.s32 @p0 $0x1  }
0x13: {  	[smem:$0x3FB8] =	sst s0;
	s0 =	simm.s32 @!p1 $0x0  }
0x14: {  	s2 =	sld [smem:$0x3F9C];
	s0 =	simm.s32 @p1 $0x1  }
0x15: {  	[smem:$0x3FB9] =	sst s0;
	s0 =	simm.s32 @!p2 $0x0  }
0x16: {  	s3 =	sld [smem:$0x3FDB];
	s0 =	simm.s32 @p2 $0x1  }
0x17: {  	s4 =	simm.s32 $0x1BF5;
	[smem:$0x3FBB] =	sst s0  }
0x18: {  	s0 =	sld [smem:$0x3F9E];
	_ =	swait.ge [sflag:s4], $0x0  }
0x19: {  	s7 =	sld [smem:$0x3F9F]  }
0x1a: {  	s8 =	sadd.s32 $0xFFFFE003, lr  }
0x1b: {  	s9 =	sadd.s32 $0xFFFFFEF7, lr;
	s5 =	simm.s32 $0xFFFFFFFF;
	p2 =	slt.u32 s8, $0xFFFFF086  }
0x1c: {  	p1 =	slt.u32 s9, $0xF7A;
	s5 =	simm.s32 @!p2 $0x0  }
0x1d: {  	s5 =	simm.s32 @p1 $0x1;
	p0 =	seq.s32 s7, s2  }
0x1e: {  	s7 =	smul.u32 @!p0 $0xF7A, s2;
	p2 =	seq.s32 @!p0 s5, $0x0  }
0x1f: {  	s9 =	smul.u32 $0xF7A, s1;
	s8 =	simm.s32 @!p0 $0x1BF5;
	p2 =	por !p2, p0  }
0x20: {  	[sflag:s8] =	ssyncset.s32 @!p0 $0xFFFFF086;
	s6 =	sadd.s32 @!p0 s3, s7;
	s7 =	simm.s32 @!p0 $0x108  }
0x21: {  	s3 =	sadd.s32 s3, s9;
	s6 =	sadd.s32 @!p0 $0x88, s6;
	s7 =	simm.s32 @p2 $0x1082  }
0x22: {  	[simem:s7], [sflag:s8] =	dma.local @!p0 [hbm:s6], $0xF7A  }
0x23: {  	s9 =	sor.u32 $0xD0000000, s2;
	s6 =	simm.s32 $0x108;
	_ =	swait.ge @!p0 [sflag:s8], $0x0  }
0x24: {  	s3 =	sadd.s32 $0x88, s3;
	s6 =	simm.s32 @!p1 $0x1082;
	[sflag:s4] =	ssyncset.s32 $0xFFFFF086  }
0x25: {  	[simem:s6], [sflag:s4] =	dma.local [hbm:s3], $0xF7A  }
0x26: {  	[smem:$0x3F9F] =	sst s1;
	(tag) =	ssettag s2;
	_ =	strace s9  }
0x27: {  	s1 =	sld [smem:$0x3FAF]  }
0x28: {  	s2 =	sld [smem:$0x3FB0]  }
0x29: {  	s4 =	sld [smem:$0x3FB2]  }
0x2a: {  	p0 =	seq.s32 s5, $0x0;
	s5 =	sld [smem:$0x3FB3]  }
0x2b: {  	s6 =	sld [smem:$0x3FB4]  }
0x2c: {  	s7 =	sld [smem:$0x3FB5]  }
0x2d: {  	s3 =	simm.s32 $0x108;
	s8 =	sld [smem:$0x3FB6]  }
0x2e: {  	s3 =	simm.s32 @!p0 $0x1082;
	s9 =	sld [smem:$0x3FB7]  }
0x2f: {  	lr =	sadd.s32 s0, s3;
	s0 =	sld [smem:$0x3FAE]  }
0x30: {  	s3 =	sld [smem:$0x3FB1]  }
0x31: {  	[smem:$0x3FBA] =	sst s10  }
0x32: {  	s10 =	sld [smem:$0x3FB8];
	_ =	sdelay $0x3  }
0x33: {  	p0 =	seq.s32 s10, $0x1;
	s10 =	sld [smem:$0x3FBA];
	_ =	sdelay $0x3  }
0x34: {  	[smem:$0x3FBA] =	sst s10  }
0x35: {  	s10 =	sld [smem:$0x3FB9];
	_ =	sdelay $0x3  }
0x36: {  	p1 =	seq.s32 s10, $0x1;
	s10 =	sld [smem:$0x3FBA];
	_ =	sdelay $0x3  }
0x37: {  	[smem:$0x3FBA] =	sst s10  }
0x38: {  	s10 =	sld [smem:$0x3FBB]  }
0x39: {  	_ = 	snop;
	(pc) =	sbr.ind lr, $3  }
0x3a: {  	_ = 	snop  }
0x3b: {  	_ = 	snop  }
0x3c: {  	p2 =	seq.s32 s10, $0x1;
	s10 =	sld [smem:$0x3FBA]  }
0x3d: {  	_ =	shalt  }
0x3e: {  	_ =	shalt  }
0x3f: {  	_ =	shalt  }
0x40: {  	_ =	shalt  }
0x41: {  	_ =	shalt  }
0x42: {  	_ =	shalt  }
0x43: {  	_ =	shalt  }
0x44: {  	_ =	shalt  }
0x45: {  	_ =	shalt  }
0x46: {  	_ =	shalt  }
0x47: {  	_ =	shalt  }
0x48: {  	_ =	shalt  }
0x49: {  	_ =	shalt  }
0x4a: {  	_ =	shalt  }
0x4b: {  	_ =	shalt  }
0x4c: {  	_ =	shalt  }
0x4d: {  	_ =	shalt  }
0x4e: {  	_ =	shalt  }
0x4f: {  	_ =	shalt  }
0x50: {  	_ =	shalt  }
0x51: {  	_ =	shalt  }
0x52: {  	_ =	shalt  }
0x53: {  	_ =	shalt  }
0x54: {  	_ =	shalt  }
0x55: {  	_ =	shalt  }
0x56: {  	_ =	shalt  }
0x57: {  	_ =	shalt  }
0x58: {  	_ =	shalt  }
0x59: {  	_ =	shalt  }
0x5a: {  	_ =	shalt  }
0x5b: {  	_ =	shalt  }
0x5c: {  	_ =	shalt  }
0x5d: {  	_ =	shalt  }
0x5e: {  	_ =	shalt  }
0x5f: {  	_ =	shalt  }
0x60: {  	_ =	shalt  }
0x61: {  	_ =	shalt  }
0x62: {  	_ =	shalt  }
0x63: {  	_ =	shalt  }
0x64: {  	_ =	shalt  }
0x65: {  	_ =	shalt  }
0x66: {  	_ =	shalt  }
0x67: {  	_ =	shalt  }
0x68: {  	_ =	shalt  }
0x69: {  	_ =	shalt  }
0x6a: {  	_ =	shalt  }
0x6b: {  	_ =	shalt  }
0x6c: {  	_ =	shalt  }
0x6d: {  	_ =	shalt  }
0x6e: {  	_ =	shalt  }
0x6f: {  	_ =	shalt  }
0x70: {  	_ =	shalt  }
0x71: {  	_ =	shalt  }
0x72: {  	_ =	shalt  }
0x73: {  	_ =	shalt  }
0x74: {  	_ =	shalt  }
0x75: {  	_ =	shalt  }
0x76: {  	_ =	shalt  }
0x77: {  	_ =	shalt  }
0x78: {  	_ =	shalt  }
0x79: {  	_ =	shalt  }
0x7a: {  	_ =	shalt  }
0x7b: {  	_ =	shalt  }
0x7c: {  	_ =	shalt  }
0x7d: {  	_ =	shalt  }
0x7e: {  	_ =	shalt  }
0x7f: {  	_ =	shalt  }
0x80: {  	_ =	shalt  }
0x81: {  	_ =	shalt  }
0x82: {  	_ =	shalt  }
0x83: {  	_ =	shalt  }
0x84: {  	_ =	shalt  }
0x85: {  	_ =	shalt  }
0x86: {  	_ =	shalt  }
0x87: {  	_ =	shalt  }
.Lfunc_end0:
.L_simem_size_0:
called_computation.1_lowered:
.L_overlay_start_0:
0x88: {  	s2 =	sld [smem:$0x3FD9]  }
0x89: {  	s3 =	sld [smem:$0x3FFE];
	_ =	sdelay $0x1  }
0x8a: {  	s1 =	srdreg.scid  }
0x8b: {  	s0 =	sand.u32 $0x1, s1  }
0x8c: {  	s17 =	sshll.u32 s0, $0xA;
	s2 =	sadd.s32 s3, s2  }
0x8d: {  	s2 =	sadd.s32 s2, s17  }
0x8e: {  	[smem:$0x3FC6] =	sst s2  }
0x8f: {  	_ = 	snop  }
0x90: {  	s2 =	sld [smem:$0x3FD0];
	(tm) =	ssettm $0x1  }
0x91: {  	s18 =	sld [smem:$0x3FFB];
	_ =	sdelay $0x3  }
0x92: {  	_ =	strace s18  }
0x93: {  	s3 =	sld [smem:$0x3FFC];
	_ =	sdelay $0x3  }
0x94: {  	_ =	strace s3  }
0x95: {  	s3 =	sld [smem:$0x3FFD];
	_ =	sdelay $0x3  }
0x96: {  	_ =	strace s3  }
0x97: {  	_ =	strace $0x8FFFFFFF  }
0x98: {  	s19 =	sld [smem:$0x3FDB];
	_ =	sdelay $0x1  }
0x99: {  	s4 =	simm.s32 $_scs_section_size  }
0x9a: {  	s5 =	simm.s32 $_size__tile_overlayer_lowered;
	s6 =	simm.s32 $_tile_overlayer_lowered  }
0x9b: {  	s22 =	simm.s32 $0x1BFF;
	s21 =	sshll.u32 s6, $0x1;
	s3 =	sadd.s32 s4, s19  }
0x9c: {  	s7 =	simm.s32 $0x0;
	s20 =	sshll.u32 s5, $0x1;
	s5 =	sadd.s32 s21, s3  }
0x9d: {  	[timem:s7], [sflag:s22] =	dma.local [hbm:s5], s20  }
0x9e: {  	_ =	swait.ge [sflag:s22], s20  }
0x9f: {  	s4 =	ssub.s32 $0x0, s20;
	[sflag:s22] =	ssyncset.done $0x0  }
0xa0: {  	[sflag:s22] =	ssyncadd.s32 s4;
	_ =	sdelay $0x1  }
0xa1: {  	s23 =	simm.s32 $0x1B8B  }
0xa2: {  	_ =	swait.ge [sflag:s23], $0x1  }
0xa3: {  	[sflag:s23] =	ssyncset.done $0x0  }
0xa4: {  	s25 =	simm.s32 $0x1B8E;
	s24 =	sld [smem:$0x3FFE];
	[sflag:s23] =	ssyncadd.s32 $0xFFFFFFFF  }
0xa5: {  	s26 =	simm.s32 $execute0_lowered;
	[smem:$0x3FD2] =	sst s25  }
0xa6: {  	s5 =	sshll.u32 s26, $0x1;
	_ =	strace $0x80000049;
	[dreg:$0x1] =	wrdreg $0xFFFFFFFF  }
0xa7: {  	s28 =	simm.s32 $_size_execute0_lowered;
	s3 =	sadd.s32 s3, s5;
	[dreg:$0x0] =	wrdreg $0x0  }
0xa8: {  	s5 =	sshll.u32 s28, $0x1;
	[dreg:$0x2] =	wrdreg s3  }
0xa9: {  	[dreg:$0x3] =	wrdreg s5  }
0xaa: {  	[dreg:$0x4] =	wrdreg $0xC0  }
0xab: {  	_ =	task [dreg:s7], $0x5FFFF  }
0xac: {  	[dreg:$0x1] =	wrdreg $0xFFFFFFFF  }
0xad: {  	[dreg:$0x0] =	wrdreg $0x60  }
0xae: {  	[dreg:$0x2] =	wrdreg s2  }
0xaf: {  	[dreg:$0x3] =	wrdreg s24  }
0xb0: {  	[dreg:$0x4] =	wrdreg $0x9  }
0xb1: {  	_ =	task.clear_ibuf [dreg:s7], $0x5FFFF;
	_ =	strace $0x90000049  }
0xb2: {  	s29 =	simm.s32 $0x9;
	_ =	strace $0x8000004B  }
0xb3: {  	_ =	swait.ge [sflag:s29], $0x1  }
0xb4: {  	[sflag:s29] =	ssyncadd.s32 $0xFFFFFFFF  }
0xb5: {  	_ =	strace $0x9000004B  }
0xb6: {  	_ =	sfence  }
0xb7: {  	s30 =	sld [smem:$0x0];
	_ =	sdelay $0x2  }
0xb8: {  	s31 =	sshll.u32 s1, $0xD;
	s1 =	sshrl.u32 s1, $0x2  }
0xb9: {  	s3 =	sand.u32 $0x4000, s31;
	s1 =	sadd.s32 s1, s30  }
0xba: {  	s0 =	sor.u32 s3, s0;
	s1 =	sshll.u32 s1, $0x11  }
0xbb: {  	s0 =	sor.u32 s1, s0  }
0xbc: {  	s0 =	sadd.s32 $0x8F2B, s0  }
0xbd: {  	[sflag:s0] =	ssyncadd.remote.s32 $0x1  }
0xbe: {  	_ =	sfence.sel $0xFFFF  }
0xbf: {  	[dreg:$0x0] =	wrdreg $0xFFFFFFFF;
	(pc) =	sbr.abs _section_cstart, $3  }
0xc0: {  	[dreg:$0x1] =	wrdreg $0xFFFFFFFF  }
0xc1: {  	_ =	task.clear_ibuf [dreg:s7], $0x2FFFF;
	_ =	strace $0x9FFFFFFF  }
0xc2: {  	(tm) =	ssettm $0x7FFFFFFF  }
0xc3: {  	_ =	shalt  }
tec
execute0_lowered:
.L_overlay_start_1:
0x0: {  	(tag) =	ssettag $0x1  }
0x1: {  	v0 =	vlaneseq.u32  }
0x2: {  	s0 =	rddreg [dreg:$0x1];
	v11 =	vimm.s32 $0x3210FEDC;
	v12 =	vimm.s32 $0xBA987654;
	v13 =	vimm.s32 $0xFEDCBA98  }
0x3: {  	s1 =	simm.s32 $0x0;
	s26 =	srdreg.scid;
	s6 =	stileid.u32;
	v15 =	vimm.s32 $0x76543210;
	v1 =	vmul.u32 $0x10, v0;
	v14 =	vunpack.c.l.s4.s8 v11  }
0x4: {  	s11 =	simm.s32 $0x5000;
	s14 =	simm.s32 $0x80;
	s23 =	simm.s32 $0x12000;
	v12 =	vunpack.c.l.s4.s8 v12;
	v16 =	vunpack.c.l.s4.s8 v13;
	v15 =	vunpack.c.l.s4.s8 v15  }
0x5: {  	s24 =	simm.s32 $0x12800;
	s25 =	simm.s32 $0x2;
	[smem:$0x7FF] =	sst s1;
	v2 =	vor.u32 $0x1, v1;
	v3 =	vor.u32 $0x2, v1;
	v4 =	vor.u32 $0x3, v1  }
0x6: {  	s1 =	sand.u32 $0x1, s26;
	s2 =	sshll.u32 s6, $0x1;
	s4 =	sadd.s32 $0x147200, s0;
	v5 =	vor.u32 $0x4, v1;
	v6 =	vor.u32 $0x5, v1;
	v7 =	vor.u32 $0x6, v1  }
0x7: {  	s29 =	sshll.u32 s6, $0x10;
	s0 =	sadd.s32 $0xC00, s0;
	s2 =	sand.u32 $0x2, s2;
	v8 =	vor.u32 $0x7, v1;
	v9 =	vor.u32 $0x9, v1;
	v10 =	vor.u32 $0x8, v1  }
0x8: {  	_ =	strace $0x8000004A;
	s3 =	ssub.s32 $0x2, s1;
	s1 =	sor.u32 s1, s2;
	v11 =	vor.u32 $0xA, v1;
	v17 =	vunpack.c.0.s8.s32 v14;
	v18 =	vunpack.c.0.s8.s32 v12  }
0x9: {  	s5 =	sshrl.u32 s3, $0x1;
	s2 =	sand.u32 $0xE0000, s29;
	v12 =	vor.u32 $0xB, v1;
	v13 =	vor.u32 $0xC, v1;
	v19 =	vunpack.c.0.s8.s32 v16;
	s1 =	sshll.u32 s1, $0xD  }
0xa: {  	[dreg:$0x3] =	wrdreg s0;
	v14 =	vor.u32 $0xD, v1;
	v20 =	vunpack.c.0.s8.s32 v15;
	s3 =	ssub.s32 s3, s5;
	s30 =	sor.u32 s2, s1;
	v21 =	vcombine.low v18, v17  }
0xb: {  	s28 =	simm.s32 $0x3;
	v15 =	vor.u32 $0xE, v1;
	v16 =	vor.u32 $0xF, v1;
	s31 =	smax.u32 s3, $0x1;
	v18 =	vand.u32 $0xF, v19;
	[dreg:$0x4] =	wrdreg s30  }
0xc: {  	s26 =	simm.s32 $0x13000;
	v17 =	vor.u32 $0x7FFFFFC8, v0;
	s1 =	simm.s32 $0x0;
	[dreg:$0x5] =	wrdreg s31;
	v18 =	vcombine.low v18, v20;
	v19 =	vand.u32 $0xF, v21  }
.LBB2_1:
0xd: {  	[dreg:$0x6] =	wrdreg s1;
	s0 =	simm.s32 $0x0  }
.LBB2_2:
0xe: {  	[dreg:$0x7] =	wrdreg s0  }
0xf: {  	s19 =	sshll.u32 s0, $0x8;
	s1 =	rddreg [dreg:$0x4]  }
0x10: {  	s3 =	rddreg [dreg:$0x0];
	s0 =	simm.s32 $0x0;
	s5 =	sadd.s32 s1, s19  }
0x11: {  	s2 =	simm.s32 $0x800;
	s29 =	simm.s32 $0x1800;
	s1 =	sadd.s32 s3, s5  }
0x12: {  	s20 =	sor.u32 $0x8000, s5;
	s21 =	sor.u32 $0x10000, s5;
	[dreg:$0xb] =	wrdreg s5  }
0x13: {  	[tilespmem:s0], [sflag:$0x1] =	stream.linear.gather [hbm4b:s1+s0], $0x800, $0x38;
	[tilespmem:$0x15000] =	vst v63  }
0x14: {  	s22 =	sor.u32 $0x18000, s5;
	[dreg:$0xa] =	wrdreg s20;
	s1 =	sadd.s32 s3, s20  }
0x15: {  	[tilespmem:s2], [sflag:$0x1] =	stream.linear.gather [hbm4b:s1+s0], $0x800, $0x38;
	[tilespmem:$0x15000] =	vst v63  }
0x16: {  	[dreg:$0x9] =	wrdreg s21;
	s1 =	sadd.s32 s3, s21;
	s2 =	simm.s32 $0x1000  }
0x17: {  	[tilespmem:s2], [sflag:$0x1] =	stream.linear.gather [hbm4b:s1+s0], $0x800, $0x38;
	[tilespmem:$0x15000] =	vst v63  }
0x18: {  	s30 =	simm.s32 $0x1;
	[dreg:$0x8] =	wrdreg s22;
	s1 =	sadd.s32 s3, s22  }
0x19: {  	[tilespmem:s29], [sflag:$0x1] =	stream.linear.gather [hbm4b:s1+s0], $0x800, $0x38;
	[tilespmem:$0x15000] =	vst v63  }
0x1a: {  	_ =	swait.ge [sflag:s30], $0x800  }
0x1b: {  	[sflag:s30] =	ssyncset.done $0x0  }
0x1c: {  	[sflag:s30] =	ssyncadd.s32 $0xFFFFF800  }
0x1d: {  	_ =	swait.ge [sflag:s30], $0x800  }
0x1e: {  	[sflag:s30] =	ssyncset.done $0x0  }
0x1f: {  	[sflag:s30] =	ssyncadd.s32 $0xFFFFF800  }
0x20: {  	_ =	swait.ge [sflag:s30], $0x800  }
0x21: {  	[sflag:s30] =	ssyncset.done $0x0  }
0x22: {  	[sflag:s30] =	ssyncadd.s32 $0xFFFFF800  }
0x23: {  	_ =	swait.ge [sflag:s30], $0x800  }
0x24: {  	s8 =	simm.s32 $0x4800;
	[sflag:s30] =	ssyncset.done $0x0  }
0x25: {  	s31 =	simm.s32 $0xD100;
	s9 =	simm.s32 $0x0;
	[sflag:s30] =	ssyncadd.s32 $0xFFFFF800  }
.LBB2_3:
0x26: {  	v20 =	vld [tilespmem:s2+$0xFFFFF010]  }
0x27: {  	v21 =	vld [tilespmem:s2+$0xFFFFF810]  }
0x28: {  	v22 =	vld [tilespmem:s2+$0x10]  }
0x29: {  	v23 =	vld [tilespmem:s2+$0x810]  }
0x2a: {  	s1 =	sadd.s32 $0x100, s0  }
0x2b: {  	v53 =	vor.u32 s1, v3;
	v20 =	vmax.f32 v20, $0.0e+00  }
0x2c: {  	v34 =	vor.u32 s1, v4;
	v54 =	vor.u32 s1, v5;
	v20 =	vmin.f32 v20, $1.000000000e+00  }
0x2d: {  	v35 =	vor.u32 s1, v6;
	v21 =	vmax.f32 v21, $0.0e+00;
	v20 =	vmul.f32 $1.600000000e+01, v20  }
0x2e: {  	v22 =	vmax.f32 v22, $0.0e+00;
	v23 =	vmax.f32 v23, $0.0e+00;
	v21 =	vmin.f32 v21, $1.000000000e+00  }
0x2f: {  	v22 =	vmin.f32 v22, $1.000000000e+00;
	v21 =	vmul.f32 $1.600000000e+01, v21;
	v25 =	vtrunc.f32 v20  }
0x30: {  	v23 =	vmin.f32 v23, $1.000000000e+00;
	v22 =	vmul.f32 $1.600000000e+01, v22;
	v25 =	vcvt.f32.s32 v25  }
0x31: {  	v36 =	vor.u32 s1, v10;
	v23 =	vmul.f32 $1.600000000e+01, v23;
	v27 =	vtrunc.f32 v21  }
0x32: {  	v28 =	vtrunc.f32 v22;
	v27 =	vcvt.f32.s32 v27;
	vm0 =	vlt.s32 v25, $0xF  }
0x33: {  	v29 =	vtrunc.f32 v23;
	v28 =	vcvt.f32.s32 v28;
	v25 =	vnsel vm0, $0xF, v25  }
0x34: {  	v29 =	vcvt.f32.s32 v29;
	vm11 =	vlt.s32 v27, $0xF;
	v30 =	vmul.u32 $0x11, v25  }
0x35: {  	v37 =	vor.u32 s1, v9;
	v58 =	vor.u32 s1, v11;
	v27 =	vnsel vm11, $0xF, v27  }
0x36: {  	v24 =	vld [tilespmem:s2+$0xFFFFF000];
	vm12 =	vlt.s32 v28, $0xF;
	vm1 =	vlt.s32 v29, $0xF;
	v30 =	vadd.s32 v27, v30  }
0x37: {  	v28 =	vnsel vm12, $0xF, v28;
	v25 =	vcvt.s32.f32 v25;
	v30 =	vmul.u32 $0x11, v30  }
0x38: {  	v26 =	vld [tilespmem:s2+$0xFFFFF800];
	v29 =	vnsel vm1, $0xF, v29;
	v32 =	vcvt.s32.f32 v28;
	v27 =	vcvt.s32.f32 v27  }
0x39: {  	v31 =	vld [tilespmem:s2+$0x0];
	v20 =	vsub.f32 v20, v25;
	v25 =	vadd.s32 v28, v30;
	v28 =	vcvt.s32.f32 v29  }
0x3a: {  	v33 =	vld [tilespmem:s2+$0x800];
	v59 =	vor.u32 s1, v12;
	v21 =	vsub.f32 v21, v27;
	v25 =	vmul.u32 $0x11, v25  }
0x3b: {  	v24 =	vmax.f32 v24, $0.0e+00;
	v22 =	vsub.f32 v22, v32;
	[tilespmem:s8+$0xFFFFF810] =	vst v20;
	v23 =	vsub.f32 v23, v28  }
0x3c: {  	[tilespmem:s8+$0x10] =	vst v21;
	v28 =	vor.u32 s1, v2;
	v20 =	vadd.s32 v29, v25;
	v25 =	vor.u32 s1, v1  }
0x3d: {  	v29 =	vsub.f32 $1.000000000e+00, v22;
	v21 =	vadd.s32 $0x121, v20;
	v30 =	vsub.f32 $1.000000000e+00, v23;
	[tilespmem:s31+$0xFFFFFF10] =	vst v20  }
0x3e: {  	v26 =	vmax.f32 v26, $0.0e+00;
	v27 =	vmax.f32 v31, $0.0e+00;
	v52 =	vadd.s32 $0x1331, v20;
	[tilespmem:s31+$0xFFFFFF90] =	vst v21  }
0x3f: {  	v31 =	vmax.f32 v33, $0.0e+00;
	v20 =	vadd.s32 $0x1452, v20;
	[tilespmem:s31+$0x10] =	vst v52;
	v21 =	vmul.f32 v30, v29  }
0x40: {  	v24 =	vmin.f32 v24, $1.000000000e+00;
	v26 =	vmin.f32 v26, $1.000000000e+00;
	v31 =	vmin.f32 v31, $1.000000000e+00;
	[tilespmem:s31+$0x90] =	vst v20  }
0x41: {  	v24 =	vmul.f32 $1.600000000e+01, v24;
	v27 =	vmin.f32 v27, $1.000000000e+00;
	v31 =	vmul.f32 $1.600000000e+01, v31;
	[tilespmem:v25+s11+$0x0] =	vst.idx.msk $0xffff, v21  }
0x42: {  	v25 =	vmul.f32 $1.600000000e+01, v26;
	v26 =	vmul.f32 $1.600000000e+01, v27;
	v27 =	vor.u32 s1, v7;
	[tilespmem:v28+s11+$0x0] =	vst.idx.msk $0xffff, v21  }
0x43: {  	v56 =	vtrunc.f32 v31;
	v28 =	vmul.f32 v30, v22;
	v30 =	vor.u32 s1, v8;
	[tilespmem:v53+s11+$0x0] =	vst.idx.msk $0xffff, v21  }
0x44: {  	v60 =	vor.u32 s1, v13;
	v62 =	vmul.f32 v23, v22;
	v20 =	vtrunc.f32 v24;
	[tilespmem:v34+s11+$0x0] =	vst.idx.msk $0xffff, v21  }
0x45: {  	v61 =	vor.u32 s1, v15;
	v20 =	vcvt.f32.s32 v20;
	v55 =	vtrunc.f32 v25;
	[tilespmem:v54+s11+$0x0] =	vst.idx.msk $0xffff, v28  }
0x46: {  	v38 =	vor.u32 s1, v16;
	v21 =	vtrunc.f32 v26;
	v57 =	vcvt.f32.s32 v55;
	[tilespmem:v35+s11+$0x0] =	vst.idx.msk $0xffff, v28  }
0x47: {  	v29 =	vmul.f32 v23, v29;
	vm13 =	vlt.s32 v20, $0xF;
	v21 =	vcvt.f32.s32 v21;
	[tilespmem:v27+s11+$0x0] =	vst.idx.msk $0xffff, v28  }
0x48: {  	v20 =	vnsel vm13, $0xF, v20;
	vm14 =	vlt.s32 v57, $0xF;
	v27 =	vcvt.f32.s32 v56;
	[tilespmem:v30+s11+$0x0] =	vst.idx.msk $0xffff, v28  }
0x49: {  	vm15 =	vlt.s32 v21, $0xF;
	v28 =	vmul.u32 $0x11, v20;
	v20 =	vcvt.s32.f32 v20;
	[tilespmem:v36+s11+$0x0] =	vst.idx.msk $0xffff, v29  }
0x4a: {  	v32 =	vnsel vm14, $0xF, v57;
	v30 =	vor.u32 s1, v14;
	vm2 =	vlt.s32 v27, $0xF;
	[tilespmem:v37+s11+$0x0] =	vst.idx.msk $0xffff, v29  }
0x4b: {  	v21 =	vnsel vm15, $0xF, v21;
	v27 =	vnsel vm2, $0xF, v27;
	v20 =	vsub.f32 v24, v20;
	[tilespmem:v58+s11+$0x0] =	vst.idx.msk $0xffff, v29  }
0x4c: {  	v23 =	vcvt.s32.f32 v21;
	v22 =	vadd.s32 v32, v28;
	v63 =	vcvt.s32.f32 v27;
	[tilespmem:v59+s11+$0x0] =	vst.idx.msk $0xffff, v29  }
0x4d: {  	v32 =	vcvt.s32.f32 v32;
	v29 =	vmul.u32 $0x11, v22;
	[tilespmem:s8+$0xFFFFF800] =	vst v20  }
0x4e: {  	v24 =	vor.u32 s0, v3;
	v28 =	vsub.f32 v26, v23;
	[tilespmem:v60+s11+$0x0] =	vst.idx.msk $0xffff, v62;
	v26 =	vsub.f32 v31, v63  }
0x4f: {  	v23 =	vor.u32 s0, v2;
	v22 =	vor.u32 s0, v1;
	[tilespmem:v30+s11+$0x0] =	vst.idx.msk $0xffff, v62;
	v21 =	vadd.s32 v21, v29  }
0x50: {  	s6 =	simm.s32 $0x0;
	s17 =	sadd.s32 $0x20, s2;
	v29 =	vsub.f32 $1.000000000e+00, v28;
	[tilespmem:v61+s11+$0x0] =	vst.idx.msk $0xffff, v62;
	v31 =	vmul.u32 $0x11, v21;
	v30 =	vsub.f32 $1.000000000e+00, v26  }
0x51: {  	s12 =	smov.u32 s8;
	s3 =	smov.u32 s31;
	s1 =	smov.u32 s0;
	v21 =	vsub.f32 v25, v32;
	v20 =	vmul.f32 v26, v28;
	v25 =	vor.u32 s0, v4;
	[tilespmem:v38+s11+$0x0] =	vst.idx.msk $0xffff, v62  }
.LBB2_4:
0x52: {  	v32 =	vld [tilespmem:s17+$0xFFFFF010];
	v27 =	vadd.s32 v27, v31;
	v31 =	vmul.f32 v30, v29;
	v28 =	vmul.f32 v30, v28  }
0x53: {  	v26 =	vmul.f32 v26, v29;
	v30 =	vld [tilespmem:s17+$0xFFFFF810];
	[tilespmem:s12+$0x0] =	vst v21;
	v21 =	vadd.s32 $0x121, v27;
	v33 =	vadd.s32 $0x1331, v27  }
0x54: {  	v34 =	vor.u32 s1, v5;
	v35 =	vor.u32 s1, v6;
	v29 =	vld [tilespmem:s17+$0x10];
	[tilespmem:s3+$0xFFFFFF80] =	vst v21;
	v21 =	vadd.s32 $0x1452, v27  }
0x55: {  	v37 =	vor.u32 s1, v8;
	v38 =	vor.u32 s1, v10;
	v36 =	vld [tilespmem:s17+$0x810];
	[tilespmem:s3+$0x0] =	vst v33;
	v33 =	vor.u32 s1, v7  }
0x56: {  	v40 =	vor.u32 s1, v9;
	v41 =	vor.u32 s1, v11;
	v42 =	vor.u32 s1, v12;
	v39 =	vld [tilespmem:s17+$0xFFFFF000];
	[tilespmem:s3+$0x80] =	vst v21  }
0x57: {  	v43 =	vld [tilespmem:s17+$0xFFFFF800];
	v21 =	vmax.f32 v32, $0.0e+00;
	[tilespmem:s3+$0xFFFFFF00] =	vst v27;
	v27 =	vor.u32 s1, v13;
	v32 =	vor.u32 s1, v14  }
0x58: {  	v44 =	vld [tilespmem:s17+$0x0];
	v45 =	vmin.f32 v21, $1.000000000e+00;
	[tilespmem:v22+s11+$0x0] =	vst.idx.msk $0xffff, v31;
	v22 =	vor.u32 s1, v15;
	v21 =	vor.u32 s1, v16  }
0x59: {  	v30 =	vmax.f32 v30, $0.0e+00;
	v46 =	vld [tilespmem:s17+$0x800];
	v45 =	vmul.f32 $1.600000000e+01, v45;
	[tilespmem:v23+s11+$0x0] =	vst.idx.msk $0xffff, v31  }
0x5a: {  	v23 =	vmin.f32 v30, $1.000000000e+00;
	v29 =	vmax.f32 v29, $0.0e+00;
	v30 =	vmax.f32 v36, $0.0e+00;
	[tilespmem:v24+s11+$0x0] =	vst.idx.msk $0xffff, v31  }
0x5b: {  	v23 =	vmul.f32 $1.600000000e+01, v23;
	v29 =	vmin.f32 v29, $1.000000000e+00;
	v24 =	vtrunc.f32 v45;
	[tilespmem:v25+s11+$0x0] =	vst.idx.msk $0xffff, v31  }
0x5c: {  	v25 =	vmul.f32 $1.600000000e+01, v29;
	v29 =	vmin.f32 v30, $1.000000000e+00;
	v24 =	vcvt.f32.s32 v24;
	[tilespmem:v34+s11+$0x0] =	vst.idx.msk $0xffff, v28  }
0x5d: {  	v30 =	vmax.f32 v39, $0.0e+00;
	v31 =	vtrunc.f32 v23;
	v29 =	vmul.f32 $1.600000000e+01, v29;
	[tilespmem:v35+s11+$0x0] =	vst.idx.msk $0xffff, v28  }
0x5e: {  	v31 =	vcvt.f32.s32 v31;
	v34 =	vtrunc.f32 v25;
	vm0 =	vlt.s32 v24, $0xF;
	[tilespmem:v33+s11+$0x0] =	vst.idx.msk $0xffff, v28  }
0x5f: {  	v33 =	vcvt.f32.s32 v34;
	v34 =	vtrunc.f32 v29;
	v24 =	vnsel vm0, $0xF, v24;
	[tilespmem:v37+s11+$0x0] =	vst.idx.msk $0xffff, v28  }
0x60: {  	vm0 =	vlt.s32 v31, $0xF;
	v34 =	vcvt.f32.s32 v34;
	v28 =	vmul.u32 $0x11, v24;
	[tilespmem:v38+s11+$0x0] =	vst.idx.msk $0xffff, v26  }
0x61: {  	v30 =	vmin.f32 v30, $1.000000000e+00;
	v35 =	vmax.f32 v43, $0.0e+00;
	v31 =	vnsel vm0, $0xF, v31;
	[tilespmem:v40+s11+$0x0] =	vst.idx.msk $0xffff, v26  }
0x62: {  	vm0 =	vlt.s32 v33, $0xF;
	vm1 =	vlt.s32 v34, $0xF;
	v28 =	vadd.s32 v31, v28;
	[tilespmem:v41+s11+$0x0] =	vst.idx.msk $0xffff, v26  }
0x63: {  	v24 =	vcvt.s32.f32 v24;
	v33 =	vnsel vm0, $0xF, v33;
	v28 =	vmul.u32 $0x11, v28;
	[tilespmem:v42+s11+$0x0] =	vst.idx.msk $0xffff, v26  }
0x64: {  	s6 =	sadd.s32 $0x2, s6;
	v34 =	vnsel vm1, $0xF, v34;
	v26 =	vcvt.s32.f32 v31;
	v31 =	vcvt.s32.f32 v33;
	[tilespmem:v27+s11+$0x0] =	vst.idx.msk $0xffff, v20  }
0x65: {  	p0 =	slt.u32 s6, $0x6;
	v24 =	vsub.f32 v45, v24;
	v27 =	vadd.s32 v33, v28;
	v28 =	vcvt.s32.f32 v34;
	[tilespmem:v32+s11+$0x0] =	vst.idx.msk $0xffff, v20  }
0x66: {  	s12 =	sadd.s32 $0x20, s12;
	s1 =	sadd.s32 $0x200, s1;
	v30 =	vmul.f32 $1.600000000e+01, v30;
	v23 =	vsub.f32 v23, v26;
	v26 =	vmul.u32 $0x11, v27;
	[tilespmem:v22+s11+$0x0] =	vst.idx.msk $0xffff, v20  }
0x67: {  	s5 =	sadd.s32 $0x100, s1;
	v25 =	vsub.f32 v25, v31;
	v22 =	vmax.f32 v44, $0.0e+00;
	v27 =	vsub.f32 v29, v28;
	[tilespmem:s12+$0xFFFFF810] =	vst v24  }
0x68: {  	s3 =	sadd.s32 $0x20, s3;
	v24 =	vadd.s32 v34, v26;
	[tilespmem:s12+$0x10] =	vst v23;
	v23 =	vor.u32 s5, v1;
	v26 =	vor.u32 s5, v2  }
0x69: {  	v29 =	vsub.f32 $1.000000000e+00, v25;
	[tilespmem:s3+$0xFFFFFF10] =	vst v24;
	v28 =	vadd.s32 $0x121, v24;
	v31 =	vsub.f32 $1.000000000e+00, v27  }
0x6a: {  	v32 =	vmax.f32 v46, $0.0e+00;
	v33 =	vor.u32 s5, v3;
	[tilespmem:s3+$0xFFFFFF90] =	vst v28;
	v28 =	vadd.s32 $0x1331, v24  }
0x6b: {  	v34 =	vor.u32 s5, v4;
	v24 =	vadd.s32 $0x1452, v24;
	[tilespmem:s3+$0x10] =	vst v28;
	v28 =	vmul.f32 v31, v29  }
0x6c: {  	v35 =	vmin.f32 v35, $1.000000000e+00;
	v22 =	vmin.f32 v22, $1.000000000e+00;
	[tilespmem:s3+$0x90] =	vst v24;
	v24 =	vor.u32 s5, v5  }
0x6d: {  	v36 =	vtrunc.f32 v30;
	v32 =	vmin.f32 v32, $1.000000000e+00;
	[tilespmem:v23+s11+$0x0] =	vst.idx.msk $0xffff, v28;
	v23 =	vor.u32 s5, v6  }
0x6e: {  	v35 =	vmul.f32 $1.600000000e+01, v35;
	v37 =	vmul.f32 $1.600000000e+01, v22;
	v22 =	vor.u32 s5, v7;
	[tilespmem:v26+s11+$0x0] =	vst.idx.msk $0xffff, v28  }
0x6f: {  	v31 =	vmul.f32 v31, v25;
	v26 =	vmul.f32 $1.600000000e+01, v32;
	v32 =	vor.u32 s5, v8;
	[tilespmem:v33+s11+$0x0] =	vst.idx.msk $0xffff, v28  }
0x70: {  	v33 =	vcvt.f32.s32 v36;
	v36 =	vtrunc.f32 v35;
	[tilespmem:v34+s11+$0x0] =	vst.idx.msk $0xffff, v28;
	v28 =	vor.u32 s5, v10  }
0x71: {  	v34 =	vtrunc.f32 v37;
	v38 =	vtrunc.f32 v26;
	[tilespmem:v24+s11+$0x0] =	vst.idx.msk $0xffff, v31;
	v24 =	vor.u32 s5, v9  }
0x72: {  	v36 =	vcvt.f32.s32 v36;
	vm0 =	vlt.s32 v33, $0xF;
	[tilespmem:v23+s11+$0x0] =	vst.idx.msk $0xffff, v31;
	v23 =	vor.u32 s5, v11  }
0x73: {  	v29 =	vmul.f32 v27, v29;
	v34 =	vcvt.f32.s32 v34;
	[tilespmem:v22+s11+$0x0] =	vst.idx.msk $0xffff, v31;
	v22 =	vor.u32 s5, v12  }
0x74: {  	v38 =	vcvt.f32.s32 v38;
	v33 =	vnsel vm0, $0xF, v33;
	[tilespmem:v32+s11+$0x0] =	vst.idx.msk $0xffff, v31;
	v31 =	vor.u32 s5, v13  }
0x75: {  	vm0 =	vlt.s32 v36, $0xF;
	v32 =	vmul.u32 $0x11, v33;
	[tilespmem:v28+s11+$0x0] =	vst.idx.msk $0xffff, v29;
	v28 =	vor.u32 s5, v14  }
0x76: {  	vm1 =	vlt.s32 v34, $0xF;
	vm2 =	vlt.s32 v38, $0xF;
	[tilespmem:v24+s11+$0x0] =	vst.idx.msk $0xffff, v29;
	v24 =	vor.u32 s5, v15  }
0x77: {  	v39 =	vor.u32 s5, v16;
	v25 =	vmul.f32 v27, v25;
	v36 =	vnsel vm0, $0xF, v36;
	[tilespmem:v23+s11+$0x0] =	vst.idx.msk $0xffff, v29  }
0x78: {  	v27 =	vnsel vm2, $0xF, v38;
	v23 =	vadd.s32 v36, v32;
	v32 =	vnsel vm1, $0xF, v34;
	[tilespmem:v22+s11+$0x0] =	vst.idx.msk $0xffff, v29  }
0x79: {  	v29 =	vcvt.s32.f32 v32;
	v34 =	vmul.u32 $0x11, v23;
	v23 =	vcvt.s32.f32 v27;
	[tilespmem:v31+s11+$0x0] =	vst.idx.msk $0xffff, v25  }
.Ltmp0:
0x7a: {  	v22 =	vor.u32 s1, v1;
	v31 =	vcvt.s32.f32 v33;
	v33 =	vcvt.s32.f32 v36;
	[tilespmem:v28+s11+$0x0] =	vst.idx.msk $0xffff, v25;
	(pc) =	sbr.rel @p0 .LBB2_4-.Ltmp0, $4  }
0x7b: {  	v28 =	vsub.f32 v37, v29;
	v26 =	vsub.f32 v26, v23;
	v23 =	vor.u32 s1, v2;
	[tilespmem:v24+s11+$0x0] =	vst.idx.msk $0xffff, v25  }
0x7c: {  	v29 =	vadd.s32 v32, v34;
	v36 =	vsub.f32 v30, v31;
	v24 =	vor.u32 s1, v3;
	[tilespmem:v39+s11+$0x0] =	vst.idx.msk $0xffff, v25  }
0x7d: {  	v31 =	vmul.u32 $0x11, v29;
	v29 =	vsub.f32 $1.000000000e+00, v28;
	v30 =	vsub.f32 $1.000000000e+00, v26;
	[tilespmem:v21+s11+$0x0] =	vst.idx.msk $0xffff, v20  }
0x7e: {  	s17 =	sadd.s32 $0x20, s17;
	v25 =	vor.u32 s1, v4;
	v21 =	vsub.f32 v35, v33;
	v20 =	vmul.f32 v26, v28;
	[tilespmem:s12+$0xFFFFF800] =	vst v36  }
0x7f: {  	v27 =	vadd.s32 v27, v31  }
0x80: {  	[tilespmem:s12+$0x0] =	vst v21;
	v48 =	vadd.s32 $0x121, v27  }
0x81: {  	v31 =	vadd.s32 $0x1331, v27;
	[tilespmem:s3+$0xFFFFFF80] =	vst v48  }
0x82: {  	v49 =	vadd.s32 $0x1452, v27;
	[tilespmem:s3+$0x0] =	vst v31  }
0x83: {  	v50 =	vmul.f32 v30, v29;
	[tilespmem:s3+$0x80] =	vst v49  }
0x84: {  	v51 =	vor.u32 s1, v5;
	[tilespmem:s3+$0xFFFFFF00] =	vst v27  }
0x85: {  	v52 =	vor.u32 s1, v6;
	[tilespmem:v22+s11+$0x0] =	vst.idx.msk $0xffff, v50  }
0x86: {  	v53 =	vor.u32 s1, v7;
	[tilespmem:v23+s11+$0x0] =	vst.idx.msk $0xffff, v50  }
0x87: {  	v54 =	vmul.f32 v30, v28;
	v55 =	vor.u32 s1, v8;
	[tilespmem:v24+s11+$0x0] =	vst.idx.msk $0xffff, v50  }
0x88: {  	v56 =	vor.u32 s1, v10;
	[tilespmem:v25+s11+$0x0] =	vst.idx.msk $0xffff, v50  }
0x89: {  	v57 =	vor.u32 s1, v9;
	[tilespmem:v51+s11+$0x0] =	vst.idx.msk $0xffff, v54  }
0x8a: {  	v58 =	vor.u32 s1, v11;
	[tilespmem:v52+s11+$0x0] =	vst.idx.msk $0xffff, v54  }
0x8b: {  	v26 =	vmul.f32 v26, v29;
	v59 =	vor.u32 s1, v12;
	[tilespmem:v53+s11+$0x0] =	vst.idx.msk $0xffff, v54  }
0x8c: {  	v60 =	vor.u32 s1, v13;
	[tilespmem:v55+s11+$0x0] =	vst.idx.msk $0xffff, v54  }
0x8d: {  	v61 =	vor.u32 s1, v14;
	[tilespmem:v56+s11+$0x0] =	vst.idx.msk $0xffff, v26  }
0x8e: {  	v62 =	vor.u32 s1, v15;
	s9 =	sadd.s32 $0x1, s9;
	[tilespmem:v57+s11+$0x0] =	vst.idx.msk $0xffff, v26  }
0x8f: {  	v63 =	vor.u32 s1, v16;
	p0 =	sne.s32 s9, $0x10;
	[tilespmem:v58+s11+$0x0] =	vst.idx.msk $0xffff, v26  }
.Ltmp1:
0x90: {  	[tilespmem:v59+s11+$0x0] =	vst.idx.msk $0xffff, v26;
	(pc) =	sbr.rel @p0 .LBB2_3-.Ltmp1, $4  }
0x91: {  	[tilespmem:v60+s11+$0x0] =	vst.idx.msk $0xffff, v20  }
0x92: {  	[tilespmem:v61+s11+$0x0] =	vst.idx.msk $0xffff, v20  }
0x93: {  	s0 =	sadd.s32 $0x800, s0;
	[tilespmem:v62+s11+$0x0] =	vst.idx.msk $0xffff, v20  }
0x94: {  	s8 =	sadd.s32 $0x80, s8;
	s31 =	sadd.s32 $0x200, s31;
	s2 =	sadd.s32 $0x80, s2;
	[tilespmem:v63+s11+$0x0] =	vst.idx.msk $0xffff, v20  }
0x95: {  	s0 =	simm.s32 $0xD000;
	s1 =	simm.s32 $0xF000  }
0x96: {  	[tilespmem:s1], [sflag:$0x2] =	stream.indirect.gather [hbm4b:s4+s14], $0x10, s0, s14, $0xb8;
	[tilespmem:$0x15000] =	vst v63  }
0x97: {  	s19 =	simm.s32 $0xD080;
	s20 =	simm.s32 $0xF800;
	s21 =	simm.s32 $0xD100  }
0x98: {  	[tilespmem:s20], [sflag:$0x2] =	stream.indirect.gather [hbm4b:s4+s14], $0x10, s19, s14, $0xb8;
	[tilespmem:$0x15000] =	vst v63  }
0x99: {  	s22 =	simm.s32 $0x10000;
	s29 =	simm.s32 $0xD180;
	s30 =	simm.s32 $0x10800  }
0x9a: {  	[tilespmem:s22], [sflag:$0x2] =	stream.indirect.gather [hbm4b:s4+s14], $0x10, s21, s14, $0xb8;
	[tilespmem:$0x15000] =	vst v63  }
0x9b: {  	s31 =	simm.s32 $0x0;
	s6 =	simm.s32 $0x5020;
	s2 =	simm.s32 $0x5830  }
0x9c: {  	[tilespmem:s30], [sflag:$0x2] =	stream.indirect.gather [hbm4b:s4+s14], $0x10, s29, s14, $0xb8;
	[tilespmem:$0x15000] =	vst v63  }
.LBB2_7:
0x9d: {  	s8 =	sshllo.u32 s31, $0x1  }
0x9e: {  	s0 =	sshll.u32 s8, $0x9  }
0x9f: {  	s0 =	sand.u32 $0x3FFFFE00, s0  }
0xa0: {  	s3 =	simm.s32 $0x11000;
	s1 =	sadd.s32 $0xD000, s0  }
0xa1: {  	[tilespmem:s3], [sflag:$0x3] =	stream.indirect.gather [hbm4b:s4+s14], $0x10, s1, s14, $0xb8;
	[tilespmem:$0x15000] =	vst v63  }
0xa2: {  	s29 =	simm.s32 $0x11800;
	s22 =	sadd.s32 $0xD080, s0  }
0xa3: {  	[tilespmem:s29], [sflag:$0x3] =	stream.indirect.gather [hbm4b:s4+s14], $0x10, s22, s14, $0xb8;
	[tilespmem:$0x15000] =	vst v63  }
0xa4: {  	s30 =	sadd.s32 $0xD100, s0  }
0xa5: {  	[tilespmem:s23], [sflag:$0x3] =	stream.indirect.gather [hbm4b:s4+s14], $0x10, s30, s14, $0xb8;
	[tilespmem:$0x15000] =	vst v63  }
0xa6: {  	s0 =	sadd.s32 $0xD180, s0  }
0xa7: {  	[tilespmem:s24], [sflag:$0x3] =	stream.indirect.gather [hbm4b:s4+s14], $0x10, s0, s14, $0xb8;
	[tilespmem:$0x15000] =	vst v63  }
0xa8: {  	_ =	swait.ge [sflag:s25], $0x2000  }
0xa9: {  	s9 =	sshll.u32 s31, $0x8;
	s12 =	simm.s32 $0x10000;
	[sflag:s25] =	ssyncset.done $0x0  }
0xaa: {  	v21 =	vmov s9;
	s1 =	simm.s32 $0x0;
	s0 =	smov.u32 s6;
	[sflag:s25] =	ssyncadd.s32 $0xFFFFE000  }
.LBB2_8:
0xab: {  	v20 =	vld [tilespmem:s12+$0xFFFFF020]  }
0xac: {  	v27 =	vld [tilespmem:s12+$0x800]  }
0xad: {  	v28 =	vld [tilespmem:s12+$0xFFFFF000]  }
0xae: {  	v29 =	vld [tilespmem:s12+$0x0]  }
0xaf: {  	v30 =	vld [tilespmem:s12+$0x810]  }
0xb0: {  	v31 =	vld [tilespmem:s12+$0x820]  }
0xb1: {  	v32 =	vld [tilespmem:s12+$0xFFFFF800]  }
0xb2: {  	v33 =	vld [tilespmem:s12+$0xFFFFF010]  }
0xb3: {  	v34 =	vld [tilespmem:s12+$0xFFFFF820]  }
0xb4: {  	v35 =	vld [tilespmem:s12+$0x20]  }
0xb5: {  	s3 =	sshll.u32 s1, $0x4;
	v36 =	vld [tilespmem:s12+$0x10]  }
0xb6: {  	v23 =	vld.idx.msk [tilespmem:v21+s3+$0x4000 ss:$0x1], $0xffff  }
0xb7: {  	s5 =	simm.s32 $0x0;
	v25 =	vld.idx.msk [tilespmem:v21+s3+$0x4800 ss:$0x1], $0xffff;
	s3 =	sadd.s32 s9, s3  }
0xb8: {  	s7 =	simm.s32 $0x8;
	s10 =	simm.s32 $0x1;
	v39 =	vld [tilespmem:s12+$0xFFFFF810];
	s3 =	sshll.u32 s3, $0x2  }
0xb9: {  	s30 =	simm.s32 $0x2;
	s15 =	simm.s32 $0x0;
	v45 =	vld [tilespmem:s12+$0xFFFFF030];
	s10 =	sand.u32 $0xFFFFFFF0, s10;
	v22 =	vor.u32 s3, v0  }
0xba: {  	v46 =	vld [tilespmem:s12+$0xFFFFF830];
	s13 =	sadd.s32 $0x40, s12;
	s10 =	ssub.s32 $0x1, s10;
	s3 =	sand.u32 $0xFFFFFFF0, s30;
	v26 =	vand.u32 v17, v22  }
0xbb: {  	s15 =	sand.u32 $0xFFFFFFF0, s15;
	v61 =	vld [tilespmem:s13+$0x800];
	v38 =	vmov s10;
	v37 =	vadd.s32 s7, v22;
	s3 =	ssub.s32 $0x2, s3;
	v24 =	vor.u32 s5, v26  }
0xbc: {  	v49 =	vld [tilespmem:s13+$0x0];
	s7 =	ssub.s32 $0x0, s15;
	v40 =	vmov s3;
	v32 =	vsub.f32 v32, v28;
	v27 =	vsub.f32 v27, v29  }
0xbd: {  	v42 =	vmov s7;
	v34 =	vsub.f32 v34, v20;
	v31 =	vsub.f32 v31, v35  }
0xbe: {  	v62 =	vld [tilespmem:s13+$0xFFFFF800];
	v30 =	vsub.f32 v30, v36;
	v41 =	vperm.xlane v25, v38;
	v43 =	vperm.xlane v25, v42  }
0xbf: {  	v48 =	vld [tilespmem:s13+$0x810];
	v39 =	vsub.f32 v39, v33;
	v44 =	vperm.xlane v25, v40;
	v42 =	vperm.xlane v23, v42  }
0xc0: {  	v52 =	vld [tilespmem:s13+$0x10];
	v57 =	vsub.f32 v46, v45;
	v38 =	vperm.xlane v23, v38;
	v32 =	vmul.f32 v43, v32  }
0xc1: {  	s10 =	simm.s32 $0x3;
	v46 =	vsub.f32 v61, v49;
	v61 =	vld [tilespmem:s13+$0x20];
	v34 =	vmul.f32 v44, v34;
	v31 =	vmul.f32 v44, v31  }
0xc2: {  	s3 =	sand.u32 $0xFFFFFFF0, s10;
	v37 =	vand.u32 $0x7FFFFFF8, v37;
	v27 =	vmul.f32 v43, v27;
	v39 =	vmul.f32 v41, v39;
	v44 =	vld [tilespmem:s13+$0xFFFFF000]  }
0xc3: {  	s3 =	ssub.s32 $0x3, s3;
	v32 =	vadd.f32 v32, v28;
	v28 =	vmul.f32 v41, v30;
	v30 =	vld [tilespmem:s12+$0x30];
	v34 =	vadd.f32 v34, v20  }
0xc4: {  	v20 =	vadd.f32 v31, v35;
	v31 =	vld [tilespmem:s12+$0x830];
	v35 =	vmov s3;
	v27 =	vadd.f32 v27, v29  }
0xc5: {  	v33 =	vadd.f32 v39, v33;
	v41 =	vld [tilespmem:s13+$0x820];
	v56 =	vperm.xlane v25, v35;
	v28 =	vadd.f32 v28, v36  }
0xc6: {  	v29 =	vperm.xlane v23, v40;
	v20 =	vsub.f32 v20, v34;
	v27 =	vsub.f32 v27, v32  }
0xc7: {  	v40 =	vmul.f32 v56, v57;
	v57 =	vsub.f32 v62, v44;
	v62 =	vsub.f32 v48, v52  }
0xc8: {  	v58 =	vld [tilespmem:s0+$0xFFFFFFE0];
	s17 =	simm.s32 $0x6;
	s15 =	simm.s32 $0x18;
	v60 =	vsub.f32 v28, v33;
	v29 =	vmul.f32 v20, v29;
	v20 =	vand.u32 $0x7, v0  }
0xc9: {  	v59 =	vld [tilespmem:s0+$0x0];
	s19 =	sand.u32 $0xFFFFFFF0, s17;
	s3 =	simm.s32 $0x10;
	v42 =	vmul.f32 v27, v42;
	v28 =	vadd.s32 s15, v22;
	v31 =	vsub.f32 v31, v30  }
0xca: {  	v63 =	vld [tilespmem:s0+$0xFFFFFFF0];
	s10 =	ssub.s32 $0x6, s19;
	v27 =	vor.u32 s3, v26;
	v40 =	vadd.f32 v40, v45;
	v41 =	vsub.f32 v41, v61  }
0xcb: {  	s16 =	simm.s32 $0x5;
	v38 =	vmul.f32 v60, v38;
	v32 =	vadd.f32 v42, v32;
	v42 =	vmov s10  }
0xcc: {  	s22 =	simm.s32 $0x4;
	s18 =	sand.u32 $0xFFFFFFF0, s16;
	v29 =	vadd.f32 v29, v34;
	v53 =	vperm.xlane v25, v42;
	v39 =	vmul.f32 v56, v31  }
0xcd: {  	s20 =	simm.s32 $0x4;
	s7 =	ssub.s32 $0x5, s18;
	v31 =	vadd.s32 s22, v22;
	v48 =	vperm.xlane v23, v42;
	v33 =	vadd.f32 v38, v33  }
0xce: {  	v38 =	vmov s7;
	s7 =	sand.u32 $0xFFFFFFF0, s20;
	v43 =	vmul.f32 v29, v59;
	v32 =	vmul.f32 v32, v58  }
0xcf: {  	v47 =	vld [tilespmem:s13+$0xFFFFF020];
	v50 =	vperm.xlane v25, v38;
	s7 =	ssub.s32 $0x4, s7;
	v54 =	vadd.f32 v39, v30;
	v33 =	vmul.f32 v33, v63  }
0xd0: {  	s21 =	simm.s32 $0xC;
	v58 =	vld [tilespmem:s13+$0xFFFFF820];
	v36 =	vmov s7;
	v51 =	vperm.xlane v43, v18;
	v59 =	vperm.xlane v32, v18  }
0xd1: {  	s30 =	simm.s32 $0x7;
	v29 =	vadd.s32 s21, v22;
	v56 =	vperm.xlane v25, v36;
	v30 =	vperm.xlane v33, v18  }
0xd2: {  	v55 =	vld [tilespmem:s13+$0xFFFFF010];
	s7 =	sand.u32 $0xFFFFFFF0, s30;
	v34 =	vperm.xlane v23, v36;
	v54 =	vsub.f32 v54, v40;
	v60 =	vadd.f32 v43, v51  }
0xd3: {  	s7 =	ssub.s32 $0x7, s7;
	v63 =	vmul.f32 v56, v57;
	v51 =	vmul.f32 v56, v46;
	v56 =	vld [tilespmem:s13+$0xFFFFF810];
	v39 =	vadd.f32 v33, v30  }
0xd4: {  	v57 =	vld [tilespmem:s13+$0xFFFFF830];
	v33 =	vperm.xlane v23, v35;
	v35 =	vadd.f32 v32, v59;
	v32 =	vmov s7  }
0xd5: {  	v30 =	vld [tilespmem:s13+$0xFFFFF030];
	v59 =	vsub.f32 v58, v47;
	v36 =	vadd.f32 v63, v44;
	v63 =	vmul.f32 v50, v62  }
0xd6: {  	v46 =	vor.u32 v20, v37;
	v37 =	vld [tilespmem:s0+$0x10];
	v44 =	vperm.xlane v23, v38;
	v42 =	vperm.xlane v25, v32  }
0xd7: {  	v51 =	vadd.f32 v51, v49;
	v62 =	vmul.f32 v54, v33;
	v38 =	vmul.f32 v53, v59  }
0xd8: {  	v45 =	vld [tilespmem:s13+$0x830];
	v43 =	vperm.xlane v39, v19;
	v52 =	vadd.f32 v63, v52;
	v63 =	vsub.f32 v56, v55  }
0xd9: {  	s17 =	sadd.s32 $0x40, s0;
	v33 =	vld [tilespmem:s13+$0x30];
	v53 =	vmul.f32 v53, v41;
	v62 =	vadd.f32 v62, v40;
	v49 =	vadd.f32 v38, v47  }
0xda: {  	v41 =	vld [tilespmem:s17+$0xFFFFFFE0];
	v57 =	vsub.f32 v57, v30;
	v50 =	vmul.f32 v50, v63;
	v63 =	vperm.xlane v60, v19  }
0xdb: {  	s29 =	sadd.s32 $0x40, s13;
	v40 =	vld [tilespmem:s17+$0xFFFFFFF0];
	v56 =	vadd.f32 v53, v61;
	v53 =	vperm.xlane v35, v19;
	v54 =	vmul.f32 v62, v37  }
0xdc: {  	s5 =	simm.s32 $0x20;
	s19 =	smov.u32 s17;
	s7 =	simm.s32 $0x8;
	v47 =	vld [tilespmem:s17+$0x0];
	v38 =	vmul.f32 v42, v57;
	v50 =	vadd.f32 v50, v55;
	v55 =	vadd.f32 v60, v63  }
.LBB2_9:
0xdd: {  	s10 =	sadd.s32 $0x1, s7  }
0xde: {  	v37 =	vld [tilespmem:s29+$0xFFFFF020];
	s30 =	sadd.s32 $0x2, s7;
	s13 =	sadd.s32 $0x3, s7;
	v56 =	vsub.f32 v56, v49;
	v39 =	vadd.f32 v39, v43;
	v43 =	vperm.xlane v54, v18;
	s15 =	smov.u32 s7  }
0xdf: {  	s20 =	sadd.s32 $0x8, s5;
	v51 =	vsub.f32 v51, v36;
	v57 =	vld [tilespmem:s29+$0x800];
	s16 =	sshra.s32 s10, $0x1F;
	s18 =	sshra.s32 s30, $0x1F;
	v52 =	vsub.f32 v52, v50;
	[tilespmem:v46+s26+$0x0] =	vst.idx.msk $0xf, v55  }
0xe0: {  	v55 =	vadd.s32 s20, v22;
	s20 =	sshra.s32 s13, $0x1F;
	v46 =	vld [tilespmem:s29+$0xFFFFF000];
	s16 =	sshrl.u32 s16, $0x1C;
	s18 =	sshrl.u32 s18, $0x1C;
	v48 =	vmul.f32 v56, v48;
	[tilespmem:v31+s26+$0x0] =	vst.idx.msk $0xf, v39;
	v31 =	vadd.f32 v54, v43  }
0xe1: {  	v35 =	vadd.f32 v35, v53;
	s20 =	sshrl.u32 s20, $0x1C;
	v34 =	vmul.f32 v51, v34;
	v54 =	vld [tilespmem:s29+$0x0];
	s16 =	sadd.s32 s16, s10;
	s18 =	sadd.s32 s18, s30;
	v39 =	vmul.f32 v52, v44  }
0xe2: {  	v45 =	vsub.f32 v45, v33;
	s20 =	sadd.s32 s20, s13;
	v43 =	vld [tilespmem:s29+$0x810];
	s16 =	sand.u32 $0xFFFFFFF0, s16;
	s18 =	sand.u32 $0xFFFFFFF0, s18;
	v44 =	vadd.f32 v48, v49;
	v48 =	vperm.xlane v31, v19  }
0xe3: {  	s21 =	sshra.s32 s7, $0x1F;
	v49 =	vor.u32 s5, v26;
	v34 =	vadd.f32 v34, v36;
	s10 =	ssub.s32 s10, s16;
	v51 =	vld [tilespmem:s29+$0x820];
	s16 =	ssub.s32 s30, s18;
	v36 =	vadd.f32 v39, v50;
	[tilespmem:v24+s26+$0x0] =	vst.idx.msk $0xf, v35  }
0xe4: {  	s18 =	sshrl.u32 s21, $0x1C;
	v24 =	vmovc v27;
	v27 =	vmovc v49;
	v35 =	vld [tilespmem:s29+$0xFFFFF800];
	v50 =	vmov s10;
	v52 =	vmov s16;
	s16 =	sand.u32 $0xFFFFFFF0, s20;
	s10 =	sadd.s32 $0x4, s7;
	v31 =	vadd.f32 v31, v48  }
0xe5: {  	v58 =	vand.u32 $0x7FFFFFF8, v28;
	v28 =	vmovc v55;
	s18 =	sadd.s32 s18, s15;
	v53 =	vld [tilespmem:s29+$0xFFFFF010];
	v49 =	vperm.xlane v25, v50;
	v56 =	vperm.xlane v25, v52;
	s13 =	ssub.s32 s13, s16;
	s16 =	sadd.s32 $0xC, s3  }
0xe6: {  	p0 =	slt.u32 s7, $0xC;
	v42 =	vmul.f32 v42, v45;
	v39 =	vmul.f32 v44, v47;
	s18 =	sand.u32 $0xFFFFFFF0, s18;
	s3 =	sadd.s32 $0x4, s3;
	v48 =	vld [tilespmem:s29+$0xFFFFF030];
	[tilespmem:v29+s26+$0x0] =	vst.idx.msk $0xf, v31;
	v29 =	vadd.s32 s16, v22  }
0xe7: {  	v41 =	vmul.f32 v34, v41;
	v36 =	vmul.f32 v36, v40;
	s7 =	ssub.s32 s15, s18;
	v31 =	vadd.s32 s3, v22;
	s3 =	smov.u32 s5;
	v47 =	vld [tilespmem:s29+$0x10]  }
0xe8: {  	v42 =	vadd.f32 v42, v33;
	v44 =	vperm.xlane v39, v18;
	v34 =	vmov s7;
	v40 =	vld [tilespmem:s29+$0xFFFFF820]  }
0xe9: {  	v59 =	vperm.xlane v36, v18;
	v45 =	vperm.xlane v25, v34;
	v35 =	vsub.f32 v35, v46;
	v55 =	vld [tilespmem:s29+$0xFFFFF810]  }
0xea: {  	v57 =	vsub.f32 v57, v54;
	v61 =	vperm.xlane v41, v18;
	v62 =	vadd.f32 v39, v44;
	v60 =	vld [tilespmem:s29+$0x20]  }
0xeb: {  	s17 =	sadd.s32 $0x40, s17;
	v34 =	vperm.xlane v23, v34;
	v39 =	vadd.f32 v36, v59;
	v59 =	vperm.xlane v23, v32;
	v33 =	vld [tilespmem:s29+$0x30]  }
0xec: {  	v57 =	vmul.f32 v45, v57;
	v32 =	vmul.f32 v45, v35;
	v44 =	vsub.f32 v43, v47  }
0xed: {  	v38 =	vadd.f32 v38, v30;
	v35 =	vadd.f32 v41, v61;
	v30 =	vmovc v48;
	v43 =	vperm.xlane v39, v19;
	v45 =	vld [tilespmem:s29+$0x830]  }
0xee: {  	v36 =	vadd.f32 v32, v46;
	v32 =	vmov s13;
	v41 =	vmul.f32 v49, v44;
	v61 =	vld [tilespmem:s29+$0xFFFFF830]  }
0xef: {  	v42 =	vsub.f32 v42, v38;
	v40 =	vsub.f32 v40, v37;
	v44 =	vperm.xlane v23, v50  }
0xf0: {  	v48 =	vperm.xlane v23, v52;
	v46 =	vor.u32 v20, v58;
	v50 =	vsub.f32 v51, v60;
	v58 =	vld [tilespmem:s19+$0x10];
	s19 =	smov.u32 s17  }
0xf1: {  	v51 =	vadd.f32 v57, v54;
	v52 =	vadd.f32 v41, v47;
	v41 =	vmul.f32 v42, v59  }
.Ltmp2:
0xf2: {  	v54 =	vmul.f32 v56, v40;
	v47 =	vsub.f32 v55, v53;
	v42 =	vperm.xlane v25, v32;
	(pc) =	sbr.rel @p0 .LBB2_9-.Ltmp2, $4  }
0xf3: {  	v50 =	vmul.f32 v56, v50;
	v57 =	vadd.f32 v41, v38;
	v55 =	vsub.f32 v61, v30  }
0xf4: {  	v47 =	vmul.f32 v49, v47;
	v49 =	vadd.f32 v54, v37;
	v37 =	vperm.xlane v62, v19;
	v40 =	vld [tilespmem:s17+$0xFFFFFFF0]  }
0xf5: {  	v56 =	vadd.f32 v50, v60;
	v41 =	vld [tilespmem:s17+$0xFFFFFFE0];
	v38 =	vmul.f32 v42, v55;
	v54 =	vmul.f32 v57, v58  }
0xf6: {  	s5 =	sadd.s32 $0x10, s5;
	s7 =	smov.u32 s10;
	s29 =	sadd.s32 $0x40, s29;
	v50 =	vadd.f32 v47, v53;
	v53 =	vperm.xlane v35, v19;
	v55 =	vadd.f32 v62, v37;
	v47 =	vld [tilespmem:s17+$0x0]  }
0xf7: {  	v25 =	vsub.f32 v45, v33;
	_ =	sdelay $0x1  }
0xf8: {  	v25 =	vmul.f32 v42, v25  }
0xf9: {  	v26 =	vsub.f32 v56, v49;
	v30 =	vadd.f32 v38, v30  }
0xfa: {  	v37 =	vsub.f32 v52, v50;
	v25 =	vadd.f32 v25, v33  }
0xfb: {  	v42 =	vsub.f32 v51, v36;
	v26 =	vmul.f32 v26, v48  }
0xfc: {  	v23 =	vperm.xlane v23, v32;
	v37 =	vmul.f32 v37, v44;
	v25 =	vsub.f32 v25, v30  }
0xfd: {  	v45 =	vld [tilespmem:s19+$0x10];
	v44 =	vmul.f32 v42, v34;
	v26 =	vadd.f32 v26, v49  }
0xfe: {  	v63 =	vperm.xlane v54, v18;
	v37 =	vadd.f32 v37, v50;
	v23 =	vmul.f32 v25, v23  }
0xff: {  	v35 =	vadd.f32 v35, v53;
	v48 =	vadd.f32 v44, v36;
	v26 =	vmul.f32 v26, v47  }
0x100: {  	v28 =	vand.u32 $0x7FFFFFF8, v28;
	[tilespmem:v46+s26+$0x0] =	vst.idx.msk $0xf, v55;
	v50 =	vmul.f32 v37, v40;
	v23 =	vadd.f32 v23, v30  }
0x101: {  	v28 =	vor.u32 v20, v28;
	v25 =	vmul.f32 v48, v41;
	v52 =	vperm.xlane v26, v18  }
0x102: {  	v33 =	vadd.f32 v54, v63;
	v54 =	vperm.xlane v50, v18;
	v23 =	vmul.f32 v23, v45  }
0x103: {  	v51 =	vadd.f32 v39, v43;
	v56 =	vperm.xlane v25, v18;
	v26 =	vadd.f32 v26, v52  }
0x104: {  	s5 =	sadd.s32 $0x4, s3;
	v49 =	vperm.xlane v33, v19;
	v36 =	vadd.f32 v50, v54;
	v57 =	vperm.xlane v23, v18  }
0x105: {  	v58 =	vadd.s32 s5, v22;
	[tilespmem:v24+s26+$0x0] =	vst.idx.msk $0xf, v35;
	v25 =	vadd.f32 v25, v56;
	v59 =	vperm.xlane v26, v19  }
0x106: {  	s30 =	sadd.s32 $0xC, s3;
	s1 =	sadd.s32 $0x1, s1;
	v32 =	vadd.f32 v33, v49;
	v60 =	vperm.xlane v36, v19;
	v23 =	vadd.f32 v23, v57  }
0x107: {  	v22 =	vadd.s32 s30, v22;
	p0 =	sne.s32 s1, $0x8;
	[tilespmem:v31+s26+$0x0] =	vst.idx.msk $0xf, v51;
	v61 =	vperm.xlane v25, v19;
	v26 =	vadd.f32 v26, v59  }
.Ltmp3:
0x108: {  	[tilespmem:v29+s26+$0x0] =	vst.idx.msk $0xf, v32;
	v62 =	vadd.f32 v36, v60;
	v63 =	vperm.xlane v23, v19;
	(pc) =	sbr.rel @p0 .LBB2_8-.Ltmp3, $4  }
0x109: {  	[tilespmem:v28+s26+$0x0] =	vst.idx.msk $0xf, v26;
	v24 =	vadd.f32 v25, v61  }
0x10a: {  	[tilespmem:v58+s26+$0x0] =	vst.idx.msk $0xf, v62;
	v23 =	vadd.f32 v23, v63  }
0x10b: {  	[tilespmem:v27+s26+$0x0] =	vst.idx.msk $0xf, v24  }
0x10c: {  	s12 =	sadd.s32 $0x100, s12;
	s0 =	sadd.s32 $0x100, s0;
	[tilespmem:v22+s26+$0x0] =	vst.idx.msk $0xf, v23  }
0x10d: {  	s0 =	sshll.u32 s31, $0xA  }
0x10e: {  	s0 =	sand.u32 $0x3FFFFC00, s0  }
0x10f: {  	s3 =	simm.s32 $0xF000;
	s1 =	sadd.s32 $0xD400, s0  }
0x110: {  	[tilespmem:s3], [sflag:$0x2] =	stream.indirect.gather [hbm4b:s4+s14], $0x10, s1, s14, $0xb8;
	[tilespmem:$0x15000] =	vst v63  }
0x111: {  	s21 =	simm.s32 $0xF800;
	s20 =	sadd.s32 $0xD480, s0  }
0x112: {  	[tilespmem:s21], [sflag:$0x2] =	stream.indirect.gather [hbm4b:s4+s14], $0x10, s20, s14, $0xb8;
	[tilespmem:$0x15000] =	vst v63  }
0x113: {  	s29 =	simm.s32 $0x10000;
	s22 =	sadd.s32 $0xD500, s0  }
0x114: {  	[tilespmem:s29], [sflag:$0x2] =	stream.indirect.gather [hbm4b:s4+s14], $0x10, s22, s14, $0xb8;
	[tilespmem:$0x15000] =	vst v63  }
0x115: {  	s30 =	simm.s32 $0x10800;
	s0 =	sadd.s32 $0xD580, s0  }
0x116: {  	[tilespmem:s30], [sflag:$0x2] =	stream.indirect.gather [hbm4b:s4+s14], $0x10, s0, s14, $0xb8;
	[tilespmem:$0x15000] =	vst v63  }
0x117: {  	s8 =	sshll.u32 s8, $0x7;
	_ =	swait.ge [sflag:s28], $0x2000  }
0x118: {  	s9 =	simm.s32 $0x0;
	s12 =	simm.s32 $0x0;
	[sflag:s28] =	ssyncset.done $0x0  }
0x119: {  	v21 =	vmov s8;
	s1 =	smov.u32 s2;
	s0 =	simm.s32 $0x12830;
	[sflag:s28] =	ssyncadd.s32 $0xFFFFE000  }
.LBB2_12:
0x11a: {  	v26 =	vld [tilespmem:s0+$0xFFFFF800]  }
0x11b: {  	v27 =	vld [tilespmem:s0+$0xFFFFF7D0]  }
0x11c: {  	v28 =	vld [tilespmem:s0+$0xFFFFFFD0]  }
0x11d: {  	v29 =	vld [tilespmem:s0+$0xFFFFF000]  }
0x11e: {  	v30 =	vld [tilespmem:s0+$0xFFFFFFE0]  }
0x11f: {  	v31 =	vld [tilespmem:s0+$0xFFFFE7D0]  }
0x120: {  	v33 =	vld [tilespmem:s0+$0xFFFFE7E0]  }
0x121: {  	v34 =	vld [tilespmem:s0+$0x0]  }
0x122: {  	v35 =	vld [tilespmem:s0+$0xFFFFEFE0]  }
0x123: {  	v36 =	vld [tilespmem:s0+$0xFFFFEFF0]  }
0x124: {  	s3 =	sshll.u32 s12, $0x4;
	s7 =	simm.s32 $0x1;
	v37 =	vld [tilespmem:s0+$0xFFFFE7F0]  }
0x125: {  	s10 =	simm.s32 $0x2;
	s30 =	simm.s32 $0x3;
	s13 =	simm.s32 $0x0;
	v24 =	vld.idx.msk [tilespmem:v21+s3+$0x4000 ss:$0x1], $0xffff  }
0x126: {  	v25 =	vld.idx.msk [tilespmem:v21+s3+$0x4800 ss:$0x1], $0xffff;
	s3 =	sadd.s32 s8, s3;
	s21 =	sand.u32 $0xFFFFFFF0, s7;
	s22 =	sand.u32 $0xFFFFFFF0, s10  }
0x127: {  	v38 =	vld [tilespmem:s0+$0xFFFFF7F0];
	s10 =	sand.u32 $0xFFFFFFF0, s30;
	s3 =	sshll.u32 s3, $0x2;
	s7 =	ssub.s32 $0x2, s22  }
0x128: {  	v42 =	vld [tilespmem:s0+$0xFFFFFFF0];
	s15 =	sand.u32 $0xFFFFFFF0, s13;
	s10 =	ssub.s32 $0x3, s10;
	v22 =	vor.u32 s3, v0;
	s3 =	ssub.s32 $0x1, s21;
	v41 =	vmov s7  }
0x129: {  	s5 =	simm.s32 $0x8;
	v46 =	vld [tilespmem:s0+$0xFFFFE800];
	v45 =	vmov s10;
	v23 =	vand.u32 v17, v22;
	v40 =	vmov s3;
	s3 =	ssub.s32 $0x0, s15  }
0x12a: {  	v63 =	vld [tilespmem:s0+$0xFFFFF7E0];
	v39 =	vadd.s32 s5, v22;
	v47 =	vsub.f32 v28, v27;
	v49 =	vmov s3  }
0x12b: {  	v32 =	vld [tilespmem:s0+$0xFFFFEFD0];
	v35 =	vsub.f32 v35, v33;
	v34 =	vsub.f32 v34, v26;
	v43 =	vperm.xlane v25, v40  }
0x12c: {  	v36 =	vsub.f32 v36, v37;
	v44 =	vperm.xlane v25, v41;
	v48 =	vperm.xlane v24, v45  }
0x12d: {  	v42 =	vsub.f32 v42, v38;
	v45 =	vperm.xlane v25, v45;
	v50 =	vperm.xlane v24, v49  }
0x12e: {  	v29 =	vsub.f32 v29, v46;
	v41 =	vperm.xlane v24, v41;
	v55 =	vperm.xlane v25, v49  }
0x12f: {  	v52 =	vld [tilespmem:s1+$0x0];
	s16 =	sadd.s32 $0x40, s0;
	v30 =	vsub.f32 v30, v63;
	v35 =	vmul.f32 v43, v35;
	v34 =	vmul.f32 v45, v34  }
0x130: {  	s20 =	simm.s32 $0x7;
	v59 =	vld [tilespmem:s16+$0xFFFFFFD0];
	v28 =	vsub.f32 v32, v31;
	v36 =	vmul.f32 v44, v36;
	v42 =	vmul.f32 v44, v42  }
0x131: {  	v60 =	vld [tilespmem:s16+$0xFFFFEFD0];
	s10 =	sand.u32 $0xFFFFFFF0, s20;
	v39 =	vand.u32 $0xFFFFFFF8, v39;
	v29 =	vmul.f32 v45, v29;
	v30 =	vmul.f32 v43, v30  }
0x132: {  	s21 =	ssub.s32 $0x7, s10;
	v49 =	vld [tilespmem:s16+$0xFFFFE7E0];
	v57 =	vmul.f32 v55, v28;
	v33 =	vadd.f32 v35, v33;
	v36 =	vadd.f32 v36, v37  }
0x133: {  	s17 =	simm.s32 $0x5;
	v28 =	vld [tilespmem:s16+$0xFFFFF7D0];
	v45 =	vmov s21;
	v56 =	vadd.f32 v42, v38;
	v26 =	vadd.f32 v34, v26  }
0x134: {  	s18 =	simm.s32 $0x6;
	s19 =	simm.s32 $0x18;
	s3 =	sand.u32 $0xFFFFFFF0, s17;
	v58 =	vadd.f32 v29, v46;
	v30 =	vadd.f32 v30, v63;
	v29 =	vmul.f32 v55, v47;
	v38 =	vld [tilespmem:s16+$0xFFFFEFE0]  }
0x135: {  	s7 =	sand.u32 $0xFFFFFFF0, s18;
	s3 =	ssub.s32 $0x5, s3;
	v44 =	vld [tilespmem:s1+$0xFFFFFFF0];
	v63 =	vperm.xlane v24, v40;
	v34 =	vadd.f32 v57, v31;
	v31 =	vadd.s32 s19, v22  }
0x136: {  	s7 =	ssub.s32 $0x6, s7;
	v43 =	vld [tilespmem:s16+$0xFFFFF800];
	v42 =	vmov s3;
	v62 =	vsub.f32 v56, v36;
	v26 =	vsub.f32 v26, v58  }
0x137: {  	v47 =	vmov s7;
	v46 =	vld [tilespmem:s16+$0x0];
	v53 =	vperm.xlane v25, v42;
	v27 =	vadd.f32 v29, v27  }
0x138: {  	v29 =	vld [tilespmem:s16+$0xFFFFE7D0];
	v55 =	vsub.f32 v59, v28;
	v35 =	vmul.f32 v62, v41;
	v26 =	vmul.f32 v26, v48  }
0x139: {  	s22 =	simm.s32 $0x4;
	v57 =	vld [tilespmem:s16+$0xFFFFF7E0];
	v54 =	vperm.xlane v25, v47;
	v27 =	vsub.f32 v27, v34;
	v38 =	vsub.f32 v38, v49  }
0x13a: {  	s3 =	sand.u32 $0xFFFFFFF0, s22;
	v48 =	vld [tilespmem:s16+$0xFFFFFFE0];
	v35 =	vadd.f32 v35, v36;
	v61 =	vadd.f32 v26, v58;
	v26 =	vand.u32 $0xFFFFFFF8, v31  }
0x13b: {  	v40 =	vld [tilespmem:s16+$0xFFFFF000];
	s3 =	ssub.s32 $0x4, s3;
	v50 =	vmul.f32 v27, v50;
	v27 =	vsub.f32 v30, v33;
	v31 =	vperm.xlane v24, v45  }
0x13c: {  	v59 =	vld [tilespmem:s16+$0xFFFFE800];
	v30 =	vor.u32 v20, v39;
	v58 =	vmov s3;
	v39 =	vsub.f32 v46, v43  }
0x13d: {  	v51 =	vld [tilespmem:s1+$0xFFFFFFE0];
	v56 =	vsub.f32 v60, v29;
	v38 =	vmul.f32 v53, v38;
	v44 =	vmul.f32 v35, v44  }
0x13e: {  	s30 =	simm.s32 $0xC;
	v60 =	vld [tilespmem:s16+$0xFFFFE7F0];
	v32 =	vmul.f32 v61, v52;
	v62 =	vmul.f32 v27, v63;
	v27 =	vor.u32 s9, v23  }
0x13f: {  	v52 =	vld [tilespmem:s16+$0xFFFFEFF0];
	v35 =	vadd.s32 s30, v22;
	v61 =	vperm.xlane v25, v45;
	v41 =	vsub.f32 v48, v57  }
0x140: {  	v36 =	vperm.xlane v44, v18;
	v33 =	vadd.f32 v62, v33;
	v37 =	vperm.xlane v32, v18  }
0x141: {  	v45 =	vld [tilespmem:s16+$0xFFFFF7F0];
	v40 =	vsub.f32 v40, v59;
	v63 =	vmul.f32 v53, v41;
	v53 =	vperm.xlane v25, v58  }
0x142: {  	v33 =	vmul.f32 v33, v51;
	v46 =	vadd.f32 v32, v37;
	v37 =	vadd.f32 v44, v36;
	v44 =	vld [tilespmem:s16+$0xFFFFFFF0]  }
0x143: {  	v50 =	vadd.f32 v50, v34;
	v32 =	vperm.xlane v24, v58;
	v51 =	vmul.f32 v61, v39  }
0x144: {  	v39 =	vperm.xlane v24, v47;
	v47 =	vld [tilespmem:s1+$0xFFFFFFD0];
	v36 =	vperm.xlane v24, v42;
	v42 =	vsub.f32 v52, v60  }
0x145: {  	v34 =	vadd.f32 v38, v49;
	v52 =	vmul.f32 v53, v56;
	v62 =	vperm.xlane v33, v18  }
0x146: {  	s17 =	sadd.s32 $0x40, s1;
	v49 =	vadd.f32 v51, v43;
	v58 =	vmul.f32 v54, v42;
	v42 =	vadd.f32 v63, v57  }
0x147: {  	v43 =	vld [tilespmem:s17+$0xFFFFFFF0];
	v63 =	vmul.f32 v61, v40;
	v41 =	vadd.f32 v33, v62;
	v62 =	vsub.f32 v44, v45  }
0x148: {  	s29 =	simm.s32 $0x20;
	s5 =	sadd.s32 $0x40, s16;
	s10 =	simm.s32 $0x4;
	v48 =	vperm.xlane v46, v19;
	v51 =	vmul.f32 v53, v55;
	v40 =	vld [tilespmem:s17+$0x0];
	v44 =	vadd.f32 v58, v60  }
0x149: {  	s7 =	simm.s32 $0x8;
	s19 =	smov.u32 s17;
	s3 =	simm.s32 $0x10;
	v33 =	vld [tilespmem:s17+$0xFFFFFFE0];
	v50 =	vmul.f32 v50, v47;
	v47 =	vadd.f32 v63, v59;
	v53 =	vmul.f32 v54, v62  }
.LBB2_13:
0x14a: {  	s13 =	sadd.s32 $0x1, s7;
	s15 =	sadd.s32 $0x2, s7;
	s16 =	sadd.s32 $0x3, s7  }
0x14b: {  	v38 =	vld [tilespmem:s5+$0xFFFFF800];
	v54 =	vperm.xlane v50, v18;
	v55 =	vadd.s32 s10, v22;
	v46 =	vadd.f32 v46, v48;
	s30 =	smov.u32 s7;
	s10 =	smov.u32 s3;
	s3 =	smov.u32 s29  }
0x14c: {  	s21 =	sadd.s32 $0x8, s29;
	v52 =	vadd.f32 v52, v29;
	v48 =	vld [tilespmem:s5+$0xFFFFF7D0];
	s18 =	sshra.s32 s13, $0x1F;
	s20 =	sshra.s32 s15, $0x1F;
	v29 =	vadd.f32 v53, v45;
	v45 =	vperm.xlane v37, v19  }
0x14d: {  	s22 =	sshra.s32 s16, $0x1F;
	v28 =	vadd.f32 v51, v28;
	v51 =	vperm.xlane v41, v19;
	v53 =	vld [tilespmem:s5+$0xFFFFFFD0];
	s18 =	sshrl.u32 s18, $0x1C;
	s20 =	sshrl.u32 s20, $0x1C;
	v50 =	vadd.f32 v50, v54  }
0x14e: {  	v49 =	vsub.f32 v49, v47;
	v54 =	vadd.s32 s21, v22;
	s21 =	sshrl.u32 s22, $0x1C;
	s18 =	sadd.s32 s18, s13;
	s20 =	sadd.s32 s20, s15;
	v56 =	vld [tilespmem:s5+$0xFFFFF000];
	v57 =	vsub.f32 v29, v44;
	[tilespmem:v35+s26+$0x0] =	vst.idx.msk $0xf, v46  }
0x14f: {  	s21 =	sadd.s32 s21, s16;
	v35 =	vsub.f32 v28, v52;
	v37 =	vadd.f32 v37, v45;
	v58 =	vld [tilespmem:s5+$0xFFFFFFE0];
	s18 =	sand.u32 $0xFFFFFFF0, s18;
	s20 =	sand.u32 $0xFFFFFFF0, s20;
	v59 =	vperm.xlane v50, v19  }
0x150: {  	v31 =	vmul.f32 v49, v31;
	v41 =	vadd.f32 v41, v51;
	v29 =	vld [tilespmem:s5+$0xFFFFE7D0];
	s13 =	ssub.s32 s13, s18;
	s15 =	ssub.s32 s15, s20;
	s18 =	sand.u32 $0xFFFFFFF0, s21;
	v39 =	vmul.f32 v57, v39  }
0x151: {  	s20 =	sshra.s32 s30, $0x1F;
	v45 =	vld [tilespmem:s5+$0xFFFFEFD0];
	v49 =	vmov s13;
	v51 =	vmov s15;
	s13 =	ssub.s32 s16, s18;
	s15 =	sadd.s32 $0x4, s7;
	v46 =	vadd.f32 v50, v59;
	[tilespmem:v30+s26+$0x0] =	vst.idx.msk $0xf, v37;
	v28 =	vmovc v48  }
0x152: {  	p0 =	slt.u32 s7, $0xC;
	s16 =	sshrl.u32 s20, $0x1C;
	v50 =	vld [tilespmem:s5+$0xFFFFE7E0];
	v57 =	vperm.xlane v25, v49;
	v59 =	vperm.xlane v25, v51;
	v37 =	vmov s13;
	[tilespmem:v55+s26+$0x0] =	vst.idx.msk $0xf, v41  }
0x153: {  	v31 =	vadd.f32 v31, v47;
	s7 =	sadd.s32 s16, s30;
	v41 =	vand.u32 $0xFFFFFFF8, v54;
	v30 =	vadd.f32 v39, v44;
	v48 =	vld [tilespmem:s5+$0x0];
	[tilespmem:v27+s26+$0x0] =	vst.idx.msk $0xf, v46  }
0x154: {  	v44 =	vmul.f32 v35, v32;
	s7 =	sand.u32 $0xFFFFFFF0, s7;
	v27 =	vsub.f32 v42, v34;
	v39 =	vld [tilespmem:s5+$0xFFFFEFE0]  }
0x155: {  	v47 =	vsub.f32 v53, v28;
	v32 =	vmul.f32 v31, v40;
	v43 =	vmul.f32 v30, v43;
	v42 =	vld [tilespmem:s5+$0xFFFFEFF0]  }
0x156: {  	v31 =	vperm.xlane v24, v37;
	v35 =	vmul.f32 v27, v36;
	v40 =	vsub.f32 v45, v29;
	v53 =	vld [tilespmem:s5+$0xFFFFF7E0]  }
0x157: {  	s7 =	ssub.s32 s30, s7;
	v30 =	vor.u32 v20, v26;
	v26 =	vmovc v41;
	v27 =	vor.u32 s10, v23;
	v36 =	vperm.xlane v43, v18;
	v54 =	vld [tilespmem:s5+$0xFFFFE7F0]  }
0x158: {  	v41 =	vperm.xlane v32, v18;
	v55 =	vmov s7;
	s7 =	sadd.s32 $0xC, s10;
	v34 =	vadd.f32 v35, v34;
	v60 =	vld [tilespmem:s5+$0xFFFFE800]  }
0x159: {  	v35 =	vadd.s32 s7, v22;
	v48 =	vsub.f32 v48, v38;
	v39 =	vsub.f32 v39, v50;
	v45 =	vld [tilespmem:s5+$0xFFFFF7F0]  }
0x15a: {  	s17 =	sadd.s32 $0x40, s17;
	v61 =	vperm.xlane v25, v37;
	v46 =	vadd.f32 v32, v41;
	v33 =	vmul.f32 v34, v33  }
0x15b: {  	v32 =	vperm.xlane v24, v55;
	v37 =	vadd.f32 v43, v36;
	v34 =	vmul.f32 v57, v39  }
0x15c: {  	v41 =	vsub.f32 v58, v53;
	v58 =	vmul.f32 v61, v48;
	v62 =	vperm.xlane v33, v18;
	v43 =	vld [tilespmem:s5+$0xFFFFFFF0]  }
0x15d: {  	v39 =	vperm.xlane v24, v51;
	v48 =	vperm.xlane v46, v19;
	v51 =	vsub.f32 v56, v60;
	v56 =	vld [tilespmem:s19+$0xFFFFFFD0];
	s19 =	smov.u32 s17  }
0x15e: {  	v63 =	vadd.f32 v44, v52;
	v36 =	vperm.xlane v24, v49;
	v42 =	vsub.f32 v42, v54  }
.Ltmp4:
0x15f: {  	v34 =	vadd.f32 v34, v50;
	v44 =	vmul.f32 v57, v41;
	v41 =	vadd.f32 v33, v62;
	(pc) =	sbr.rel @p0 .LBB2_13-.Ltmp4, $4  }
0x160: {  	v55 =	vperm.xlane v25, v55;
	v49 =	vadd.f32 v58, v38;
	v50 =	vmul.f32 v59, v42  }
0x161: {  	v42 =	vadd.f32 v44, v53;
	v57 =	vmul.f32 v61, v51;
	v33 =	vld [tilespmem:s17+$0xFFFFFFE0];
	v38 =	vsub.f32 v43, v45  }
0x162: {  	s29 =	sadd.s32 $0x10, s29;
	v52 =	vmul.f32 v55, v40;
	v44 =	vadd.f32 v50, v54;
	v40 =	vld [tilespmem:s17+$0x0];
	v50 =	vmul.f32 v63, v56  }
0x163: {  	s10 =	sadd.s32 $0x4, s10;
	s7 =	smov.u32 s15;
	s5 =	sadd.s32 $0x40, s5;
	v51 =	vmul.f32 v55, v47;
	v47 =	vadd.f32 v57, v60;
	v43 =	vld [tilespmem:s17+$0xFFFFFFF0];
	v53 =	vmul.f32 v59, v38  }
0x164: {  	v25 =	vadd.f32 v52, v29  }
0x165: {  	v24 =	vadd.f32 v53, v45;
	v61 =	vsub.f32 v49, v47  }
0x166: {  	v38 =	vperm.xlane v50, v18;
	v63 =	vsub.f32 v42, v34;
	v28 =	vadd.f32 v51, v28  }
0x167: {  	v62 =	vadd.s32 s10, v22;
	v24 =	vsub.f32 v24, v44;
	v29 =	vmul.f32 v61, v31  }
0x168: {  	v48 =	vadd.f32 v46, v48;
	v28 =	vsub.f32 v28, v25;
	v31 =	vmul.f32 v63, v36  }
0x169: {  	v52 =	vperm.xlane v41, v19;
	v51 =	vld [tilespmem:s19+$0xFFFFFFD0];
	v24 =	vmul.f32 v24, v39;
	v29 =	vadd.f32 v29, v47  }
0x16a: {  	v26 =	vor.u32 v20, v26;
	v28 =	vmul.f32 v28, v32;
	v31 =	vadd.f32 v31, v34  }
0x16b: {  	v49 =	vperm.xlane v37, v19;
	v24 =	vadd.f32 v24, v44;
	v29 =	vmul.f32 v29, v40  }
0x16c: {  	s5 =	sadd.s32 $0xC, s3;
	v38 =	vadd.f32 v50, v38;
	v25 =	vadd.f32 v28, v25;
	v31 =	vmul.f32 v31, v33  }
0x16d: {  	v58 =	vadd.s32 s5, v22;
	[tilespmem:v35+s26+$0x0] =	vst.idx.msk $0xf, v48;
	v24 =	vmul.f32 v24, v43;
	v55 =	vperm.xlane v29, v18  }
0x16e: {  	v54 =	vadd.f32 v37, v49;
	v25 =	vmul.f32 v25, v51;
	v57 =	vperm.xlane v31, v18  }
0x16f: {  	v53 =	vperm.xlane v38, v19;
	v56 =	vperm.xlane v24, v18;
	v29 =	vadd.f32 v29, v55  }
0x170: {  	s30 =	sadd.s32 $0x4, s3;
	v32 =	vadd.f32 v41, v52;
	v59 =	vperm.xlane v25, v18;
	v31 =	vadd.f32 v31, v57  }
0x171: {  	v22 =	vadd.s32 s30, v22;
	[tilespmem:v30+s26+$0x0] =	vst.idx.msk $0xf, v54;
	v24 =	vadd.f32 v24, v56;
	v37 =	vperm.xlane v29, v19  }
0x172: {  	s12 =	sadd.s32 $0x1, s12;
	v34 =	vadd.f32 v38, v53;
	v25 =	vadd.f32 v25, v59;
	v61 =	vperm.xlane v31, v19  }
0x173: {  	v23 =	vor.u32 s3, v23;
	p0 =	sne.s32 s12, $0x8;
	[tilespmem:v62+s26+$0x0] =	vst.idx.msk $0xf, v32;
	v60 =	vperm.xlane v24, v19;
	v29 =	vadd.f32 v29, v37  }
.Ltmp5:
0x174: {  	[tilespmem:v27+s26+$0x0] =	vst.idx.msk $0xf, v34;
	v62 =	vperm.xlane v25, v19;
	v63 =	vadd.f32 v31, v61;
	(pc) =	sbr.rel @p0 .LBB2_12-.Ltmp5, $4  }
0x175: {  	v24 =	vadd.f32 v24, v60;
	[tilespmem:v58+s26+$0x0] =	vst.idx.msk $0xf, v29  }
0x176: {  	v25 =	vadd.f32 v25, v62;
	[tilespmem:v22+s26+$0x0] =	vst.idx.msk $0xf, v63  }
0x177: {  	[tilespmem:v26+s26+$0x0] =	vst.idx.msk $0xf, v24  }
0x178: {  	s1 =	sadd.s32 $0x100, s1;
	s0 =	sadd.s32 $0x100, s0;
	[tilespmem:v23+s26+$0x0] =	vst.idx.msk $0xf, v25  }
0x179: {  	s31 =	sadd.s32 $0x1, s31  }
0x17a: {  	p0 =	sne.s32 s31, $0x7  }
.Ltmp6:
0x17b: {  	_ = 	snop;
	(pc) =	sbr.rel @p0 .LBB2_7-.Ltmp6, $2  }
0x17c: {  	_ =	sdelay $0x2  }
0x17d: {  	s6 =	sadd.s32 $0x1000, s6;
	s2 =	sadd.s32 $0x1000, s2  }
0x17e: {  	s0 =	simm.s32 $0x11000;
	s1 =	simm.s32 $0xEE00  }
0x17f: {  	[tilespmem:s0], [sflag:$0x3] =	stream.indirect.gather [hbm4b:s4+s14], $0x10, s1, s14, $0xb8;
	[tilespmem:$0x15000] =	vst v63  }
0x180: {  	s22 =	simm.s32 $0x11800;
	s29 =	simm.s32 $0xEE80  }
0x181: {  	[tilespmem:s22], [sflag:$0x3] =	stream.indirect.gather [hbm4b:s4+s14], $0x10, s29, s14, $0xb8;
	[tilespmem:$0x15000] =	vst v63  }
0x182: {  	s30 =	simm.s32 $0xEF00  }
0x183: {  	[tilespmem:s23], [sflag:$0x3] =	stream.indirect.gather [hbm4b:s4+s14], $0x10, s30, s14, $0xb8;
	[tilespmem:$0x15000] =	vst v63  }
0x184: {  	s31 =	simm.s32 $0xEF80  }
0x185: {  	[tilespmem:s24], [sflag:$0x3] =	stream.indirect.gather [hbm4b:s4+s14], $0x10, s31, s14, $0xb8;
	[tilespmem:$0x15000] =	vst v63  }
0x186: {  	_ =	swait.ge [sflag:s25], $0x2000  }
0x187: {  	s2 =	simm.s32 $0x0;
	[sflag:s25] =	ssyncset.done $0x0  }
0x188: {  	s0 =	simm.s32 $0x0;
	s1 =	simm.s32 $0x0;
	[sflag:s25] =	ssyncadd.s32 $0xFFFFE000  }
.LBB2_17:
0x189: {  	s3 =	sshll.u32 s2, $0x4  }
0x18a: {  	v23 =	vld [tilespmem:s3+$0x4700]  }
0x18b: {  	s5 =	sshra.s32 s1, $0x2;
	v24 =	vld [tilespmem:s3+$0x4F00]  }
0x18c: {  	v25 =	vld [tilespmem:s5+$0x10810]  }
0x18d: {  	v26 =	vld [tilespmem:s5+$0xF820]  }
0x18e: {  	v27 =	vld [tilespmem:s5+$0x10820]  }
0x18f: {  	v28 =	vld [tilespmem:s5+$0xF020]  }
0x190: {  	v29 =	vld [tilespmem:s5+$0x10800]  }
0x191: {  	s31 =	sshll.u32 s2, $0x6;
	v30 =	vld [tilespmem:s5+$0x10830]  }
0x192: {  	s6 =	simm.s32 $0x2;
	s7 =	simm.s32 $0x1;
	s9 =	simm.s32 $0x8;
	v31 =	vld [tilespmem:s5+$0x10020]  }
0x193: {  	s8 =	simm.s32 $0x0;
	s15 =	simm.s32 $0x3;
	s20 =	simm.s32 $0x5;
	v32 =	vld [tilespmem:s5+$0x10010]  }
0x194: {  	v33 =	vld [tilespmem:s5+$0xF010];
	s3 =	sor.u32 $0x1C00, s31;
	s6 =	sand.u32 $0xFFFFFFF0, s6;
	s7 =	sand.u32 $0xFFFFFFF0, s7  }
0x195: {  	v35 =	vld [tilespmem:s5+$0xF810];
	s12 =	sand.u32 $0xFFFFFFF0, s8;
	s16 =	sand.u32 $0xFFFFFFF0, s15;
	v21 =	vor.u32 s3, v0;
	s6 =	ssub.s32 $0x2, s6  }
0x196: {  	v38 =	vld [tilespmem:s5+$0xF030];
	s10 =	ssub.s32 $0x1, s7;
	s13 =	ssub.s32 $0x0, s12;
	s7 =	sand.u32 $0xFFFFFFF0, s20;
	v22 =	vand.u32 v17, v21;
	v37 =	vmov s6  }
0x197: {  	s19 =	simm.s32 $0x18;
	v42 =	vld [tilespmem:s5+$0xF830];
	s3 =	ssub.s32 $0x3, s16;
	v39 =	vadd.s32 s9, v21;
	v41 =	vmov s10;
	v46 =	vmov s13;
	s7 =	ssub.s32 $0x5, s7  }
0x198: {  	v44 =	vld [tilespmem:s5+$0x10030];
	v55 =	vmov s3;
	v59 =	vadd.s32 s19, v21;
	v51 =	vmov s7  }
0x199: {  	v36 =	vld [tilespmem:s5+$0x10000];
	v40 =	vperm.xlane v24, v37;
	v43 =	vperm.xlane v24, v41;
	v26 =	vsub.f32 v26, v28  }
0x19a: {  	v34 =	vld [tilespmem:s5+$0xF000];
	v45 =	vsub.f32 v25, v32;
	v25 =	vand.u32 $0x7FFFFFF8, v39;
	v35 =	vsub.f32 v35, v33  }
0x19b: {  	v47 =	vld [tilespmem:s5+$0xF800];
	v27 =	vsub.f32 v27, v31;
	v56 =	vperm.xlane v24, v55;
	v41 =	vperm.xlane v23, v41  }
0x19c: {  	s17 =	sadd.s32 $0x100, s1;
	v48 =	vld [tilespmem:s5+$0xC020];
	v54 =	vsub.f32 v42, v38;
	v58 =	vperm.xlane v23, v55;
	v37 =	vperm.xlane v23, v37  }
0x19d: {  	v49 =	vld [tilespmem:s5+$0xC010];
	s3 =	sshra.s32 s17, $0x2;
	v30 =	vsub.f32 v30, v44;
	v26 =	vmul.f32 v40, v26;
	v53 =	vmul.f32 v43, v45  }
0x19e: {  	v57 =	vld [tilespmem:s3+$0xF820];
	v29 =	vsub.f32 v29, v36;
	v45 =	vperm.xlane v24, v46;
	v35 =	vmul.f32 v43, v35  }
0x19f: {  	v62 =	vld [tilespmem:s3+$0xF800];
	v39 =	vmul.f32 v56, v54;
	v30 =	vmul.f32 v56, v30;
	v32 =	vadd.f32 v53, v32  }
0x1a0: {  	v27 =	vmul.f32 v40, v27;
	v43 =	vld [tilespmem:s3+$0xF020];
	v33 =	vadd.f32 v35, v33;
	v35 =	vsub.f32 v47, v34  }
0x1a1: {  	s18 =	simm.s32 $0x6;
	s22 =	simm.s32 $0x4;
	v52 =	vld [tilespmem:s3+$0x10010];
	v29 =	vmul.f32 v45, v29;
	v26 =	vadd.f32 v26, v28;
	v28 =	vadd.f32 v30, v44  }
0x1a2: {  	s6 =	sand.u32 $0xFFFFFFF0, s18;
	v55 =	vadd.s32 s22, v21;
	v54 =	vld [tilespmem:s3+$0x10800];
	v38 =	vadd.f32 v39, v38;
	v32 =	vsub.f32 v32, v33  }
0x1a3: {  	s9 =	simm.s32 $0x4;
	s6 =	ssub.s32 $0x6, s6;
	v47 =	vld [tilespmem:s5+$0xC030];
	v31 =	vadd.f32 v27, v31;
	v53 =	vperm.xlane v24, v51;
	v50 =	vadd.f32 v29, v36  }
0x1a4: {  	s21 =	sand.u32 $0xFFFFFFF0, s9;
	v36 =	vld [tilespmem:s3+$0x10810];
	v29 =	vmov s6;
	v28 =	vsub.f32 v28, v38;
	v30 =	vmul.f32 v32, v41  }
0x1a5: {  	v60 =	vsub.f32 v31, v26;
	s6 =	ssub.s32 $0x4, s21;
	v35 =	vmul.f32 v45, v35;
	v45 =	vld [tilespmem:s3+$0x10000];
	v40 =	vsub.f32 v57, v43  }
0x1a6: {  	s29 =	simm.s32 $0xC;
	v27 =	vld [tilespmem:s3+$0xF000];
	v32 =	vmul.f32 v28, v58;
	v28 =	vmov s6;
	v30 =	vadd.f32 v30, v33  }
0x1a7: {  	v31 =	vld [tilespmem:s3+$0x10020];
	v37 =	vmul.f32 v60, v37;
	v60 =	vadd.f32 v35, v34;
	v34 =	vadd.s32 s29, v21  }
0x1a8: {  	v41 =	vld [tilespmem:s3+$0x10820];
	v33 =	vperm.xlane v24, v29;
	v32 =	vadd.f32 v32, v38;
	v61 =	vmul.f32 v30, v49  }
0x1a9: {  	v39 =	vld [tilespmem:s3+$0xF030];
	v37 =	vadd.f32 v37, v26;
	v57 =	vsub.f32 v36, v52;
	v36 =	vperm.xlane v24, v28  }
0x1aa: {  	v58 =	vld [tilespmem:s3+$0xF830];
	v54 =	vsub.f32 v54, v45;
	v30 =	vand.u32 $0x7FFFFFF8, v59;
	v63 =	vperm.xlane v61, v18  }
0x1ab: {  	v56 =	vmul.f32 v32, v47;
	v40 =	vmul.f32 v33, v40;
	v32 =	vsub.f32 v62, v27  }
0x1ac: {  	v44 =	vld [tilespmem:s3+$0xF010];
	v59 =	vperm.xlane v23, v46;
	v47 =	vmul.f32 v37, v48;
	v38 =	vadd.f32 v61, v63  }
0x1ad: {  	s30 =	simm.s32 $0x7;
	v37 =	vld [tilespmem:s3+$0xF810];
	v46 =	vperm.xlane v23, v51;
	v42 =	vsub.f32 v41, v31;
	v54 =	vmul.f32 v36, v54  }
0x1ae: {  	s31 =	sand.u32 $0xFFFFFFF0, s30;
	v62 =	vld [tilespmem:s3+$0x10830];
	v35 =	vadd.f32 v40, v43;
	v63 =	vmul.f32 v53, v57;
	v41 =	vperm.xlane v38, v19  }
0x1af: {  	s6 =	ssub.s32 $0x7, s31;
	v49 =	vperm.xlane v56, v18;
	v43 =	vld [tilespmem:s3+$0x10030];
	v57 =	vsub.f32 v50, v60;
	v50 =	vsub.f32 v58, v39  }
0x1b0: {  	v48 =	vadd.f32 v63, v52;
	v63 =	vmov s6;
	v61 =	vadd.f32 v38, v41  }
0x1b1: {  	v52 =	vperm.xlane v47, v18;
	v51 =	vperm.xlane v24, v63;
	v38 =	vadd.f32 v56, v49  }
0x1b2: {  	v26 =	vor.u32 s0, v22;
	v56 =	vmul.f32 v57, v59;
	v49 =	vld [tilespmem:s5+$0xC000];
	[tilespmem:v55+s26+$0x0] =	vst.idx.msk $0xf, v61;
	v61 =	vsub.f32 v37, v44  }
0x1b3: {  	s8 =	simm.s32 $0x20;
	v41 =	vperm.xlane v38, v19;
	v37 =	vadd.f32 v54, v45;
	v45 =	vperm.xlane v23, v63  }
0x1b4: {  	s10 =	simm.s32 $0x8;
	v40 =	vld [tilespmem:s3+$0xC020];
	s6 =	simm.s32 $0x10;
	s5 =	sadd.s32 $0x100, s17;
	v55 =	vadd.f32 v56, v60;
	v54 =	vmul.f32 v53, v61;
	v53 =	vsub.f32 v62, v43  }
.LBB2_18:
0x1b5: {  	s7 =	sadd.s32 $0x1, s10  }
0x1b6: {  	s13 =	sadd.s32 $0x2, s10;
	s12 =	sadd.s32 $0x3, s10;
	v56 =	vld [tilespmem:s3+$0xC030];
	v50 =	vmul.f32 v51, v50;
	v47 =	vadd.f32 v47, v52;
	v52 =	vor.u32 v20, v25;
	v25 =	vmovc v30;
	s15 =	smov.u32 s10  }
0x1b7: {  	s9 =	sshra.s32 s5, $0x2;
	s17 =	sadd.s32 $0x8, s8;
	s16 =	sshra.s32 s13, $0x1F;
	v30 =	vld [tilespmem:s3+$0xC010];
	v44 =	vadd.f32 v54, v44;
	v51 =	vmul.f32 v51, v53;
	v49 =	vmul.f32 v55, v49  }
0x1b8: {  	s18 =	sshra.s32 s10, $0x1F;
	v33 =	vmul.f32 v33, v42;
	v54 =	vadd.s32 s17, v21;
	s17 =	sshra.s32 s12, $0x1F;
	v53 =	vld [tilespmem:s9+$0x10810];
	s16 =	sshrl.u32 s16, $0x1C;
	v42 =	vperm.xlane v47, v19  }
0x1b9: {  	s18 =	sshrl.u32 s18, $0x1C;
	s19 =	sshra.s32 s7, $0x1F;
	v55 =	vld [tilespmem:s9+$0xF820];
	s16 =	sadd.s32 s16, s13;
	v48 =	vsub.f32 v48, v44;
	v43 =	vadd.f32 v51, v43;
	v51 =	vperm.xlane v49, v18  }
0x1ba: {  	v58 =	vperm.xlane v23, v29;
	s19 =	sshrl.u32 s19, $0x1C;
	s17 =	sshrl.u32 s17, $0x1C;
	v31 =	vadd.f32 v33, v31;
	v39 =	vadd.f32 v50, v39;
	v57 =	vld [tilespmem:s9+$0x10820];
	s16 =	sand.u32 $0xFFFFFFF0, s16  }
0x1bb: {  	s19 =	sadd.s32 s19, s7;
	v42 =	vadd.f32 v47, v42;
	v50 =	vld [tilespmem:s9+$0xF000];
	s13 =	ssub.s32 s13, s16;
	s16 =	sadd.s32 s17, s12;
	v46 =	vmul.f32 v48, v46;
	v48 =	vadd.f32 v49, v51  }
0x1bc: {  	v47 =	vsub.f32 v31, v35;
	s17 =	sadd.s32 s18, s10;
	s18 =	sand.u32 $0xFFFFFFF0, s19;
	v31 =	vsub.f32 v43, v39;
	v49 =	vld [tilespmem:s9+$0xF020];
	v29 =	vmov s13;
	s13 =	sand.u32 $0xFFFFFFF0, s16  }
0x1bd: {  	s16 =	sand.u32 $0xFFFFFFF0, s17;
	s17 =	ssub.s32 s7, s18;
	s7 =	sadd.s32 $0x4, s10;
	v51 =	vld [tilespmem:s9+$0x10800];
	v33 =	vperm.xlane v24, v29;
	v43 =	vadd.f32 v46, v44;
	v44 =	vperm.xlane v48, v19  }
0x1be: {  	p0 =	slt.u32 s10, $0xC;
	v38 =	vadd.f32 v38, v41;
	s15 =	ssub.s32 s15, s16;
	v46 =	vmov s17;
	s12 =	ssub.s32 s12, s13;
	v45 =	vmul.f32 v31, v45;
	v59 =	vld [tilespmem:s9+$0x10830];
	[tilespmem:v52+s26+$0x0] =	vst.idx.msk $0xf, v42  }
0x1bf: {  	v41 =	vmov s15;
	v31 =	vld [tilespmem:s9+$0x10020];
	v42 =	vmul.f32 v43, v30;
	v43 =	vadd.f32 v48, v44  }
0x1c0: {  	v30 =	vand.u32 $0x7FFFFFF8, v54;
	v44 =	vmul.f32 v47, v58;
	v45 =	vadd.f32 v45, v39;
	v48 =	vld [tilespmem:s9+$0xF800];
	[tilespmem:v34+s26+$0x0] =	vst.idx.msk $0xf, v38  }
0x1c1: {  	v54 =	vperm.xlane v24, v46;
	v52 =	vld [tilespmem:s9+$0x10010];
	v34 =	vperm.xlane v42, v18;
	[tilespmem:v26+s26+$0x0] =	vst.idx.msk $0xf, v43  }
0x1c2: {  	s10 =	sadd.s32 $0x4, s6;
	v38 =	vmul.f32 v36, v32;
	v26 =	vsub.f32 v55, v49;
	v35 =	vadd.f32 v44, v35;
	v58 =	vld [tilespmem:s9+$0x10000]  }
0x1c3: {  	v55 =	vadd.s32 s10, v21;
	v45 =	vmul.f32 v45, v56;
	v39 =	vld [tilespmem:s9+$0xF030];
	v34 =	vadd.f32 v42, v34  }
0x1c4: {  	v56 =	vmul.f32 v33, v26;
	v26 =	vor.u32 s6, v22;
	v44 =	vld [tilespmem:s9+$0xF010];
	v42 =	vsub.f32 v57, v31  }
0x1c5: {  	v57 =	vperm.xlane v45, v18;
	v32 =	vsub.f32 v48, v50;
	v43 =	vld [tilespmem:s9+$0x10030];
	v48 =	vperm.xlane v34, v19  }
0x1c6: {  	v61 =	vperm.xlane v23, v28;
	v28 =	vmovc v41;
	v47 =	vmul.f32 v35, v40;
	v53 =	vsub.f32 v53, v52;
	v60 =	vld [tilespmem:s9+$0xF830]  }
0x1c7: {  	v36 =	vperm.xlane v24, v28;
	v62 =	vadd.f32 v38, v27;
	v27 =	vmovc v50;
	v40 =	vld [tilespmem:s9+$0xF810];
	v34 =	vadd.f32 v34, v48  }
0x1c8: {  	s10 =	sadd.s32 $0xC, s6;
	s6 =	smov.u32 s8;
	v35 =	vadd.f32 v56, v49;
	v41 =	vsub.f32 v51, v58;
	v48 =	vmul.f32 v54, v53  }
0x1c9: {  	v37 =	vsub.f32 v37, v62;
	v38 =	vadd.f32 v45, v57;
	[tilespmem:v55+s26+$0x0] =	vst.idx.msk $0xf, v34;
	v34 =	vadd.s32 s10, v21  }
.Ltmp7:
0x1ca: {  	v46 =	vperm.xlane v23, v46;
	v45 =	vmul.f32 v36, v41;
	v48 =	vadd.f32 v48, v52;
	(pc) =	sbr.rel @p0 .LBB2_18-.Ltmp7, $4  }
0x1cb: {  	v55 =	vmul.f32 v37, v61;
	v41 =	vperm.xlane v38, v19;
	v50 =	vsub.f32 v60, v39;
	v49 =	vld [tilespmem:s3+$0xC000];
	s3 =	smov.u32 s9  }
0x1cc: {  	v51 =	vmov s12;
	v52 =	vperm.xlane v47, v18;
	v40 =	vsub.f32 v40, v44  }
0x1cd: {  	v37 =	vadd.f32 v45, v58;
	v45 =	vperm.xlane v23, v51;
	v51 =	vperm.xlane v24, v51  }
0x1ce: {  	s5 =	sadd.s32 $0x100, s5;
	s8 =	sadd.s32 $0x10, s8;
	s10 =	smov.u32 s7;
	v53 =	vsub.f32 v59, v43;
	v55 =	vadd.f32 v55, v62;
	v54 =	vmul.f32 v54, v40;
	v40 =	vld [tilespmem:s3+$0xC020]  }
0x1cf: {  	v33 =	vmul.f32 v33, v42;
	v56 =	vmul.f32 v51, v50  }
0x1d0: {  	v57 =	vadd.f32 v47, v52;
	v32 =	vmul.f32 v36, v32;
	v24 =	vadd.f32 v54, v44  }
0x1d1: {  	v58 =	vmul.f32 v51, v53;
	v31 =	vadd.f32 v33, v31;
	v39 =	vadd.f32 v56, v39  }
0x1d2: {  	v29 =	vperm.xlane v23, v29;
	v27 =	vadd.f32 v32, v27;
	v48 =	vsub.f32 v48, v24  }
0x1d3: {  	v61 =	vld [tilespmem:s3+$0xC010];
	v23 =	vperm.xlane v23, v28;
	v60 =	vadd.f32 v58, v43;
	v31 =	vsub.f32 v31, v35  }
0x1d4: {  	v59 =	vmul.f32 v55, v49;
	v49 =	vsub.f32 v37, v27;
	v63 =	vmul.f32 v48, v46  }
0x1d5: {  	v25 =	vor.u32 v20, v25;
	v51 =	vld [tilespmem:s3+$0xC000];
	v36 =	vsub.f32 v60, v39;
	v29 =	vmul.f32 v31, v29  }
0x1d6: {  	v30 =	vor.u32 v20, v30;
	v48 =	vld [tilespmem:s3+$0xC030];
	v23 =	vmul.f32 v49, v23;
	v24 =	vadd.f32 v63, v24  }
0x1d7: {  	v55 =	vadd.f32 v38, v41;
	v50 =	vmul.f32 v36, v45;
	v29 =	vadd.f32 v29, v35  }
0x1d8: {  	v52 =	vperm.xlane v57, v19;
	v23 =	vadd.f32 v23, v27;
	v24 =	vmul.f32 v24, v61  }
0x1d9: {  	s30 =	sadd.s32 $0x4, s6;
	v62 =	vperm.xlane v59, v18;
	v31 =	vadd.f32 v50, v39;
	v29 =	vmul.f32 v29, v40  }
0x1da: {  	v58 =	vadd.s32 s30, v21;
	v23 =	vmul.f32 v23, v51;
	v54 =	vperm.xlane v24, v18  }
0x1db: {  	v32 =	vadd.f32 v59, v62;
	v31 =	vmul.f32 v31, v48;
	v56 =	vperm.xlane v29, v18  }
0x1dc: {  	v53 =	vadd.f32 v57, v52;
	v36 =	vperm.xlane v23, v18;
	v24 =	vadd.f32 v24, v54  }
0x1dd: {  	v33 =	vperm.xlane v32, v19;
	v57 =	vperm.xlane v31, v18;
	v29 =	vadd.f32 v29, v56  }
0x1de: {  	v22 =	vor.u32 s6, v22;
	[tilespmem:v34+s26+$0x0] =	vst.idx.msk $0xf, v55;
	v23 =	vadd.f32 v23, v36;
	v59 =	vperm.xlane v24, v19  }
0x1df: {  	s31 =	sadd.s32 $0xC, s6;
	s2 =	sadd.s32 $0x1, s2;
	v32 =	vadd.f32 v32, v33;
	v28 =	vadd.f32 v31, v57;
	v60 =	vperm.xlane v29, v19  }
0x1e0: {  	p0 =	sne.s32 s2, $0x8;
	v21 =	vadd.s32 s31, v21;
	[tilespmem:v25+s26+$0x0] =	vst.idx.msk $0xf, v53;
	v62 =	vperm.xlane v23, v19;
	v24 =	vadd.f32 v24, v59  }
.Ltmp8:
0x1e1: {  	[tilespmem:v26+s26+$0x0] =	vst.idx.msk $0xf, v32;
	v61 =	vperm.xlane v28, v19;
	v25 =	vadd.f32 v29, v60;
	(pc) =	sbr.rel @p0 .LBB2_17-.Ltmp8, $4  }
0x1e2: {  	v23 =	vadd.f32 v23, v62;
	[tilespmem:v58+s26+$0x0] =	vst.idx.msk $0xf, v24  }
0x1e3: {  	v63 =	vadd.f32 v28, v61;
	[tilespmem:v30+s26+$0x0] =	vst.idx.msk $0xf, v25  }
0x1e4: {  	[tilespmem:v22+s26+$0x0] =	vst.idx.msk $0xf, v23  }
0x1e5: {  	s1 =	sadd.s32 $0x400, s1;
	[tilespmem:v21+s26+$0x0] =	vst.idx.msk $0xf, v63  }
0x1e6: {  	_ =	swait.ge [sflag:s28], $0x2000  }
0x1e7: {  	s0 =	simm.s32 $0x0;
	[sflag:s28] =	ssyncset.done $0x0  }
0x1e8: {  	s1 =	simm.s32 $0x0;
	s2 =	simm.s32 $0x0;
	[sflag:s28] =	ssyncadd.s32 $0xFFFFE000  }
.LBB2_21:
0x1e9: {  	s3 =	sshll.u32 s2, $0x4  }
0x1ea: {  	v23 =	vld [tilespmem:s3+$0x4780]  }
0x1eb: {  	s5 =	sshra.s32 s1, $0x2;
	v24 =	vld [tilespmem:s3+$0x4F80]  }
0x1ec: {  	v25 =	vld [tilespmem:s5+$0x12810]  }
0x1ed: {  	v26 =	vld [tilespmem:s5+$0x11820]  }
0x1ee: {  	v27 =	vld [tilespmem:s5+$0x12820]  }
0x1ef: {  	v28 =	vld [tilespmem:s5+$0x11020]  }
0x1f0: {  	v29 =	vld [tilespmem:s5+$0x12800]  }
0x1f1: {  	s31 =	sshll.u32 s2, $0x6;
	v30 =	vld [tilespmem:s5+$0x12830]  }
0x1f2: {  	s6 =	simm.s32 $0x2;
	s7 =	simm.s32 $0x1;
	s9 =	simm.s32 $0x8;
	v31 =	vld [tilespmem:s5+$0x12020]  }
0x1f3: {  	s8 =	simm.s32 $0x0;
	s15 =	simm.s32 $0x3;
	s20 =	simm.s32 $0x5;
	v32 =	vld [tilespmem:s5+$0x12010]  }
0x1f4: {  	v33 =	vld [tilespmem:s5+$0x11010];
	s3 =	sor.u32 $0x1E00, s31;
	s6 =	sand.u32 $0xFFFFFFF0, s6;
	s7 =	sand.u32 $0xFFFFFFF0, s7  }
0x1f5: {  	v35 =	vld [tilespmem:s5+$0x11810];
	s12 =	sand.u32 $0xFFFFFFF0, s8;
	s16 =	sand.u32 $0xFFFFFFF0, s15;
	v21 =	vor.u32 s3, v0;
	s6 =	ssub.s32 $0x2, s6  }
0x1f6: {  	v38 =	vld [tilespmem:s5+$0x11030];
	s10 =	ssub.s32 $0x1, s7;
	s13 =	ssub.s32 $0x0, s12;
	s7 =	sand.u32 $0xFFFFFFF0, s20;
	v22 =	vand.u32 v17, v21;
	v37 =	vmov s6  }
0x1f7: {  	s19 =	simm.s32 $0x18;
	v42 =	vld [tilespmem:s5+$0x11830];
	s3 =	ssub.s32 $0x3, s16;
	v39 =	vadd.s32 s9, v21;
	v41 =	vmov s10;
	v46 =	vmov s13;
	s7 =	ssub.s32 $0x5, s7  }
0x1f8: {  	v44 =	vld [tilespmem:s5+$0x12030];
	v55 =	vmov s3;
	v59 =	vadd.s32 s19, v21;
	v51 =	vmov s7  }
0x1f9: {  	v36 =	vld [tilespmem:s5+$0x12000];
	v40 =	vperm.xlane v24, v37;
	v43 =	vperm.xlane v24, v41;
	v26 =	vsub.f32 v26, v28  }
0x1fa: {  	v34 =	vld [tilespmem:s5+$0x11000];
	v45 =	vsub.f32 v25, v32;
	v25 =	vand.u32 $0x7FFFFFF8, v39;
	v35 =	vsub.f32 v35, v33  }
0x1fb: {  	v47 =	vld [tilespmem:s5+$0x11800];
	v27 =	vsub.f32 v27, v31;
	v56 =	vperm.xlane v24, v55;
	v41 =	vperm.xlane v23, v41  }
0x1fc: {  	s17 =	sadd.s32 $0x100, s1;
	v48 =	vld [tilespmem:s5+$0xC820];
	v54 =	vsub.f32 v42, v38;
	v58 =	vperm.xlane v23, v55;
	v37 =	vperm.xlane v23, v37  }
0x1fd: {  	v49 =	vld [tilespmem:s5+$0xC810];
	s3 =	sshra.s32 s17, $0x2;
	v30 =	vsub.f32 v30, v44;
	v26 =	vmul.f32 v40, v26;
	v53 =	vmul.f32 v43, v45  }
0x1fe: {  	v57 =	vld [tilespmem:s3+$0x11820];
	v29 =	vsub.f32 v29, v36;
	v45 =	vperm.xlane v24, v46;
	v35 =	vmul.f32 v43, v35  }
0x1ff: {  	v62 =	vld [tilespmem:s3+$0x11800];
	v39 =	vmul.f32 v56, v54;
	v30 =	vmul.f32 v56, v30;
	v32 =	vadd.f32 v53, v32  }
0x200: {  	v27 =	vmul.f32 v40, v27;
	v43 =	vld [tilespmem:s3+$0x11020];
	v33 =	vadd.f32 v35, v33;
	v35 =	vsub.f32 v47, v34  }
0x201: {  	s18 =	simm.s32 $0x6;
	s22 =	simm.s32 $0x4;
	v52 =	vld [tilespmem:s3+$0x12010];
	v29 =	vmul.f32 v45, v29;
	v26 =	vadd.f32 v26, v28;
	v28 =	vadd.f32 v30, v44  }
0x202: {  	s6 =	sand.u32 $0xFFFFFFF0, s18;
	v55 =	vadd.s32 s22, v21;
	v54 =	vld [tilespmem:s3+$0x12800];
	v38 =	vadd.f32 v39, v38;
	v32 =	vsub.f32 v32, v33  }
0x203: {  	s9 =	simm.s32 $0x4;
	s6 =	ssub.s32 $0x6, s6;
	v47 =	vld [tilespmem:s5+$0xC830];
	v31 =	vadd.f32 v27, v31;
	v53 =	vperm.xlane v24, v51;
	v50 =	vadd.f32 v29, v36  }
0x204: {  	s21 =	sand.u32 $0xFFFFFFF0, s9;
	v36 =	vld [tilespmem:s3+$0x12810];
	v29 =	vmov s6;
	v28 =	vsub.f32 v28, v38;
	v30 =	vmul.f32 v32, v41  }
0x205: {  	v60 =	vsub.f32 v31, v26;
	s6 =	ssub.s32 $0x4, s21;
	v35 =	vmul.f32 v45, v35;
	v45 =	vld [tilespmem:s3+$0x12000];
	v40 =	vsub.f32 v57, v43  }
0x206: {  	s29 =	simm.s32 $0xC;
	v27 =	vld [tilespmem:s3+$0x11000];
	v32 =	vmul.f32 v28, v58;
	v28 =	vmov s6;
	v30 =	vadd.f32 v30, v33  }
0x207: {  	v31 =	vld [tilespmem:s3+$0x12020];
	v37 =	vmul.f32 v60, v37;
	v60 =	vadd.f32 v35, v34;
	v34 =	vadd.s32 s29, v21  }
0x208: {  	v41 =	vld [tilespmem:s3+$0x12820];
	v33 =	vperm.xlane v24, v29;
	v32 =	vadd.f32 v32, v38;
	v61 =	vmul.f32 v30, v49  }
0x209: {  	v39 =	vld [tilespmem:s3+$0x11030];
	v37 =	vadd.f32 v37, v26;
	v57 =	vsub.f32 v36, v52;
	v36 =	vperm.xlane v24, v28  }
0x20a: {  	v58 =	vld [tilespmem:s3+$0x11830];
	v54 =	vsub.f32 v54, v45;
	v30 =	vand.u32 $0x7FFFFFF8, v59;
	v63 =	vperm.xlane v61, v18  }
0x20b: {  	v56 =	vmul.f32 v32, v47;
	v40 =	vmul.f32 v33, v40;
	v32 =	vsub.f32 v62, v27  }
0x20c: {  	v44 =	vld [tilespmem:s3+$0x11010];
	v59 =	vperm.xlane v23, v46;
	v47 =	vmul.f32 v37, v48;
	v38 =	vadd.f32 v61, v63  }
0x20d: {  	s30 =	simm.s32 $0x7;
	v37 =	vld [tilespmem:s3+$0x11810];
	v46 =	vperm.xlane v23, v51;
	v42 =	vsub.f32 v41, v31;
	v54 =	vmul.f32 v36, v54  }
0x20e: {  	s31 =	sand.u32 $0xFFFFFFF0, s30;
	v62 =	vld [tilespmem:s3+$0x12830];
	v35 =	vadd.f32 v40, v43;
	v63 =	vmul.f32 v53, v57;
	v41 =	vperm.xlane v38, v19  }
0x20f: {  	s6 =	ssub.s32 $0x7, s31;
	v49 =	vperm.xlane v56, v18;
	v43 =	vld [tilespmem:s3+$0x12030];
	v57 =	vsub.f32 v50, v60;
	v50 =	vsub.f32 v58, v39  }
0x210: {  	v48 =	vadd.f32 v63, v52;
	v63 =	vmov s6;
	v61 =	vadd.f32 v38, v41  }
0x211: {  	v52 =	vperm.xlane v47, v18;
	v51 =	vperm.xlane v24, v63;
	v38 =	vadd.f32 v56, v49  }
0x212: {  	v26 =	vor.u32 s0, v22;
	v56 =	vmul.f32 v57, v59;
	v49 =	vld [tilespmem:s5+$0xC800];
	[tilespmem:v55+s26+$0x0] =	vst.idx.msk $0xf, v61;
	v61 =	vsub.f32 v37, v44  }
0x213: {  	s8 =	simm.s32 $0x20;
	v41 =	vperm.xlane v38, v19;
	v37 =	vadd.f32 v54, v45;
	v45 =	vperm.xlane v23, v63  }
0x214: {  	s10 =	simm.s32 $0x8;
	v40 =	vld [tilespmem:s3+$0xC820];
	s6 =	simm.s32 $0x10;
	s5 =	sadd.s32 $0x100, s17;
	v55 =	vadd.f32 v56, v60;
	v54 =	vmul.f32 v53, v61;
	v53 =	vsub.f32 v62, v43  }
.LBB2_22:
0x215: {  	s7 =	sadd.s32 $0x1, s10  }
0x216: {  	s13 =	sadd.s32 $0x2, s10;
	s12 =	sadd.s32 $0x3, s10;
	v56 =	vld [tilespmem:s3+$0xC830];
	v50 =	vmul.f32 v51, v50;
	v47 =	vadd.f32 v47, v52;
	v52 =	vor.u32 v20, v25;
	v25 =	vmovc v30;
	s15 =	smov.u32 s10  }
0x217: {  	s9 =	sshra.s32 s5, $0x2;
	s17 =	sadd.s32 $0x8, s8;
	s16 =	sshra.s32 s13, $0x1F;
	v30 =	vld [tilespmem:s3+$0xC810];
	v44 =	vadd.f32 v54, v44;
	v51 =	vmul.f32 v51, v53;
	v49 =	vmul.f32 v55, v49  }
0x218: {  	s18 =	sshra.s32 s10, $0x1F;
	v33 =	vmul.f32 v33, v42;
	v54 =	vadd.s32 s17, v21;
	s17 =	sshra.s32 s12, $0x1F;
	v53 =	vld [tilespmem:s9+$0x12810];
	s16 =	sshrl.u32 s16, $0x1C;
	v42 =	vperm.xlane v47, v19  }
0x219: {  	s18 =	sshrl.u32 s18, $0x1C;
	s19 =	sshra.s32 s7, $0x1F;
	v55 =	vld [tilespmem:s9+$0x11820];
	s16 =	sadd.s32 s16, s13;
	v48 =	vsub.f32 v48, v44;
	v43 =	vadd.f32 v51, v43;
	v51 =	vperm.xlane v49, v18  }
0x21a: {  	v58 =	vperm.xlane v23, v29;
	s19 =	sshrl.u32 s19, $0x1C;
	s17 =	sshrl.u32 s17, $0x1C;
	v31 =	vadd.f32 v33, v31;
	v39 =	vadd.f32 v50, v39;
	v57 =	vld [tilespmem:s9+$0x12820];
	s16 =	sand.u32 $0xFFFFFFF0, s16  }
0x21b: {  	s19 =	sadd.s32 s19, s7;
	v42 =	vadd.f32 v47, v42;
	v50 =	vld [tilespmem:s9+$0x11000];
	s13 =	ssub.s32 s13, s16;
	s16 =	sadd.s32 s17, s12;
	v46 =	vmul.f32 v48, v46;
	v48 =	vadd.f32 v49, v51  }
0x21c: {  	v47 =	vsub.f32 v31, v35;
	s17 =	sadd.s32 s18, s10;
	s18 =	sand.u32 $0xFFFFFFF0, s19;
	v31 =	vsub.f32 v43, v39;
	v49 =	vld [tilespmem:s9+$0x11020];
	v29 =	vmov s13;
	s13 =	sand.u32 $0xFFFFFFF0, s16  }
0x21d: {  	s16 =	sand.u32 $0xFFFFFFF0, s17;
	s17 =	ssub.s32 s7, s18;
	s7 =	sadd.s32 $0x4, s10;
	v51 =	vld [tilespmem:s9+$0x12800];
	v33 =	vperm.xlane v24, v29;
	v43 =	vadd.f32 v46, v44;
	v44 =	vperm.xlane v48, v19  }
0x21e: {  	p0 =	slt.u32 s10, $0xC;
	v38 =	vadd.f32 v38, v41;
	s15 =	ssub.s32 s15, s16;
	v46 =	vmov s17;
	s12 =	ssub.s32 s12, s13;
	v45 =	vmul.f32 v31, v45;
	v59 =	vld [tilespmem:s9+$0x12830];
	[tilespmem:v52+s26+$0x0] =	vst.idx.msk $0xf, v42  }
0x21f: {  	v41 =	vmov s15;
	v31 =	vld [tilespmem:s9+$0x12020];
	v42 =	vmul.f32 v43, v30;
	v43 =	vadd.f32 v48, v44  }
0x220: {  	v30 =	vand.u32 $0x7FFFFFF8, v54;
	v44 =	vmul.f32 v47, v58;
	v45 =	vadd.f32 v45, v39;
	v48 =	vld [tilespmem:s9+$0x11800];
	[tilespmem:v34+s26+$0x0] =	vst.idx.msk $0xf, v38  }
0x221: {  	v54 =	vperm.xlane v24, v46;
	v52 =	vld [tilespmem:s9+$0x12010];
	v34 =	vperm.xlane v42, v18;
	[tilespmem:v26+s26+$0x0] =	vst.idx.msk $0xf, v43  }
0x222: {  	s10 =	sadd.s32 $0x4, s6;
	v38 =	vmul.f32 v36, v32;
	v26 =	vsub.f32 v55, v49;
	v35 =	vadd.f32 v44, v35;
	v58 =	vld [tilespmem:s9+$0x12000]  }
0x223: {  	v55 =	vadd.s32 s10, v21;
	v45 =	vmul.f32 v45, v56;
	v39 =	vld [tilespmem:s9+$0x11030];
	v34 =	vadd.f32 v42, v34  }
0x224: {  	v56 =	vmul.f32 v33, v26;
	v26 =	vor.u32 s6, v22;
	v44 =	vld [tilespmem:s9+$0x11010];
	v42 =	vsub.f32 v57, v31  }
0x225: {  	v57 =	vperm.xlane v45, v18;
	v32 =	vsub.f32 v48, v50;
	v43 =	vld [tilespmem:s9+$0x12030];
	v48 =	vperm.xlane v34, v19  }
0x226: {  	v61 =	vperm.xlane v23, v28;
	v28 =	vmovc v41;
	v47 =	vmul.f32 v35, v40;
	v53 =	vsub.f32 v53, v52;
	v60 =	vld [tilespmem:s9+$0x11830]  }
0x227: {  	v36 =	vperm.xlane v24, v28;
	v62 =	vadd.f32 v38, v27;
	v27 =	vmovc v50;
	v40 =	vld [tilespmem:s9+$0x11810];
	v34 =	vadd.f32 v34, v48  }
0x228: {  	s10 =	sadd.s32 $0xC, s6;
	s6 =	smov.u32 s8;
	v35 =	vadd.f32 v56, v49;
	v41 =	vsub.f32 v51, v58;
	v48 =	vmul.f32 v54, v53  }
0x229: {  	v37 =	vsub.f32 v37, v62;
	v38 =	vadd.f32 v45, v57;
	[tilespmem:v55+s26+$0x0] =	vst.idx.msk $0xf, v34;
	v34 =	vadd.s32 s10, v21  }
.Ltmp9:
0x22a: {  	v46 =	vperm.xlane v23, v46;
	v45 =	vmul.f32 v36, v41;
	v48 =	vadd.f32 v48, v52;
	(pc) =	sbr.rel @p0 .LBB2_22-.Ltmp9, $4  }
0x22b: {  	v55 =	vmul.f32 v37, v61;
	v41 =	vperm.xlane v38, v19;
	v50 =	vsub.f32 v60, v39;
	v49 =	vld [tilespmem:s3+$0xC800];
	s3 =	smov.u32 s9  }
0x22c: {  	v51 =	vmov s12;
	v52 =	vperm.xlane v47, v18;
	v40 =	vsub.f32 v40, v44  }
0x22d: {  	v37 =	vadd.f32 v45, v58;
	v45 =	vperm.xlane v23, v51;
	v51 =	vperm.xlane v24, v51  }
0x22e: {  	s5 =	sadd.s32 $0x100, s5;
	s8 =	sadd.s32 $0x10, s8;
	s10 =	smov.u32 s7;
	v53 =	vsub.f32 v59, v43;
	v55 =	vadd.f32 v55, v62;
	v54 =	vmul.f32 v54, v40;
	v40 =	vld [tilespmem:s3+$0xC820]  }
0x22f: {  	v33 =	vmul.f32 v33, v42;
	v56 =	vmul.f32 v51, v50  }
0x230: {  	v57 =	vadd.f32 v47, v52;
	v32 =	vmul.f32 v36, v32;
	v24 =	vadd.f32 v54, v44  }
0x231: {  	v58 =	vmul.f32 v51, v53;
	v31 =	vadd.f32 v33, v31;
	v39 =	vadd.f32 v56, v39  }
0x232: {  	v29 =	vperm.xlane v23, v29;
	v27 =	vadd.f32 v32, v27;
	v48 =	vsub.f32 v48, v24  }
0x233: {  	v61 =	vld [tilespmem:s3+$0xC810];
	v23 =	vperm.xlane v23, v28;
	v60 =	vadd.f32 v58, v43;
	v31 =	vsub.f32 v31, v35  }
0x234: {  	v59 =	vmul.f32 v55, v49;
	v49 =	vsub.f32 v37, v27;
	v63 =	vmul.f32 v48, v46  }
0x235: {  	v25 =	vor.u32 v20, v25;
	v51 =	vld [tilespmem:s3+$0xC800];
	v36 =	vsub.f32 v60, v39;
	v29 =	vmul.f32 v31, v29  }
0x236: {  	v30 =	vor.u32 v20, v30;
	v48 =	vld [tilespmem:s3+$0xC830];
	v23 =	vmul.f32 v49, v23;
	v24 =	vadd.f32 v63, v24  }
0x237: {  	v55 =	vadd.f32 v38, v41;
	v50 =	vmul.f32 v36, v45;
	v29 =	vadd.f32 v29, v35  }
0x238: {  	v52 =	vperm.xlane v57, v19;
	v23 =	vadd.f32 v23, v27;
	v24 =	vmul.f32 v24, v61  }
0x239: {  	s30 =	sadd.s32 $0x4, s6;
	v62 =	vperm.xlane v59, v18;
	v31 =	vadd.f32 v50, v39;
	v29 =	vmul.f32 v29, v40  }
0x23a: {  	v58 =	vadd.s32 s30, v21;
	v23 =	vmul.f32 v23, v51;
	v54 =	vperm.xlane v24, v18  }
0x23b: {  	v32 =	vadd.f32 v59, v62;
	v31 =	vmul.f32 v31, v48;
	v56 =	vperm.xlane v29, v18  }
0x23c: {  	v53 =	vadd.f32 v57, v52;
	v36 =	vperm.xlane v23, v18;
	v24 =	vadd.f32 v24, v54  }
0x23d: {  	v33 =	vperm.xlane v32, v19;
	v57 =	vperm.xlane v31, v18;
	v29 =	vadd.f32 v29, v56  }
0x23e: {  	v22 =	vor.u32 s6, v22;
	[tilespmem:v34+s26+$0x0] =	vst.idx.msk $0xf, v55;
	v23 =	vadd.f32 v23, v36;
	v59 =	vperm.xlane v24, v19  }
0x23f: {  	s31 =	sadd.s32 $0xC, s6;
	s2 =	sadd.s32 $0x1, s2;
	v32 =	vadd.f32 v32, v33;
	v28 =	vadd.f32 v31, v57;
	v60 =	vperm.xlane v29, v19  }
0x240: {  	p0 =	sne.s32 s2, $0x8;
	v21 =	vadd.s32 s31, v21;
	[tilespmem:v25+s26+$0x0] =	vst.idx.msk $0xf, v53;
	v62 =	vperm.xlane v23, v19;
	v24 =	vadd.f32 v24, v59  }
.Ltmp10:
0x241: {  	[tilespmem:v26+s26+$0x0] =	vst.idx.msk $0xf, v32;
	v61 =	vperm.xlane v28, v19;
	v25 =	vadd.f32 v29, v60;
	(pc) =	sbr.rel @p0 .LBB2_21-.Ltmp10, $4  }
0x242: {  	v23 =	vadd.f32 v23, v62;
	[tilespmem:v58+s26+$0x0] =	vst.idx.msk $0xf, v24  }
0x243: {  	v63 =	vadd.f32 v28, v61;
	[tilespmem:v30+s26+$0x0] =	vst.idx.msk $0xf, v25  }
0x244: {  	[tilespmem:v22+s26+$0x0] =	vst.idx.msk $0xf, v23  }
0x245: {  	s1 =	sadd.s32 $0x400, s1;
	[tilespmem:v21+s26+$0x0] =	vst.idx.msk $0xf, v63  }
0x246: {  	s0 =	simm.s32 $0x10  }
0x247: {  	v20 =	vmul.u32 $0x4, v0;
	v21 =	vmov s0  }
0x248: {  	v21 =	vshll.u32 v21, $0x2  }
0x249: {  	v22 =	vor.u32 v20, v21;
	_ =	sdelay $0x1  }
0x24a: {  	s20 =	simm.s32 $0x0  }
0x24b: {  	v21 =	vmov s20  }
0x24c: {  	s21 =	simm.s32 $0x30;
	v21 =	vshll.u32 v21, $0x2  }
0x24d: {  	v24 =	vmov s21;
	v23 =	vor.u32 v20, v21;
	v21 =	vld.idx.msk [tilespmem:v22+s26+$0x0], $0xffff  }
0x24e: {  	v24 =	vshll.u32 v24, $0x2;
	v25 =	vor.u32 $0x1, v22  }
0x24f: {  	s22 =	simm.s32 $0x20;
	v24 =	vor.u32 v20, v24  }
0x250: {  	v26 =	vmov s22  }
0x251: {  	s1 =	simm.s32 $0x3000;
	v26 =	vshll.u32 v26, $0x2  }
0x252: {  	v26 =	vor.u32 v20, v26;
	v27 =	vld.idx.msk [tilespmem:v23+s26+$0x0], $0xffff;
	[tilespmem:s1+$0xFFFFF010] =	vst v21  }
0x253: {  	s2 =	simm.s32 $0x40;
	v28 =	vor.u32 $0x1, v23;
	v25 =	vld.idx.msk [tilespmem:v25+s26+$0x0], $0xffff  }
0x254: {  	v31 =	vmov s2;
	v30 =	vor.u32 $0x2, v22;
	v29 =	vld.idx.msk [tilespmem:v24+s26+$0x0], $0xffff  }
0x255: {  	s29 =	simm.s32 $0x50;
	v31 =	vshll.u32 v31, $0x2  }
0x256: {  	v33 =	vor.u32 v20, v31;
	v21 =	vmov s29  }
0x257: {  	v32 =	vor.u32 $0x1, v24;
	v21 =	vshll.u32 v21, $0x2;
	[tilespmem:s1+$0xFFFFF000] =	vst v27;
	v27 =	vld.idx.msk [tilespmem:v26+s26+$0x0], $0xffff  }
0x258: {  	s0 =	simm.s32 $0x3020;
	v21 =	vor.u32 v20, v21;
	v28 =	vld.idx.msk [tilespmem:v28+s26+$0x0], $0xffff;
	[tilespmem:s1+$0xFFFFF810] =	vst v25  }
0x259: {  	s30 =	simm.s32 $0x70;
	v31 =	vor.u32 $0x1, v26;
	[tilespmem:s0+$0xFFFFF010] =	vst v29;
	v29 =	vld.idx.msk [tilespmem:v30+s26+$0x0], $0xffff  }
0x25a: {  	v59 =	vor.u32 $0x3, v22;
	v22 =	vmov s30  }
0x25b: {  	v36 =	vld.idx.msk [tilespmem:v33+s26+$0x0], $0xffff;
	v22 =	vshll.u32 v22, $0x2;
	v25 =	vor.u32 $0x2, v23  }
0x25c: {  	s3 =	simm.s32 $0x60;
	v22 =	vor.u32 v20, v22;
	v30 =	vld.idx.msk [tilespmem:v32+s26+$0x0], $0xffff;
	[tilespmem:s0+$0xFFFFF000] =	vst v27  }
0x25d: {  	v35 =	vor.u32 $0x2, v24;
	v34 =	vld.idx.msk [tilespmem:v21+s26+$0x0], $0xffff;
	v27 =	vmov s3;
	[tilespmem:s1+$0xFFFFF800] =	vst v28  }
0x25e: {  	v37 =	vor.u32 $0x1, v21;
	v27 =	vshll.u32 v27, $0x2;
	v28 =	vld.idx.msk [tilespmem:v31+s26+$0x0], $0xffff;
	[tilespmem:s1+$0x10] =	vst v29  }
0x25f: {  	s2 =	simm.s32 $0x3040;
	v38 =	vor.u32 v20, v27;
	v29 =	vld.idx.msk [tilespmem:v59+s26+$0x0], $0xffff  }
0x260: {  	[tilespmem:s2+$0xFFFFF000] =	vst v36;
	v27 =	vor.u32 $0x1, v33;
	v25 =	vld.idx.msk [tilespmem:v25+s26+$0x0], $0xffff  }
0x261: {  	v63 =	vld.idx.msk [tilespmem:v22+s26+$0x0], $0xffff;
	[tilespmem:s0+$0xFFFFF810] =	vst v30;
	v30 =	vor.u32 $0x2, v26  }
0x262: {  	v61 =	vor.u32 $0x3, v23;
	[tilespmem:s2+$0xFFFFF010] =	vst v34;
	v60 =	vld.idx.msk [tilespmem:v35+s26+$0x0], $0xffff  }
0x263: {  	s5 =	simm.s32 $0x90;
	v24 =	vor.u32 $0x3, v24;
	v42 =	vor.u32 $0x1, v22;
	v62 =	vld.idx.msk [tilespmem:v37+s26+$0x0], $0xffff;
	[tilespmem:s0+$0xFFFFF800] =	vst v28  }
0x264: {  	s31 =	simm.s32 $0x80;
	v41 =	vor.u32 $0x2, v21;
	v23 =	vor.u32 $0x3, v33;
	v40 =	vld.idx.msk [tilespmem:v38+s26+$0x0], $0xffff;
	[tilespmem:s1+$0x810] =	vst v29;
	v29 =	vmov s5  }
0x265: {  	v31 =	vld.idx.msk [tilespmem:v27+s26+$0x0], $0xffff;
	[tilespmem:s1+$0x0] =	vst v25;
	v25 =	vor.u32 $0x3, v26;
	v26 =	vmov s31;
	v29 =	vshll.u32 v29, $0x2  }
0x266: {  	v27 =	vor.u32 $0x2, v33;
	v33 =	vld.idx.msk [tilespmem:v30+s26+$0x0], $0xffff;
	v26 =	vshll.u32 v26, $0x2;
	v32 =	vor.u32 v20, v29  }
0x267: {  	v36 =	vld.idx.msk [tilespmem:v61+s26+$0x0], $0xffff;
	[tilespmem:s0+$0x10] =	vst v60;
	v39 =	vor.u32 v20, v26  }
0x268: {  	s3 =	simm.s32 $0x3060;
	v30 =	vor.u32 $0x1, v38;
	[tilespmem:s2+$0xFFFFF810] =	vst v62;
	v34 =	vld.idx.msk [tilespmem:v24+s26+$0x0], $0xffff  }
0x269: {  	[tilespmem:s3+$0xFFFFF010] =	vst v63;
	v28 =	vor.u32 $0x2, v38;
	v24 =	vor.u32 $0x3, v38;
	v35 =	vld.idx.msk [tilespmem:v41+s26+$0x0], $0xffff  }
0x26a: {  	s6 =	simm.s32 $0xA0;
	s5 =	simm.s32 $0x8;
	v37 =	vor.u32 $0x1, v39;
	v26 =	vor.u32 $0x3, v39;
	[tilespmem:s3+$0xFFFFF000] =	vst v40;
	v38 =	vld.idx.msk [tilespmem:v42+s26+$0x0], $0xffff;
	v29 =	vor.u32 $0x2, v39  }
.LBB2_25:
0x26b: {  	v40 =	vmov s6;
	s7 =	sadd.s32 $0x10, s6;
	s5 =	sadd.s32 $0x2, s5;
	v41 =	vld.idx.msk [tilespmem:v32+s26+$0x0], $0xffff;
	[tilespmem:s2+$0xFFFFF800] =	vst v31;
	v42 =	vor.u32 $0x3, v21;
	v21 =	vmovc v22;
	v22 =	vmov v32  }
0x26c: {  	v31 =	vmov s7;
	p0 =	slt.u32 s5, $0x7E;
	v43 =	vld.idx.msk [tilespmem:v39+s26+$0x0], $0xffff;
	v44 =	vor.u32 $0x2, v21;
	[tilespmem:s0+$0x0] =	vst v33  }
0x26d: {  	v32 =	vshll.u32 v40, $0x2;
	v40 =	vor.u32 $0x1, v22;
	v33 =	vshll.u32 v31, $0x2;
	v31 =	vld.idx.msk [tilespmem:v30+s26+$0x0], $0xffff;
	[tilespmem:s1+$0x800] =	vst v36;
	v30 =	vmovc v37;
	s1 =	smov.u32 s0;
	s0 =	smov.u32 s2;
	s2 =	smov.u32 s3  }
.Ltmp11:
0x26e: {  	v39 =	vor.u32 v20, v32;
	v32 =	vor.u32 v20, v33;
	v33 =	vld.idx.msk [tilespmem:v27+s26+$0x0], $0xffff;
	[tilespmem:s1+$0x810] =	vst v34;
	v27 =	vmov v28;
	(pc) =	sbr.rel @p0 .LBB2_25-.Ltmp11, $4  }
0x26f: {  	v37 =	vor.u32 $0x1, v39;
	v45 =	vor.u32 $0x3, v39;
	v28 =	vmovc v29;
	v29 =	vor.u32 $0x2, v39;
	[tilespmem:s0+$0x10] =	vst v35;
	v36 =	vld.idx.msk [tilespmem:v25+s26+$0x0], $0xffff;
	v25 =	vmovc v23  }
0x270: {  	s3 =	sadd.s32 $0x20, s3;
	v23 =	vmov v24;
	v24 =	vmov v26;
	v26 =	vmov v45;
	[tilespmem:s2+$0xFFFFF810] =	vst v38;
	v34 =	vld.idx.msk [tilespmem:v42+s26+$0x0], $0xffff  }
0x271: {  	[tilespmem:s3+$0xFFFFF010] =	vst v41;
	v35 =	vld.idx.msk [tilespmem:v44+s26+$0x0], $0xffff  }
0x272: {  	s6 =	sadd.s32 $0x20, s6;
	[tilespmem:s3+$0xFFFFF000] =	vst v43;
	v38 =	vld.idx.msk [tilespmem:v40+s26+$0x0], $0xffff  }
0x273: {  	_ =	sdelay $0x3  }
0x274: {  	v20 =	vld.idx.msk [tilespmem:v32+s26+$0x0], $0xffff  }
0x275: {  	v39 =	vld.idx.msk [tilespmem:v39+s26+$0x0], $0xffff;
	v40 =	vor.u32 $0x1, v32  }
0x276: {  	[tilespmem:s2+$0xFFFFF800] =	vst v31  }
0x277: {  	[tilespmem:s0+$0x0] =	vst v33  }
0x278: {  	s16 =	sadd.s32 $0x20, s3;
	[tilespmem:s1+$0x800] =	vst v36  }
0x279: {  	v57 =	vor.u32 $0x2, v22;
	v30 =	vld.idx.msk [tilespmem:v30+s26+$0x0], $0xffff;
	[tilespmem:s16+$0xFFFFF010] =	vst v20  }
0x27a: {  	[tilespmem:s16+$0xFFFFF000] =	vst v39;
	v20 =	vld.idx.msk [tilespmem:v40+s26+$0x0], $0xffff  }
0x27b: {  	v58 =	vor.u32 $0x2, v32;
	[tilespmem:s0+$0x810] =	vst v34;
	v59 =	vld.idx.msk [tilespmem:v37+s26+$0x0], $0xffff  }
0x27c: {  	v27 =	vld.idx.msk [tilespmem:v27+s26+$0x0], $0xffff;
	[tilespmem:s2+$0x10] =	vst v35  }
0x27d: {  	v21 =	vor.u32 $0x3, v21;
	v25 =	vld.idx.msk [tilespmem:v25+s26+$0x0], $0xffff;
	[tilespmem:s3+$0xFFFFF810] =	vst v38  }
0x27e: {  	v31 =	vld.idx.msk [tilespmem:v57+s26+$0x0], $0xffff;
	[tilespmem:s3+$0xFFFFF800] =	vst v30  }
0x27f: {  	v60 =	vor.u32 $0x3, v22;
	v28 =	vld.idx.msk [tilespmem:v28+s26+$0x0], $0xffff;
	[tilespmem:s16+$0xFFFFF810] =	vst v20  }
0x280: {  	[tilespmem:s16+$0xFFFFF800] =	vst v59;
	v20 =	vld.idx.msk [tilespmem:v58+s26+$0x0], $0xffff  }
0x281: {  	v61 =	vor.u32 $0x3, v32;
	[tilespmem:s2+$0x0] =	vst v27;
	v29 =	vld.idx.msk [tilespmem:v29+s26+$0x0], $0xffff  }
0x282: {  	v21 =	vld.idx.msk [tilespmem:v21+s26+$0x0], $0xffff;
	[tilespmem:s0+$0x800] =	vst v25  }
0x283: {  	v23 =	vld.idx.msk [tilespmem:v23+s26+$0x0], $0xffff;
	[tilespmem:s3+$0x10] =	vst v31  }
0x284: {  	v22 =	vld.idx.msk [tilespmem:v60+s26+$0x0], $0xffff;
	[tilespmem:s3+$0x0] =	vst v28  }
0x285: {  	[tilespmem:s16+$0x10] =	vst v20;
	v20 =	vld.idx.msk [tilespmem:v24+s26+$0x0], $0xffff  }
0x286: {  	[tilespmem:s16+$0x0] =	vst v29;
	v62 =	vld.idx.msk [tilespmem:v61+s26+$0x0], $0xffff  }
0x287: {  	[tilespmem:s2+$0x810] =	vst v21;
	v63 =	vld.idx.msk [tilespmem:v26+s26+$0x0], $0xffff  }
0x288: {  	[tilespmem:s2+$0x800] =	vst v23  }
0x289: {  	[tilespmem:s3+$0x810] =	vst v22  }
0x28a: {  	[tilespmem:s3+$0x800] =	vst v20  }
0x28b: {  	[tilespmem:s16+$0x810] =	vst v62  }
0x28c: {  	[tilespmem:s16+$0x800] =	vst v63  }
0x28d: {  	s2 =	rddreg [dreg:$0x3]  }
0x28e: {  	s17 =	simm.s32 $0x0;
	s0 =	rddreg [dreg:$0xb]  }
0x28f: {  	s18 =	simm.s32 $0x2000;
	s19 =	simm.s32 $0x4;
	s0 =	sadd.s32 s2, s0  }
0x290: {  	[hbm4b:s0+s17] =	stream.linear.scatter [tilespmem:s18], [sflag:$0x4], $0x800, $0x38;
	[tilespmem:$0x15000] =	vst v63  }
0x291: {  	_ =	swait.ge [sflag:s19], $0x800  }
0x292: {  	[sflag:s19] =	ssyncset.done $0x0;
	s20 =	rddreg [dreg:$0xa]  }
0x293: {  	s5 =	simm.s32 $0x2800;
	[sflag:s19] =	ssyncadd.s32 $0xFFFFF800;
	s0 =	sadd.s32 s2, s20  }
0x294: {  	[hbm4b:s0+s17] =	stream.linear.scatter [tilespmem:s5], [sflag:$0x4], $0x800, $0x38;
	[tilespmem:$0x15000] =	vst v63  }
0x295: {  	_ =	swait.ge [sflag:s19], $0x800  }
0x296: {  	[sflag:s19] =	ssyncset.done $0x0;
	s21 =	rddreg [dreg:$0x9]  }
0x297: {  	s22 =	simm.s32 $0x3000;
	[sflag:s19] =	ssyncadd.s32 $0xFFFFF800;
	s0 =	sadd.s32 s2, s21  }
0x298: {  	[hbm4b:s0+s17] =	stream.linear.scatter [tilespmem:s22], [sflag:$0x4], $0x800, $0x38;
	[tilespmem:$0x15000] =	vst v63  }
0x299: {  	_ =	swait.ge [sflag:s19], $0x800  }
0x29a: {  	[sflag:s19] =	ssyncset.done $0x0;
	s29 =	rddreg [dreg:$0x8]  }
0x29b: {  	s30 =	simm.s32 $0x3800;
	[sflag:s19] =	ssyncadd.s32 $0xFFFFF800;
	s0 =	sadd.s32 s2, s29  }
0x29c: {  	[hbm4b:s0+s17] =	stream.linear.scatter [tilespmem:s30], [sflag:$0x4], $0x800, $0x38;
	[tilespmem:$0x15000] =	vst v63  }
0x29d: {  	_ =	swait.ge [sflag:s19], $0x800  }
0x29e: {  	s31 =	rddreg [dreg:$0x7]  }
0x29f: {  	s0 =	sadd.s32 $0x1, s31  }
0x2a0: {  	p0 =	sne.s32 s0, $0x20  }
.Ltmp12:
0x2a1: {  	_ = 	snop;
	(pc) =	sbr.rel @p0 .LBB2_2-.Ltmp12, $3  }
0x2a2: {  	_ =	sdelay $0x1  }
0x2a3: {  	[sflag:s19] =	ssyncset.done $0x0  }
0x2a4: {  	[sflag:s19] =	ssyncadd.s32 $0xFFFFF800  }
0x2a5: {  	s1 =	rddreg [dreg:$0x6]  }
0x2a6: {  	s0 =	rddreg [dreg:$0x5];
	s1 =	sadd.s32 $0x1, s1  }
0x2a7: {  	p0 =	sne.s32 s1, s0  }
.Ltmp13:
0x2a8: {  	_ = 	snop;
	(pc) =	sbr.rel @p0 .LBB2_1-.Ltmp13, $1  }
0x2a9: {  	_ =	sdelay $0x3  }
0x2aa: {  	_ =	sfence.sel $0x180000  }
0x2ab: {  	[bflag:$0x0] =	sbarrier.arrive $0xFFFF  }
0x2ac: {  	_ =	strace $0x9000004A  }
0x2ad: {  	s0 =	stileid.u32;
	[bflag:$0x2] =	sbarrier.arrive $0xFFFF  }
0x2ae: {  	p0 =	sne.s32 s0, $0x0;
	s0 =	rddreg [dreg:$0x2]  }
0x2af: {  	s0 =	sadd.s32 @!p0 $0x100000, s0  }
0x2b0: {  	[sflag:s0] =	ssyncadd.tile.s32 @!p0 $0x1;
	_ =	shalt  }
.Lfunc_end2:
_tile_overlayer_lowered:
.L_overlay_start_2:
0x2b1: {  	(tag) =	ssettag $0x2  }
0x2b2: {  	s0 =	rddreg [dreg:$0x0];
	s2 =	stileid.u32  }
0x2b3: {  	s1 =	rddreg [dreg:$0x1];
	p0 =	sne.s32 s2, $0x0  }
0x2b4: {  	s3 =	rddreg [dreg:$0x2];
	[bflag:$0x3] =	sbarrier.arrive $0xFFFF;
	s2 =	simm.s32 @!p0 $0x1C04  }
0x2b5: {  	[timem:s3], [sflag:s2] =	dma.local @!p0 [hbm:s0], s1  }
0x2b6: {  	s0 =	simm.s32 @!p0 $0x4  }
0x2b7: {  	_ =	swait.ge @!p0 [sflag:s0], s1  }
0x2b8: {  	s1 =	ssub.s32 @!p0 $0x0, s1;
	[sflag:s0] =	ssyncset.done @!p0 $0x0  }
0x2b9: {  	[sflag:s0] =	ssyncadd.s32 @!p0 s1  }
0x2ba: {  	[bflag:$0x3] =	sbarrier.arrive $0xFFFF  }
0x2bb: {  	_ =	shalt  }

// kernel: sparse-core-data-format-call.cloned.1.call-start
scs
called_computation_lowered:
.L_overlay_start_0:
0x0: {  	s2 =	sld [smem:$0x3FD9]  }
0x1: {  	s3 =	sld [smem:$0x3FFE];
	_ =	sdelay $0x1  }
0x2: {  	s1 =	srdreg.scid  }
0x3: {  	s0 =	sand.u32 $0x1, s1  }
0x4: {  	s19 =	sshll.u32 s0, $0xA;
	s2 =	sadd.s32 s3, s2  }
0x5: {  	s2 =	sadd.s32 s2, s19  }
0x6: {  	[smem:$0x3FC6] =	sst s2  }
0x7: {  	_ = 	snop  }
0x8: {  	s2 =	sld [smem:$0x3FC9]  }
0x9: {  	s20 =	sld [smem:$0x3FD0];
	(tm) =	ssettm $0x1  }
0xa: {  	s4 =	sld [smem:$0x3FFB];
	_ =	sdelay $0x3  }
0xb: {  	_ =	strace s4  }
0xc: {  	s4 =	sld [smem:$0x3FFC];
	_ =	sdelay $0x3  }
0xd: {  	_ =	strace s4  }
0xe: {  	s4 =	sld [smem:$0x3FFD];
	_ =	sdelay $0x3  }
0xf: {  	_ =	strace s4  }
0x10: {  	_ =	strace $0x8FFFFFFF  }
0x11: {  	s21 =	sld [smem:$0x3FDB];
	_ =	sdelay $0x1  }
0x12: {  	s5 =	simm.s32 $_scs_section_size  }
0x13: {  	s6 =	simm.s32 $_size__tile_overlayer_lowered;
	s7 =	simm.s32 $_tile_overlayer_lowered  }
0x14: {  	s24 =	simm.s32 $0x1BFF;
	s23 =	sshll.u32 s7, $0x1;
	s4 =	sadd.s32 s5, s21  }
0x15: {  	s8 =	simm.s32 $0x0;
	s22 =	sshll.u32 s6, $0x1;
	s6 =	sadd.s32 s23, s4  }
0x16: {  	[timem:s8], [sflag:s24] =	dma.local [hbm:s6], s22  }
0x17: {  	_ =	swait.ge [sflag:s24], s22  }
0x18: {  	s5 =	ssub.s32 $0x0, s22;
	[sflag:s24] =	ssyncset.done $0x0  }
0x19: {  	[sflag:s24] =	ssyncadd.s32 s5;
	_ =	sdelay $0x1  }
0x1a: {  	s25 =	simm.s32 $0x1B8B  }
0x1b: {  	_ =	swait.ge [sflag:s25], $0x1  }
0x1c: {  	[sflag:s25] =	ssyncset.done $0x0  }
0x1d: {  	s26 =	simm.s32 $0x1B8E;
	[sflag:s25] =	ssyncadd.s32 $0xFFFFFFFF  }
0x1e: {  	s27 =	simm.s32 $execute0_lowered;
	[smem:$0x3FD2] =	sst s26  }
0x1f: {  	s5 =	sshll.u32 s27, $0x1;
	_ =	strace $0x80000046;
	[dreg:$0x1] =	wrdreg $0xFFFFFFFF  }
0x20: {  	s28 =	simm.s32 $_size_execute0_lowered;
	s4 =	sadd.s32 s4, s5;
	[dreg:$0x0] =	wrdreg $0x0  }
0x21: {  	s5 =	sshll.u32 s28, $0x1;
	[dreg:$0x2] =	wrdreg s4  }
0x22: {  	[dreg:$0x3] =	wrdreg s5  }
0x23: {  	[dreg:$0x4] =	wrdreg $0xC0  }
0x24: {  	_ =	task [dreg:s8], $0x5FFFF  }
0x25: {  	[dreg:$0x1] =	wrdreg $0xFFFFFFFF  }
0x26: {  	[dreg:$0x0] =	wrdreg $0x60  }
0x27: {  	[dreg:$0x2] =	wrdreg s2  }
0x28: {  	[dreg:$0x3] =	wrdreg s20  }
0x29: {  	[dreg:$0x4] =	wrdreg $0x9  }
0x2a: {  	_ =	task.clear_ibuf [dreg:s8], $0x5FFFF;
	_ =	strace $0x90000046  }
0x2b: {  	s29 =	simm.s32 $0x9;
	_ =	strace $0x80000048  }
0x2c: {  	_ =	swait.ge [sflag:s29], $0x1  }
0x2d: {  	[sflag:s29] =	ssyncadd.s32 $0xFFFFFFFF  }
0x2e: {  	_ =	strace $0x90000048  }
0x2f: {  	_ =	sfence  }
0x30: {  	s30 =	sld [smem:$0x0];
	_ =	sdelay $0x2  }
0x31: {  	s31 =	sshll.u32 s1, $0xD;
	s1 =	sshrl.u32 s1, $0x2  }
0x32: {  	s3 =	sand.u32 $0x4000, s31;
	s1 =	sadd.s32 s1, s30  }
0x33: {  	s0 =	sor.u32 s3, s0;
	s1 =	sshll.u32 s1, $0x11  }
0x34: {  	s0 =	sor.u32 s1, s0  }
0x35: {  	s0 =	sadd.s32 $0x8F2B, s0  }
0x36: {  	[sflag:s0] =	ssyncadd.remote.s32 $0x1  }
0x37: {  	_ =	sfence.sel $0xFFFF  }
0x38: {  	[dreg:$0x0] =	wrdreg $0xFFFFFFFF;
	(pc) =	sbr.abs _section_cstart, $3  }
0x39: {  	[dreg:$0x1] =	wrdreg $0xFFFFFFFF  }
0x3a: {  	_ =	task.clear_ibuf [dreg:s8], $0x2FFFF;
	_ =	strace $0x9FFFFFFF  }
0x3b: {  	(tm) =	ssettm $0x7FFFFFFF  }
tec
execute0_lowered:
.L_overlay_start_1:
0x0: {  	(tag) =	ssettag $0x1  }
0x1: {  	s0 =	srdreg.scid  }
0x2: {  	s1 =	sshll.u32 s0, $0x4  }
0x3: {  	s2 =	rddreg [dreg:$0x0];
	s0 =	stileid.u32;
	s1 =	sand.u32 $0x10, s1  }
0x4: {  	s4 =	rddreg [dreg:$0x1];
	s1 =	sor.u32 s0, s1  }
0x5: {  	s7 =	simm.s32 $0x1;
	s8 =	simm.s32 $0x2;
	s3 =	sshll.u32 s1, $0x2  }
0x6: {  	s9 =	simm.s32 $0x0;
	s12 =	simm.s32 $0x0;
	s6 =	ssub.s32 $0x800, s3  }
.Ltmp0:
0x7: {  	s11 =	simm.s32 $0x0;
	s5 =	sand.u32 $0x7C, s6;
	(pc) =	sbr.rel .LBB1_1-.Ltmp0, $4  }
0x8: {  	s1 =	rddreg [dreg:$0x2];
	_ =	strace $0x80000047;
	p0 =	sne.s32 s5, $0x0  }
0x9: {  	s6 =	sshrl.u32 s6, $0x7;
	s5 =	simm.s32 $0x1;
	s7 =	simm.s32 @!p0 $0x0  }
0xa: {  	s10 =	smov.u32 s3;
	[sflag:s5] =	ssyncpa.u1 $0x0;
	s6 =	sadd.s32 s7, s6  }
0xb: {  	[sflag:s8] =	ssyncpa.u1 $0x0;
	s8 =	simm.s32 $0x0;
	s7 =	sadd.s32 $0x1, s6  }
.LBB1_9:
0xc: {  	s14 =	sadd.s32 $0x80, s10  }
0xd: {  	p1 =	sgt.s32 s14, $0x7FF  }
0xe: {  	s14 =	smov.u32 @p1 s3;
	p1 =	sne.s32 s11, s7  }
.Ltmp1:
0xf: {  	p0 =	slt.u32 s11, $0x2;
	(pc) =	sbr.rel @!p1 .LBB1_10-.Ltmp1, $4  }
0x10: {  	s13 =	simm.s32 @!p0 $0x2  }
0x11: {  	s15 =	sadd.s32 $0x1, s11;
	_ =	swait.ge @!p0 [sflag:s13], $0x4000  }
0x12: {  	s12 =	smov.u32 s10;
	s9 =	sadd.s32 $0x4000, s9;
	[sflag:s13] =	ssyncset.done @!p0 $0x0  }
0x13: {  	s11 =	smov.u32 s15;
	s10 =	smov.u32 s14;
	[sflag:s13] =	ssyncadd.s32 @!p0 $0xFFFFC000  }
.LBB1_1:
0x14: {  	p0 =	sge.u32 s11, s6  }
0x15: {  	s13 =	sxor.u32 @!p0 $0xFFFFFFFF, s11  }
0x16: {  	s31 =	sadd.s32 $0xFFFFFFFF, s11;
	s14 =	sshll.u32 @!p0 s10, $0x9;
	s13 =	sshll.u32 @!p0 s13, $0xE  }
0x17: {  	s15 =	simm.s32 @!p0 $0x0;
	s14 =	sadd.s32 @!p0 s2, s14;
	s13 =	sand.u32 @!p0 $0x4000, s13  }
0x18: {  	[tilespmem:s13], [sflag:$0x1] =	stream.linear.gather @!p0 [hbm4b:s14+s15], $0x4000, $0x38;
	[tilespmem:$0x10000] =	vst v63  }
0x19: {  	p0 =	sge.u32 s31, s6  }
.Ltmp2:
0x1a: {  	_ = 	snop;
	(pc) =	sbr.rel @p0 .LBB1_9-.Ltmp2, $1  }
0x1b: {  	_ =	sdelay $0x3  }
0x1c: {  	s14 =	sand.u32 $0x4000, s9  }
0x1d: {  	_ =	swait.ge [sflag:s5], $0x4000;
	s15 =	sshll.u32 s11, $0xE;
	s16 =	simm.s32 $0x0  }
0x1e: {  	s13 =	sor.u32 $0x40, s14;
	[sflag:s5] =	ssyncset.done $0x0;
	s15 =	sand.u32 $0x4000, s15  }
0x1f: {  	s14 =	sor.u32 $0x8040, s14;
	[sflag:s5] =	ssyncadd.s32 $0xFFFFC000;
	s15 =	sor.u32 $0x8000, s15  }
.LBB1_3:
0x20: {  	s17 =	smov.u32 s14;
	s18 =	smov.u32 s13;
	s19 =	simm.s32 $0x0  }
.LBB1_4:
0x21: {  	v0 =	vmov s17;
	v2 =	vld [tilespmem:s18+$0x30]  }
0x22: {  	v4 =	vld [tilespmem:s18+$0xFFFFFFD0]  }
0x23: {  	v6 =	vld [tilespmem:s18+$0xFFFFFFE0]  }
0x24: {  	v7 =	vld [tilespmem:s18+$0xFFFFFFF0]  }
0x25: {  	s20 =	simm.s32 $0x0;
	v1 =	vld [tilespmem:s18+$0x0]  }
0x26: {  	v3 =	vld [tilespmem:s18+$0x10];
	[tilespmem:v0+s20+$0x30 ss:$0x1] =	vst.idx.msk $0xffff, v2  }
0x27: {  	v5 =	vld [tilespmem:s18+$0x20];
	[tilespmem:v0+s20+$0xFFFFFFD0 ss:$0x1] =	vst.idx.msk $0xffff, v4  }
0x28: {  	s21 =	sadd.s32 $0x80, s18;
	v2 =	vld [tilespmem:s18+$0xFFFFFFC0];
	[tilespmem:v0+s20+$0xFFFFFFE0 ss:$0x1] =	vst.idx.msk $0xffff, v6  }
0x29: {  	s22 =	simm.s32 $0x800;
	s23 =	simm.s32 $0x1000;
	v4 =	vld [tilespmem:s21+$0x30];
	[tilespmem:v0+s20+$0xFFFFFFF0 ss:$0x1] =	vst.idx.msk $0xffff, v7  }
.LBB1_5:
0x2a: {  	p0 =	sne.s32 s23, $0x3800;
	v6 =	vld [tilespmem:s21+$0xFFFFFFD0];
	[tilespmem:v0+s20+$0x0 ss:$0x1] =	vst.idx.msk $0xffff, v1  }
0x2b: {  	v7 =	vld [tilespmem:s21+$0xFFFFFFE0];
	[tilespmem:v0+s20+$0x10 ss:$0x1] =	vst.idx.msk $0xffff, v3  }
0x2c: {  	v8 =	vld [tilespmem:s21+$0xFFFFFFF0];
	[tilespmem:v0+s20+$0x20 ss:$0x1] =	vst.idx.msk $0xffff, v5  }
.Ltmp3:
0x2d: {  	v1 =	vld [tilespmem:s21+$0x0];
	[tilespmem:v0+s20+$0xFFFFFFC0 ss:$0x1] =	vst.idx.msk $0xffff, v2;
	s20 =	sshra.s32 s22, $0x2;
	s22 =	smov.u32 s23;
	(pc) =	sbr.rel @p0 .LBB1_5-.Ltmp3, $4  }
0x2e: {  	v3 =	vld [tilespmem:s21+$0x10];
	[tilespmem:v0+s20+$0x30 ss:$0x1] =	vst.idx.msk $0xffff, v4  }
0x2f: {  	[tilespmem:v0+s20+$0xFFFFFFD0 ss:$0x1] =	vst.idx.msk $0xffff, v6;
	v5 =	vld [tilespmem:s21+$0x20]  }
0x30: {  	v2 =	vld [tilespmem:s21+$0xFFFFFFC0];
	[tilespmem:v0+s20+$0xFFFFFFE0 ss:$0x1] =	vst.idx.msk $0xffff, v7;
	s21 =	sadd.s32 $0x80, s21  }
0x31: {  	s23 =	sadd.s32 $0x800, s23;
	v4 =	vld [tilespmem:s21+$0x30];
	[tilespmem:v0+s20+$0xFFFFFFF0 ss:$0x1] =	vst.idx.msk $0xffff, v8  }
0x32: {  	_ =	sdelay $0x3  }
0x33: {  	v6 =	vld [tilespmem:s21+$0xFFFFFFD0];
	[tilespmem:v0+s20+$0x0 ss:$0x1] =	vst.idx.msk $0xffff, v1  }
0x34: {  	v58 =	vld [tilespmem:s21+$0xFFFFFFE0];
	[tilespmem:v0+s20+$0x10 ss:$0x1] =	vst.idx.msk $0xffff, v3  }
0x35: {  	v59 =	vld [tilespmem:s21+$0xFFFFFFF0];
	[tilespmem:v0+s20+$0x20 ss:$0x1] =	vst.idx.msk $0xffff, v5  }
0x36: {  	s22 =	sshra.s32 s22, $0x2;
	v60 =	vld [tilespmem:s21+$0x0];
	[tilespmem:v0+s20+$0xFFFFFFC0 ss:$0x1] =	vst.idx.msk $0xffff, v2  }
0x37: {  	v61 =	vld [tilespmem:s21+$0x10];
	[tilespmem:v0+s22+$0x30 ss:$0x1] =	vst.idx.msk $0xffff, v4  }
0x38: {  	v62 =	vld [tilespmem:s21+$0x20];
	s19 =	sadd.s32 $0x1, s19;
	[tilespmem:v0+s22+$0xFFFFFFD0 ss:$0x1] =	vst.idx.msk $0xffff, v6  }
0x39: {  	v63 =	vld [tilespmem:s21+$0xFFFFFFC0];
	p0 =	sne.s32 s19, $0x4;
	[tilespmem:v0+s22+$0xFFFFFFE0 ss:$0x1] =	vst.idx.msk $0xffff, v58  }
.Ltmp4:
0x3a: {  	[tilespmem:v0+s22+$0xFFFFFFF0 ss:$0x1] =	vst.idx.msk $0xffff, v59;
	(pc) =	sbr.rel @p0 .LBB1_4-.Ltmp4, $4  }
0x3b: {  	[tilespmem:v0+s22+$0x0 ss:$0x1] =	vst.idx.msk $0xffff, v60  }
0x3c: {  	[tilespmem:v0+s22+$0x10 ss:$0x1] =	vst.idx.msk $0xffff, v61  }
0x3d: {  	[tilespmem:v0+s22+$0x20 ss:$0x1] =	vst.idx.msk $0xffff, v62  }
0x3e: {  	s18 =	sadd.s32 $0x400, s18;
	s17 =	sadd.s32 $0x80, s17;
	[tilespmem:v0+s22+$0xFFFFFFC0 ss:$0x1] =	vst.idx.msk $0xffff, v63  }
0x3f: {  	s16 =	sadd.s32 $0x1, s16  }
0x40: {  	p0 =	sne.s32 s16, $0x4  }
.Ltmp5:
0x41: {  	_ = 	snop;
	(pc) =	sbr.rel @p0 .LBB1_3-.Ltmp5, $2  }
0x42: {  	_ =	sdelay $0x2  }
0x43: {  	s13 =	sadd.s32 $0x1000, s13;
	s14 =	sadd.s32 $0x1000, s14  }
.Ltmp6:
0x44: {  	(pc) =	sbr.rel .LBB1_9-.Ltmp6, $4  }
0x45: {  	_ = 	snop  }
0x46: {  	s12 =	sshll.u32 s12, $0x9  }
0x47: {  	s12 =	sadd.s32 s4, s12  }
0x48: {  	[hbm4b:s12+s8] =	stream.linear.scatter [tilespmem:s15], [sflag:$0x2], $0x4000, $0x38;
	[tilespmem:$0x10000] =	vst v63  }
.LBB1_10:
0x49: {  	_ =	sfence.sel $0x180000  }
0x4a: {  	s2 =	simm.s32 $0x1;
	[bflag:$0x0] =	sbarrier.arrive $0xFFFF  }
0x4b: {  	s31 =	simm.s32 $0x2;
	[sflag:s2] =	ssyncpa.u1 $0x1  }
0x4c: {  	[sflag:s31] =	ssyncpa.u1 $0x1  }
0x4d: {  	p0 =	sne.s32 s0, $0x0;
	_ =	strace $0x90000047  }
0x4e: {  	s0 =	sadd.s32 @!p0 $0x100000, s1;
	[bflag:$0x2] =	sbarrier.arrive $0xFFFF  }
0x4f: {  	[sflag:s0] =	ssyncadd.tile.s32 @!p0 $0x1;
	_ =	shalt  }
.Lfunc_end1:
_tile_overlayer_lowered:
.L_overlay_start_2:
0x50: {  	(tag) =	ssettag $0x2  }
0x51: {  	s0 =	rddreg [dreg:$0x0];
	s2 =	stileid.u32  }
0x52: {  	s1 =	rddreg [dreg:$0x1];
	p0 =	sne.s32 s2, $0x0  }
0x53: {  	s3 =	rddreg [dreg:$0x2];
	[bflag:$0x3] =	sbarrier.arrive $0xFFFF;
	s2 =	simm.s32 @!p0 $0x1C01  }
0x54: {  	[timem:s3], [sflag:s2] =	dma.local @!p0 [hbm:s0], s1  }
0x55: {  	s0 =	simm.s32 @!p0 $0x1  }
0x56: {  	_ =	swait.ge @!p0 [sflag:s0], s1  }
0x57: {  	s1 =	ssub.s32 @!p0 $0x0, s1;
	[sflag:s0] =	ssyncset.done @!p0 $0x0  }
0x58: {  	[sflag:s0] =	ssyncadd.s32 @!p0 s1  }
0x59: {  	[bflag:$0x3] =	sbarrier.arrive $0xFFFF  }
0x5a: {  	_ =	shalt  }

</sc_bundles>
